<compile_context>
chip_gen: v7x
topology: tpu7x:2x2x1
jax: 0.10.2.dev20260603
libtpu: 0.0.44.dev20260713+nightly
codegen_flags: <defaults>
</compile_context>

<pallas_src>
import jax
import jax.numpy as jnp
from jax import lax
from jax.experimental import pallas as pl
from jax.experimental.pallas import tpu as pltpu
from jax.experimental.pallas import tpu_sc as plsc

NC, NS, L = 2, 16, 16
NW = NC * NS
ROWS, COLS = 16384, 50
B = ROWS * COLS
H = 64
PER_W = B // NW
CHUNK = 6400
NCHUNK = PER_W // CHUNK
SUB = 128
SUB_SHIFT = 7
VPC = CHUNK // L
GSZ = 250000
CAP = CHUNK + SUB
NSR = CAP // SUB


def _body(idx_hbm, w0, w1, w2, w3, out_hbm,
          idxbuf, bigidx, bigpos,
          rows0, rows1, rows2, rows3,
          gsem0, gsem1, gsem2, gsem3, ssem0, ssem1, ssem2, ssem3):
    tables = (w0, w1, w2, w3)
    rowbufs = (rows0, rows1, rows2, rows3)
    gsems = (gsem0, gsem1, gsem2, gsem3)
    ssems = (ssem0, ssem1, ssem2, ssem3)
    wid = lax.axis_index("s") * NC + lax.axis_index("c")
    iota = lax.iota(jnp.int32, L)

    def chunk_body(c, _):
        off = wid * PER_W + c * CHUNK
        pltpu.sync_copy(idx_hbm.at[pl.ds(off, CHUNK)], idxbuf)

        def compact(j, cur):
            v = idxbuf[pl.ds(j * L, L)]
            g = (jnp.where(v >= GSZ, 1, 0) + jnp.where(v >= 2 * GSZ, 1, 0)
                 + jnp.where(v >= 3 * GSZ, 1, 0))
            local = v - g * GSZ
            pos = off + j * L + iota
            g8 = g * 8
            w = lax.shift_left(jnp.full((L,), 1, jnp.int32), g8)
            pref = plsc.cumsum(w)
            prefsel = jnp.bitwise_and(lax.shift_right_logical(pref, g8), 255)
            ctsel = jnp.where(g == 0, cur[0],
                              jnp.where(g == 1, cur[1],
                                        jnp.where(g == 2, cur[2], cur[3])))
            dest = g * CAP + ctsel + prefsel - 1
            dr = lax.shift_right_logical(dest, SUB_SHIFT)
            dc = jnp.bitwise_and(dest, SUB - 1)
            plsc.store_scatter(bigidx, [dr, dc], local)
            plsc.store_scatter(bigpos, [dr, dc], pos)
            tot = jnp.sum(w)
            return tuple(
                cur[t] + jnp.bitwise_and(
                    lax.shift_right_logical(tot, 8 * t), 255)
                for t in range(4))

        counts = lax.fori_loop(0, VPC, compact, (jnp.int32(0),) * 4)

        msubs = []
        for t in range(4):
            nt = counts[t]
            base = t * CAP
            full = jnp.bitwise_and(nt + (SUB - 1), jnp.int32(-SUB))
            lastsel = base + jnp.maximum(nt - 1, 0) + jnp.zeros((L,), jnp.int32)
            lsr = lax.shift_right_logical(lastsel, SUB_SHIFT)
            lsc = jnp.bitwise_and(lastsel, SUB - 1)
            lastv = plsc.load_gather(bigidx, [lsr, lsc])
            lastp = plsc.load_gather(bigpos, [lsr, lsc])
            for jj in range(SUB // L):
                lanes = base + nt + jj * L + iota
                lr = lax.shift_right_logical(lanes, SUB_SHIFT)
                lc = jnp.bitwise_and(lanes, SUB - 1)
                plsc.store_scatter(bigidx, [lr, lc], lastv)
                plsc.store_scatter(bigpos, [lr, lc], lastp)
            msubs.append(lax.shift_right_logical(full, SUB_SHIFT))

        cum1 = msubs[0]
        cum2 = cum1 + msubs[1]
        cum3 = cum2 + msubs[2]
        stot = cum3 + msubs[3]

        def slot_desc(i):
            d1 = i >= cum1
            d2 = i >= cum2
            d3 = i >= cum3
            t = (jnp.where(d1, 1, 0) + jnp.where(d2, 1, 0)
                 + jnp.where(d3, 1, 0))
            kk = i - jnp.where(d3, cum3,
                               jnp.where(d2, cum2, jnp.where(d1, cum1, 0)))
            return t, kk

        def ring_body(i4, carry):
            t1, k1, t2, k2, t3, k3 = carry
            for b in range(4):
                i = 4 * i4 + b
                pb3 = (b - 3) % 4
                ti, ki = slot_desc(i)

                @pl.when(i < stot)
                def _():
                    @pl.when(i >= 4)
                    def _():
                        pltpu.make_async_copy(
                            rowbufs[b], out_hbm.at[bigpos.at[0]], ssems[b]
                        ).wait()

                    gi = ti * NSR + ki
                    for tt in range(4):
                        @pl.when(ti == tt)
                        def _():
                            pltpu.async_copy(
                                tables[tt].at[bigidx.at[gi]],
                                rowbufs[b], gsems[b],
                            )

                    @pl.when(i >= 3)
                    def _():
                        pltpu.make_async_copy(
                            tables[0].at[bigidx.at[0]], rowbufs[pb3],
                            gsems[pb3],
                        ).wait()
                        pltpu.async_copy(
                            rowbufs[pb3],
                            out_hbm.at[bigpos.at[t3 * NSR + k3]],
                            ssems[pb3],
                        )

                live = i < stot
                t3, k3 = (jnp.where(live, t2, t3), jnp.where(live, k2, k3))
                t2, k2 = (jnp.where(live, t1, t2), jnp.where(live, k1, k2))
                t1, k1 = (jnp.where(live, ti, t1), jnp.where(live, ki, k1))
            return t1, k1, t2, k2, t3, k3

        t1, k1, t2, k2, t3, k3 = lax.fori_loop(
            0, (stot + 3) >> 2, ring_body,
            (jnp.int32(0),) * 6,
        )

        for d, (td, kd) in ((3, (t3, k3)), (2, (t2, k2)), (1, (t1, k1))):
            pd = jnp.bitwise_and(stot - d, 3)
            for b in range(4):
                @pl.when(jnp.logical_and(stot >= d, pd == b))
                def _():
                    pltpu.make_async_copy(
                        tables[0].at[bigidx.at[0]], rowbufs[b], gsems[b]
                    ).wait()
                    pltpu.async_copy(
                        rowbufs[b], out_hbm.at[bigpos.at[td * NSR + kd]],
                        ssems[b],
                    )

        for b in range(4):
            @pl.when(stot > b)
            def _():
                pltpu.make_async_copy(
                    rows0, out_hbm.at[bigpos.at[0]], ssems[b]
                ).wait()
        return 0

    lax.fori_loop(0, NCHUNK, chunk_body, 0)


def kernel(inputs, W0, W1, W2, W3):
    flat = inputs.reshape(-1)
    mesh = plsc.VectorSubcoreMesh(core_axis_name="c", subcore_axis_name="s")
    out = pl.kernel(
        _body,
        out_type=jax.ShapeDtypeStruct((B, H), jnp.float32),
        mesh=mesh,
        compiler_params=pltpu.CompilerParams(
            needs_layout_passes=False, use_tc_tiling_on_sc=False),
        scratch_types=[
            pltpu.VMEM((CHUNK,), jnp.int32),
            pltpu.VMEM((4 * NSR, SUB), jnp.int32),
            pltpu.VMEM((4 * NSR, SUB), jnp.int32),
            pltpu.VMEM((SUB, H), jnp.float32),
            pltpu.VMEM((SUB, H), jnp.float32),
            pltpu.VMEM((SUB, H), jnp.float32),
            pltpu.VMEM((SUB, H), jnp.float32),
            pltpu.SemaphoreType.DMA,
            pltpu.SemaphoreType.DMA,
            pltpu.SemaphoreType.DMA,
            pltpu.SemaphoreType.DMA,
            pltpu.SemaphoreType.DMA,
            pltpu.SemaphoreType.DMA,
            pltpu.SemaphoreType.DMA,
            pltpu.SemaphoreType.DMA,
        ],
    )(flat, W0, W1, W2, W3)
    return out.reshape(ROWS, COLS, H)

# --- scband reference (transcript-rebuilt; emitter-appended) ---
"""Pipeline reference for scband-attention-weights-4423816314979 (READ-ONLY COPY).

The authoritative reference and input builder live on the scoring server;
editing this copy changes nothing except your own understanding.
"""

import jax, jax.numpy as jnp
import numpy as np

LABELS_NUM = 1000000
HIDDEN_SIZE = 64
N_GROUPS = 4
GROUP_SIZES = [LABELS_NUM // N_GROUPS] * N_GROUPS  # 1000000 % 4 == 0
GROUP_OFFSET = np.cumsum([0] + GROUP_SIZES)
STD = (6.0 / (LABELS_NUM + HIDDEN_SIZE)) ** 0.5


def setup_inputs(seed: int = 0) -> dict:
    key = jax.random.key(seed)
    k_idx, *k_ws = jax.random.split(key, 1 + N_GROUPS)
    inputs = jax.random.randint(k_idx, (16384, 50), 0, LABELS_NUM, dtype=jnp.int64 if jax.config.jax_enable_x64 else jnp.int32).astype(jnp.int32)
    d = {"inputs": inputs}
    for i, (kw, sz) in enumerate(zip(k_ws, GROUP_SIZES)):
        d[f"W{i}"] = jax.random.uniform(kw, (sz, HIDDEN_SIZE), dtype=jnp.float32, minval=-STD, maxval=STD)
    return d


def reference(inputs, W0, W1, W2, W3):
    tables = [W0, W1, W2, W3]
    outputs = jnp.zeros(inputs.shape + (HIDDEN_SIZE,), dtype=jnp.float32)
    for i, W in enumerate(tables):
        left = int(GROUP_OFFSET[i])
        right = int(GROUP_OFFSET[i + 1])
        mask = (inputs >= left) & (inputs < right)
        local_idx = jnp.clip(inputs - left, 0, W.shape[0] - 1)
        vals = jnp.take(W, local_idx, axis=0)
        outputs = jnp.where(mask[..., None], vals, outputs)
    return outputs

if __name__ == "__main__":
    import jax
    _d = setup_inputs()
    print(jax.jit(kernel)(*tuple(_d.values())))

</pallas_src>

<mosaic_0001>
#map = affine_map<(d0, d1) -> (0)>
#map1 = affine_map<(d0, d1) -> (0, 0)>
module attributes {stable_mosaic.version = 14 : i64} {
  func.func @_body(%arg0: i32, %arg1: i32, %arg2: memref<819200xi32, #tpu.memory_space<hbm>>, %arg3: memref<250000x64xf32, #tpu.memory_space<hbm>>, %arg4: memref<250000x64xf32, #tpu.memory_space<hbm>>, %arg5: memref<250000x64xf32, #tpu.memory_space<hbm>>, %arg6: memref<250000x64xf32, #tpu.memory_space<hbm>>, %arg7: memref<819200x64xf32, #tpu.memory_space<hbm>>, %arg8: memref<6400xi32, #tpu.memory_space<vmem>>, %arg9: memref<204x128xi32, #tpu.memory_space<vmem>>, %arg10: memref<204x128xi32, #tpu.memory_space<vmem>>, %arg11: memref<128x64xf32, #tpu.memory_space<vmem>>, %arg12: memref<128x64xf32, #tpu.memory_space<vmem>>, %arg13: memref<128x64xf32, #tpu.memory_space<vmem>>, %arg14: memref<128x64xf32, #tpu.memory_space<vmem>>, %arg15: memref<!tpu.dma_semaphore, #tpu.memory_space<semaphore_mem>>, %arg16: memref<!tpu.dma_semaphore, #tpu.memory_space<semaphore_mem>>, %arg17: memref<!tpu.dma_semaphore, #tpu.memory_space<semaphore_mem>>, %arg18: memref<!tpu.dma_semaphore, #tpu.memory_space<semaphore_mem>>, %arg19: memref<!tpu.dma_semaphore, #tpu.memory_space<semaphore_mem>>, %arg20: memref<!tpu.dma_semaphore, #tpu.memory_space<semaphore_mem>>, %arg21: memref<!tpu.dma_semaphore, #tpu.memory_space<semaphore_mem>>, %arg22: memref<!tpu.dma_semaphore, #tpu.memory_space<semaphore_mem>>) attributes {dimension_semantics = [#tpu.dimension_semantics<core_parallel>, #tpu.dimension_semantics<subcore_parallel>], iteration_bounds = array<i64: 2, 16>, scalar_prefetch = 0 : i64, scratch_operands = 15 : i64, tpu.core_type = #tpu.core_type<sc_vector_subcore>, window_params = [{transform_indices = #map}, {transform_indices = #map1}, {transform_indices = #map1}, {transform_indices = #map1}, {transform_indices = #map1}, {transform_indices = #map1}]} {
    %mul3A = arith.constant 2 : i32
    %mul3A_0 = arith.muli %arg1, %mul3A : i32
    %add3A = arith.addi %mul3A_0, %arg0 : i32
    %iota3A = tpu.iota {dimensions = array<i32: 0>} : vector<16xi32>
    %scan3A = arith.constant 0 : i32
    %scan3A_1 = arith.constant 0 : i32
    %scan3A_2 = arith.constant 4 : i32
    %scan3A_3 = arith.addi %scan3A_1, %scan3A_2 : i32
    %scan3A_4 = arith.constant 1 : i32
    %scan3A_5 = scf.for %scan3A_7 = %scan3A_1 to %scan3A_3 step %scan3A_4 iter_args(%scan3A_8 = %scan3A) -> (i32)  : i32 {
      %mul3A_9 = arith.constant 25600 : i32
      %mul3A_10 = arith.muli %add3A, %mul3A_9 : i32
      %mul3A_11 = arith.constant 6400 : i32
      %mul3A_12 = arith.muli %scan3A_7, %mul3A_11 : i32
      %add3A_13 = arith.addi %mul3A_10, %mul3A_12 : i32
      "tpu.region"() ({
        %run_scoped3A = tpu.sem_alloc : memref<!tpu.dma_semaphore, #tpu.memory_space<semaphore_mem>>
        %dma_start3A = tpu.memref_slice %arg2[%add3A_13] : memref<819200xi32, #tpu.memory_space<hbm>> -> memref<6400xi32, #tpu.memory_space<hbm>>
        %dma_start3A_644 = tpu.memref_slice %arg2[%add3A_13] : memref<819200xi32, #tpu.memory_space<hbm>> -> memref<6400xi32, #tpu.memory_space<hbm>>
        tpu.enqueue_dma source(%dma_start3A_644 : memref<6400xi32, #tpu.memory_space<hbm>>) target(%arg8 : memref<6400xi32, #tpu.memory_space<vmem>>) target_semaphore(%run_scoped3A : memref<!tpu.dma_semaphore, #tpu.memory_space<semaphore_mem>>)
        %dma_wait3A = tpu.memref_slice %arg2[%add3A_13] : memref<819200xi32, #tpu.memory_space<hbm>> -> memref<6400xi32, #tpu.memory_space<hbm>>
        %dma_wait3A_645 = tpu.memref_slice %arg2[%add3A_13] : memref<819200xi32, #tpu.memory_space<hbm>> -> memref<6400xi32, #tpu.memory_space<hbm>>
        tpu.wait_dma2 semaphore(%run_scoped3A : memref<!tpu.dma_semaphore, #tpu.memory_space<semaphore_mem>>) src(%dma_wait3A_645 : memref<6400xi32, #tpu.memory_space<hbm>>) dst(%arg8 : memref<6400xi32, #tpu.memory_space<vmem>>)
        tpu.yield
      }) : () -> ()
      %scan3A_14 = arith.constant 0 : i32
      %scan3A_15 = arith.constant 0 : i32
      %scan3A_16 = arith.constant 0 : i32
      %scan3A_17 = arith.constant 0 : i32
      %scan3A_18 = arith.constant 0 : i32
      %scan3A_19 = arith.constant 400 : i32
      %scan3A_20 = arith.addi %scan3A_18, %scan3A_19 : i32
      %scan3A_21 = arith.constant 1 : i32
      %scan3A_22:4 = scf.for %scan3A_644 = %scan3A_18 to %scan3A_20 step %scan3A_21 iter_args(%scan3A_645 = %scan3A_14, %scan3A_646 = %scan3A_15, %scan3A_647 = %scan3A_16, %scan3A_648 = %scan3A_17) -> (i32, i32, i32, i32)  : i32 {
        %mul3A_649 = arith.constant 16 : i32
        %mul3A_650 = arith.muli %scan3A_644, %mul3A_649 : i32
        %get3A = arith.index_cast %mul3A_650 : i32 to index
        %get3A_651 = tpu.vector_load %arg8[%get3A] {strides = array<i32>} : memref<6400xi32, #tpu.memory_space<vmem>>, vector<16xi32>,
        %ge3A_652 = arith.constant 250000 : i32
        %ge3A_653 = vector.broadcast %ge3A_652 : i32 to vector<16xi32>
        %ge3A_654 = arith.cmpi sge, %get3A_651, %ge3A_653 : vector<16xi32>
        %jit3A = arith.constant 1 : i32
        %jit3A_655 = arith.constant 0 : i32
        %broadcast_in_dim3A_656 = vector.broadcast %jit3A : i32 to vector<16xi32>
        %broadcast_in_dim3A_657 = vector.broadcast %jit3A_655 : i32 to vector<16xi32>
        %select_n3A = arith.select %ge3A_654, %broadcast_in_dim3A_656, %broadcast_in_dim3A_657 : vector<16xi1>, vector<16xi32>
        %ge3A_658 = arith.constant 500000 : i32
        %ge3A_659 = vector.broadcast %ge3A_658 : i32 to vector<16xi32>
        %ge3A_660 = arith.cmpi sge, %get3A_651, %ge3A_659 : vector<16xi32>
        %jit3A_661 = arith.constant 1 : i32
        %jit3A_662 = arith.constant 0 : i32
        %broadcast_in_dim3A_663 = vector.broadcast %jit3A_661 : i32 to vector<16xi32>
        %broadcast_in_dim3A_664 = vector.broadcast %jit3A_662 : i32 to vector<16xi32>
        %select_n3A_665 = arith.select %ge3A_660, %broadcast_in_dim3A_663, %broadcast_in_dim3A_664 : vector<16xi1>, vector<16xi32>
        %add3A_666 = arith.addi %select_n3A, %select_n3A_665 : vector<16xi32>
        %ge3A_667 = arith.constant 750000 : i32
        %ge3A_668 = vector.broadcast %ge3A_667 : i32 to vector<16xi32>
        %ge3A_669 = arith.cmpi sge, %get3A_651, %ge3A_668 : vector<16xi32>
        %jit3A_670 = arith.constant 1 : i32
        %jit3A_671 = arith.constant 0 : i32
        %broadcast_in_dim3A_672 = vector.broadcast %jit3A_670 : i32 to vector<16xi32>
        %broadcast_in_dim3A_673 = vector.broadcast %jit3A_671 : i32 to vector<16xi32>
        %select_n3A_674 = arith.select %ge3A_669, %broadcast_in_dim3A_672, %broadcast_in_dim3A_673 : vector<16xi1>, vector<16xi32>
        %add3A_675 = arith.addi %add3A_666, %select_n3A_674 : vector<16xi32>
        %mul3A_676 = arith.constant 250000 : i32
        %mul3A_677 = vector.broadcast %mul3A_676 : i32 to vector<16xi32>
        %mul3A_678 = arith.muli %add3A_675, %mul3A_677 : vector<16xi32>
        %sub3A_679 = arith.subi %get3A_651, %mul3A_678 : vector<16xi32>
        %mul3A_680 = arith.constant 16 : i32
        %mul3A_681 = arith.muli %scan3A_644, %mul3A_680 : i32
        %add3A_682 = arith.addi %add3A_13, %mul3A_681 : i32
        %add3A_683 = vector.broadcast %add3A_682 : i32 to vector<16xi32>
        %add3A_684 = arith.addi %add3A_683, %iota3A : vector<16xi32>
        %mul3A_685 = arith.constant 8 : i32
        %mul3A_686 = vector.broadcast %mul3A_685 : i32 to vector<16xi32>
        %mul3A_687 = arith.muli %add3A_675, %mul3A_686 : vector<16xi32>
        %broadcast_in_dim3A_688 = arith.constant 1 : i32
        %broadcast_in_dim3A_689 = vector.broadcast %broadcast_in_dim3A_688 : i32 to vector<16xi32>
        %shift_left3A = arith.shli %broadcast_in_dim3A_689, %mul3A_687 : vector<16xi32>
        %broadcast_in_dim3A_690 = arith.constant true
        %broadcast_in_dim3A_691 = vector.broadcast %broadcast_in_dim3A_690 : i1 to vector<16xi1>
        %masked_cumsum3A = tpu.scan <sum>, %shift_left3A masked %broadcast_in_dim3A_691 : vector<16xi32>, vector<16xi1> -> vector<16xi32>
        %shift_right_logical3A_692 = arith.shrui %masked_cumsum3A, %mul3A_687 : vector<16xi32>
        %and3A_693 = arith.constant 255 : i32
        %and3A_694 = vector.broadcast %and3A_693 : i32 to vector<16xi32>
        %and3A_695 = arith.andi %shift_right_logical3A_692, %and3A_694 : vector<16xi32>
        %eq3A_696 = arith.constant 0 : i32
        %eq3A_697 = vector.broadcast %eq3A_696 : i32 to vector<16xi32>
        %eq3A_698 = arith.cmpi eq, %add3A_675, %eq3A_697 : vector<16xi32>
        %eq3A_699 = arith.constant 1 : i32
        %eq3A_700 = vector.broadcast %eq3A_699 : i32 to vector<16xi32>
        %eq3A_701 = arith.cmpi eq, %add3A_675, %eq3A_700 : vector<16xi32>
        %eq3A_702 = arith.constant 2 : i32
        %eq3A_703 = vector.broadcast %eq3A_702 : i32 to vector<16xi32>
        %eq3A_704 = arith.cmpi eq, %add3A_675, %eq3A_703 : vector<16xi32>
        %broadcast_in_dim3A_705 = vector.broadcast %scan3A_647 : i32 to vector<16xi32>
        %broadcast_in_dim3A_706 = vector.broadcast %scan3A_648 : i32 to vector<16xi32>
        %select_n3A_707 = arith.select %eq3A_704, %broadcast_in_dim3A_705, %broadcast_in_dim3A_706 : vector<16xi1>, vector<16xi32>
        %broadcast_in_dim3A_708 = vector.broadcast %scan3A_646 : i32 to vector<16xi32>
        %select_n3A_709 = arith.select %eq3A_701, %broadcast_in_dim3A_708, %select_n3A_707 : vector<16xi1>, vector<16xi32>
        %broadcast_in_dim3A_710 = vector.broadcast %scan3A_645 : i32 to vector<16xi32>
        %select_n3A_711 = arith.select %eq3A_698, %broadcast_in_dim3A_710, %select_n3A_709 : vector<16xi1>, vector<16xi32>
        %mul3A_712 = arith.constant 6528 : i32
        %mul3A_713 = vector.broadcast %mul3A_712 : i32 to vector<16xi32>
        %mul3A_714 = arith.muli %add3A_675, %mul3A_713 : vector<16xi32>
        %add3A_715 = arith.addi %mul3A_714, %select_n3A_711 : vector<16xi32>
        %add3A_716 = arith.addi %add3A_715, %and3A_695 : vector<16xi32>
        %sub3A_717 = arith.constant 1 : i32
        %sub3A_718 = vector.broadcast %sub3A_717 : i32 to vector<16xi32>
        %sub3A_719 = arith.subi %add3A_716, %sub3A_718 : vector<16xi32>
        %shift_right_logical3A_720 = arith.constant 7 : i32
        %shift_right_logical3A_721 = vector.broadcast %shift_right_logical3A_720 : i32 to vector<16xi32>
        %shift_right_logical3A_722 = arith.shrui %sub3A_719, %shift_right_logical3A_721 : vector<16xi32>
        %and3A_723 = arith.constant 127 : i32
        %and3A_724 = vector.broadcast %and3A_723 : i32 to vector<16xi32>
        %and3A_725 = arith.andi %sub3A_719, %and3A_724 : vector<16xi32>
        tpu.vector_store_idx %arg9[%shift_right_logical3A_722, %and3A_725], %sub3A_679 : memref<204x128xi32, #tpu.memory_space<vmem>>[vector<16xi32>, vector<16xi32>], vector<16xi32>,
        tpu.vector_store_idx %arg10[%shift_right_logical3A_722, %and3A_725], %add3A_684 : memref<204x128xi32, #tpu.memory_space<vmem>>[vector<16xi32>, vector<16xi32>], vector<16xi32>,
        %reduce_sum3A = arith.constant true
        %reduce_sum3A_726 = vector.broadcast %reduce_sum3A : i1 to vector<16xi1>
        %reduce_sum3A_727 = tpu.scan <sum>, %shift_left3A masked %reduce_sum3A_726 : vector<16xi32>, vector<16xi1> -> vector<16xi32>
        %reduce_sum3A_728 = vector.extract %reduce_sum3A_727[15] : i32 from vector<16xi32>
        %shift_right_logical3A_729 = arith.constant 0 : i32
        %shift_right_logical3A_730 = arith.shrui %reduce_sum3A_728, %shift_right_logical3A_729 : i32
        %and3A_731 = arith.constant 255 : i32
        %and3A_732 = arith.andi %shift_right_logical3A_730, %and3A_731 : i32
        %add3A_733 = arith.addi %scan3A_645, %and3A_732 : i32
        %shift_right_logical3A_734 = arith.constant 8 : i32
        %shift_right_logical3A_735 = arith.shrui %reduce_sum3A_728, %shift_right_logical3A_734 : i32
        %and3A_736 = arith.constant 255 : i32
        %and3A_737 = arith.andi %shift_right_logical3A_735, %and3A_736 : i32
        %add3A_738 = arith.addi %scan3A_646, %and3A_737 : i32
        %shift_right_logical3A_739 = arith.constant 16 : i32
        %shift_right_logical3A_740 = arith.shrui %reduce_sum3A_728, %shift_right_logical3A_739 : i32
        %and3A_741 = arith.constant 255 : i32
        %and3A_742 = arith.andi %shift_right_logical3A_740, %and3A_741 : i32
        %add3A_743 = arith.addi %scan3A_647, %and3A_742 : i32
        %shift_right_logical3A_744 = arith.constant 24 : i32
        %shift_right_logical3A_745 = arith.shrui %reduce_sum3A_728, %shift_right_logical3A_744 : i32
        %and3A_746 = arith.constant 255 : i32
        %and3A_747 = arith.andi %shift_right_logical3A_745, %and3A_746 : i32
        %add3A_748 = arith.addi %scan3A_648, %and3A_747 : i32
        scf.yield %add3A_733, %add3A_738, %add3A_743, %add3A_748 : i32, i32, i32, i32
      }
      %scan3A_23 = arith.constant 400 : i32
      %add3A_24 = arith.constant 127 : i32
      %add3A_25 = arith.addi %scan3A_22#0, %add3A_24 : i32
      %and3A = arith.constant -128 : i32
      %and3A_26 = arith.andi %add3A_25, %and3A : i32
      %sub3A = arith.constant 1 : i32
      %sub3A_27 = arith.subi %scan3A_22#0, %sub3A : i32
      %max3A = arith.constant 0 : i32
      %max3A_28 = arith.maxsi %sub3A_27, %max3A : i32
      %add3A_29 = arith.constant 0 : i32
      %add3A_30 = arith.addi %add3A_29, %max3A_28 : i32
      %broadcast_in_dim3A = arith.constant 0 : i32
      %broadcast_in_dim3A_31 = vector.broadcast %broadcast_in_dim3A : i32 to vector<16xi32>
      %add3A_32 = vector.broadcast %add3A_30 : i32 to vector<16xi32>
      %add3A_33 = arith.addi %add3A_32, %broadcast_in_dim3A_31 : vector<16xi32>
      %shift_right_logical3A = arith.constant 7 : i32
      %shift_right_logical3A_34 = vector.broadcast %shift_right_logical3A : i32 to vector<16xi32>
      %shift_right_logical3A_35 = arith.shrui %add3A_33, %shift_right_logical3A_34 : vector<16xi32>
      %and3A_36 = arith.constant 127 : i32
      %and3A_37 = vector.broadcast %and3A_36 : i32 to vector<16xi32>
      %and3A_38 = arith.andi %add3A_33, %and3A_37 : vector<16xi32>
      %gather3A = tpu.vector_load_idx %arg9[%shift_right_logical3A_35, %and3A_38] : memref<204x128xi32, #tpu.memory_space<vmem>>[vector<16xi32>, vector<16xi32>], vector<16xi32>,
      %gather3A_39 = tpu.vector_load_idx %arg10[%shift_right_logical3A_35, %and3A_38] : memref<204x128xi32, #tpu.memory_space<vmem>>[vector<16xi32>, vector<16xi32>], vector<16xi32>,
      %add3A_40 = arith.constant 0 : i32
      %add3A_41 = arith.addi %add3A_40, %scan3A_22#0 : i32
      %add3A_42 = arith.constant 0 : i32
      %add3A_43 = arith.addi %add3A_41, %add3A_42 : i32
      %add3A_44 = vector.broadcast %add3A_43 : i32 to vector<16xi32>
      %add3A_45 = arith.addi %add3A_44, %iota3A : vector<16xi32>
      %shift_right_logical3A_46 = arith.constant 7 : i32
      %shift_right_logical3A_47 = vector.broadcast %shift_right_logical3A_46 : i32 to vector<16xi32>
      %shift_right_logical3A_48 = arith.shrui %add3A_45, %shift_right_logical3A_47 : vector<16xi32>
      %and3A_49 = arith.constant 127 : i32
      %and3A_50 = vector.broadcast %and3A_49 : i32 to vector<16xi32>
      %and3A_51 = arith.andi %add3A_45, %and3A_50 : vector<16xi32>
      tpu.vector_store_idx %arg9[%shift_right_logical3A_48, %and3A_51], %gather3A : memref<204x128xi32, #tpu.memory_space<vmem>>[vector<16xi32>, vector<16xi32>], vector<16xi32>,
      tpu.vector_store_idx %arg10[%shift_right_logical3A_48, %and3A_51], %gather3A_39 : memref<204x128xi32, #tpu.memory_space<vmem>>[vector<16xi32>, vector<16xi32>], vector<16xi32>,
      %add3A_52 = arith.constant 0 : i32
      %add3A_53 = arith.addi %add3A_52, %scan3A_22#0 : i32
      %add3A_54 = arith.constant 16 : i32
      %add3A_55 = arith.addi %add3A_53, %add3A_54 : i32
      %add3A_56 = vector.broadcast %add3A_55 : i32 to vector<16xi32>
      %add3A_57 = arith.addi %add3A_56, %iota3A : vector<16xi32>
      %shift_right_logical3A_58 = arith.constant 7 : i32
      %shift_right_logical3A_59 = vector.broadcast %shift_right_logical3A_58 : i32 to vector<16xi32>
      %shift_right_logical3A_60 = arith.shrui %add3A_57, %shift_right_logical3A_59 : vector<16xi32>
      %and3A_61 = arith.constant 127 : i32
      %and3A_62 = vector.broadcast %and3A_61 : i32 to vector<16xi32>
      %and3A_63 = arith.andi %add3A_57, %and3A_62 : vector<16xi32>
      tpu.vector_store_idx %arg9[%shift_right_logical3A_60, %and3A_63], %gather3A : memref<204x128xi32, #tpu.memory_space<vmem>>[vector<16xi32>, vector<16xi32>], vector<16xi32>,
      tpu.vector_store_idx %arg10[%shift_right_logical3A_60, %and3A_63], %gather3A_39 : memref<204x128xi32, #tpu.memory_space<vmem>>[vector<16xi32>, vector<16xi32>], vector<16xi32>,
      %add3A_64 = arith.constant 0 : i32
      %add3A_65 = arith.addi %add3A_64, %scan3A_22#0 : i32
      %add3A_66 = arith.constant 32 : i32
      %add3A_67 = arith.addi %add3A_65, %add3A_66 : i32
      %add3A_68 = vector.broadcast %add3A_67 : i32 to vector<16xi32>
      %add3A_69 = arith.addi %add3A_68, %iota3A : vector<16xi32>
      %shift_right_logical3A_70 = arith.constant 7 : i32
      %shift_right_logical3A_71 = vector.broadcast %shift_right_logical3A_70 : i32 to vector<16xi32>
      %shift_right_logical3A_72 = arith.shrui %add3A_69, %shift_right_logical3A_71 : vector<16xi32>
      %and3A_73 = arith.constant 127 : i32
      %and3A_74 = vector.broadcast %and3A_73 : i32 to vector<16xi32>
      %and3A_75 = arith.andi %add3A_69, %and3A_74 : vector<16xi32>
      tpu.vector_store_idx %arg9[%shift_right_logical3A_72, %and3A_75], %gather3A : memref<204x128xi32, #tpu.memory_space<vmem>>[vector<16xi32>, vector<16xi32>], vector<16xi32>,
      tpu.vector_store_idx %arg10[%shift_right_logical3A_72, %and3A_75], %gather3A_39 : memref<204x128xi32, #tpu.memory_space<vmem>>[vector<16xi32>, vector<16xi32>], vector<16xi32>,
      %add3A_76 = arith.constant 0 : i32
      %add3A_77 = arith.addi %add3A_76, %scan3A_22#0 : i32
      %add3A_78 = arith.constant 48 : i32
      %add3A_79 = arith.addi %add3A_77, %add3A_78 : i32
      %add3A_80 = vector.broadcast %add3A_79 : i32 to vector<16xi32>
      %add3A_81 = arith.addi %add3A_80, %iota3A : vector<16xi32>
      %shift_right_logical3A_82 = arith.constant 7 : i32
      %shift_right_logical3A_83 = vector.broadcast %shift_right_logical3A_82 : i32 to vector<16xi32>
      %shift_right_logical3A_84 = arith.shrui %add3A_81, %shift_right_logical3A_83 : vector<16xi32>
      %and3A_85 = arith.constant 127 : i32
      %and3A_86 = vector.broadcast %and3A_85 : i32 to vector<16xi32>
      %and3A_87 = arith.andi %add3A_81, %and3A_86 : vector<16xi32>
      tpu.vector_store_idx %arg9[%shift_right_logical3A_84, %and3A_87], %gather3A : memref<204x128xi32, #tpu.memory_space<vmem>>[vector<16xi32>, vector<16xi32>], vector<16xi32>,
      tpu.vector_store_idx %arg10[%shift_right_logical3A_84, %and3A_87], %gather3A_39 : memref<204x128xi32, #tpu.memory_space<vmem>>[vector<16xi32>, vector<16xi32>], vector<16xi32>,
      %add3A_88 = arith.constant 0 : i32
      %add3A_89 = arith.addi %add3A_88, %scan3A_22#0 : i32
      %add3A_90 = arith.constant 64 : i32
      %add3A_91 = arith.addi %add3A_89, %add3A_90 : i32
      %add3A_92 = vector.broadcast %add3A_91 : i32 to vector<16xi32>
      %add3A_93 = arith.addi %add3A_92, %iota3A : vector<16xi32>
      %shift_right_logical3A_94 = arith.constant 7 : i32
      %shift_right_logical3A_95 = vector.broadcast %shift_right_logical3A_94 : i32 to vector<16xi32>
      %shift_right_logical3A_96 = arith.shrui %add3A_93, %shift_right_logical3A_95 : vector<16xi32>
      %and3A_97 = arith.constant 127 : i32
      %and3A_98 = vector.broadcast %and3A_97 : i32 to vector<16xi32>
      %and3A_99 = arith.andi %add3A_93, %and3A_98 : vector<16xi32>
      tpu.vector_store_idx %arg9[%shift_right_logical3A_96, %and3A_99], %gather3A : memref<204x128xi32, #tpu.memory_space<vmem>>[vector<16xi32>, vector<16xi32>], vector<16xi32>,
      tpu.vector_store_idx %arg10[%shift_right_logical3A_96, %and3A_99], %gather3A_39 : memref<204x128xi32, #tpu.memory_space<vmem>>[vector<16xi32>, vector<16xi32>], vector<16xi32>,
      %add3A_100 = arith.constant 0 : i32
      %add3A_101 = arith.addi %add3A_100, %scan3A_22#0 : i32
      %add3A_102 = arith.constant 80 : i32
      %add3A_103 = arith.addi %add3A_101, %add3A_102 : i32
      %add3A_104 = vector.broadcast %add3A_103 : i32 to vector<16xi32>
      %add3A_105 = arith.addi %add3A_104, %iota3A : vector<16xi32>
      %shift_right_logical3A_106 = arith.constant 7 : i32
      %shift_right_logical3A_107 = vector.broadcast %shift_right_logical3A_106 : i32 to vector<16xi32>
      %shift_right_logical3A_108 = arith.shrui %add3A_105, %shift_right_logical3A_107 : vector<16xi32>
      %and3A_109 = arith.constant 127 : i32
      %and3A_110 = vector.broadcast %and3A_109 : i32 to vector<16xi32>
      %and3A_111 = arith.andi %add3A_105, %and3A_110 : vector<16xi32>
      tpu.vector_store_idx %arg9[%shift_right_logical3A_108, %and3A_111], %gather3A : memref<204x128xi32, #tpu.memory_space<vmem>>[vector<16xi32>, vector<16xi32>], vector<16xi32>,
      tpu.vector_store_idx %arg10[%shift_right_logical3A_108, %and3A_111], %gather3A_39 : memref<204x128xi32, #tpu.memory_space<vmem>>[vector<16xi32>, vector<16xi32>], vector<16xi32>,
      %add3A_112 = arith.constant 0 : i32
      %add3A_113 = arith.addi %add3A_112, %scan3A_22#0 : i32
      %add3A_114 = arith.constant 96 : i32
      %add3A_115 = arith.addi %add3A_113, %add3A_114 : i32
      %add3A_116 = vector.broadcast %add3A_115 : i32 to vector<16xi32>
      %add3A_117 = arith.addi %add3A_116, %iota3A : vector<16xi32>
      %shift_right_logical3A_118 = arith.constant 7 : i32
      %shift_right_logical3A_119 = vector.broadcast %shift_right_logical3A_118 : i32 to vector<16xi32>
      %shift_right_logical3A_120 = arith.shrui %add3A_117, %shift_right_logical3A_119 : vector<16xi32>
      %and3A_121 = arith.constant 127 : i32
      %and3A_122 = vector.broadcast %and3A_121 : i32 to vector<16xi32>
      %and3A_123 = arith.andi %add3A_117, %and3A_122 : vector<16xi32>
      tpu.vector_store_idx %arg9[%shift_right_logical3A_120, %and3A_123], %gather3A : memref<204x128xi32, #tpu.memory_space<vmem>>[vector<16xi32>, vector<16xi32>], vector<16xi32>,
      tpu.vector_store_idx %arg10[%shift_right_logical3A_120, %and3A_123], %gather3A_39 : memref<204x128xi32, #tpu.memory_space<vmem>>[vector<16xi32>, vector<16xi32>], vector<16xi32>,
      %add3A_124 = arith.constant 0 : i32
      %add3A_125 = arith.addi %add3A_124, %scan3A_22#0 : i32
      %add3A_126 = arith.constant 112 : i32
      %add3A_127 = arith.addi %add3A_125, %add3A_126 : i32
      %add3A_128 = vector.broadcast %add3A_127 : i32 to vector<16xi32>
      %add3A_129 = arith.addi %add3A_128, %iota3A : vector<16xi32>
      %shift_right_logical3A_130 = arith.constant 7 : i32
      %shift_right_logical3A_131 = vector.broadcast %shift_right_logical3A_130 : i32 to vector<16xi32>
      %shift_right_logical3A_132 = arith.shrui %add3A_129, %shift_right_logical3A_131 : vector<16xi32>
      %and3A_133 = arith.constant 127 : i32
      %and3A_134 = vector.broadcast %and3A_133 : i32 to vector<16xi32>
      %and3A_135 = arith.andi %add3A_129, %and3A_134 : vector<16xi32>
      tpu.vector_store_idx %arg9[%shift_right_logical3A_132, %and3A_135], %gather3A : memref<204x128xi32, #tpu.memory_space<vmem>>[vector<16xi32>, vector<16xi32>], vector<16xi32>,
      tpu.vector_store_idx %arg10[%shift_right_logical3A_132, %and3A_135], %gather3A_39 : memref<204x128xi32, #tpu.memory_space<vmem>>[vector<16xi32>, vector<16xi32>], vector<16xi32>,
      %shift_right_logical3A_136 = arith.constant 7 : i32
      %shift_right_logical3A_137 = arith.shrui %and3A_26, %shift_right_logical3A_136 : i32
      %add3A_138 = arith.constant 127 : i32
      %add3A_139 = arith.addi %scan3A_22#1, %add3A_138 : i32
      %and3A_140 = arith.constant -128 : i32
      %and3A_141 = arith.andi %add3A_139, %and3A_140 : i32
      %sub3A_142 = arith.constant 1 : i32
      %sub3A_143 = arith.subi %scan3A_22#1, %sub3A_142 : i32
      %max3A_144 = arith.constant 0 : i32
      %max3A_145 = arith.maxsi %sub3A_143, %max3A_144 : i32
      %add3A_146 = arith.constant 6528 : i32
      %add3A_147 = arith.addi %add3A_146, %max3A_145 : i32
      %broadcast_in_dim3A_148 = arith.constant 0 : i32
      %broadcast_in_dim3A_149 = vector.broadcast %broadcast_in_dim3A_148 : i32 to vector<16xi32>
      %add3A_150 = vector.broadcast %add3A_147 : i32 to vector<16xi32>
      %add3A_151 = arith.addi %add3A_150, %broadcast_in_dim3A_149 : vector<16xi32>
      %shift_right_logical3A_152 = arith.constant 7 : i32
      %shift_right_logical3A_153 = vector.broadcast %shift_right_logical3A_152 : i32 to vector<16xi32>
      %shift_right_logical3A_154 = arith.shrui %add3A_151, %shift_right_logical3A_153 : vector<16xi32>
      %and3A_155 = arith.constant 127 : i32
      %and3A_156 = vector.broadcast %and3A_155 : i32 to vector<16xi32>
      %and3A_157 = arith.andi %add3A_151, %and3A_156 : vector<16xi32>
      %gather3A_158 = tpu.vector_load_idx %arg9[%shift_right_logical3A_154, %and3A_157] : memref<204x128xi32, #tpu.memory_space<vmem>>[vector<16xi32>, vector<16xi32>], vector<16xi32>,
      %gather3A_159 = tpu.vector_load_idx %arg10[%shift_right_logical3A_154, %and3A_157] : memref<204x128xi32, #tpu.memory_space<vmem>>[vector<16xi32>, vector<16xi32>], vector<16xi32>,
      %add3A_160 = arith.constant 6528 : i32
      %add3A_161 = arith.addi %add3A_160, %scan3A_22#1 : i32
      %add3A_162 = arith.constant 0 : i32
      %add3A_163 = arith.addi %add3A_161, %add3A_162 : i32
      %add3A_164 = vector.broadcast %add3A_163 : i32 to vector<16xi32>
      %add3A_165 = arith.addi %add3A_164, %iota3A : vector<16xi32>
      %shift_right_logical3A_166 = arith.constant 7 : i32
      %shift_right_logical3A_167 = vector.broadcast %shift_right_logical3A_166 : i32 to vector<16xi32>
      %shift_right_logical3A_168 = arith.shrui %add3A_165, %shift_right_logical3A_167 : vector<16xi32>
      %and3A_169 = arith.constant 127 : i32
      %and3A_170 = vector.broadcast %and3A_169 : i32 to vector<16xi32>
      %and3A_171 = arith.andi %add3A_165, %and3A_170 : vector<16xi32>
      tpu.vector_store_idx %arg9[%shift_right_logical3A_168, %and3A_171], %gather3A_158 : memref<204x128xi32, #tpu.memory_space<vmem>>[vector<16xi32>, vector<16xi32>], vector<16xi32>,
      tpu.vector_store_idx %arg10[%shift_right_logical3A_168, %and3A_171], %gather3A_159 : memref<204x128xi32, #tpu.memory_space<vmem>>[vector<16xi32>, vector<16xi32>], vector<16xi32>,
      %add3A_172 = arith.constant 6528 : i32
      %add3A_173 = arith.addi %add3A_172, %scan3A_22#1 : i32
      %add3A_174 = arith.constant 16 : i32
      %add3A_175 = arith.addi %add3A_173, %add3A_174 : i32
      %add3A_176 = vector.broadcast %add3A_175 : i32 to vector<16xi32>
      %add3A_177 = arith.addi %add3A_176, %iota3A : vector<16xi32>
      %shift_right_logical3A_178 = arith.constant 7 : i32
      %shift_right_logical3A_179 = vector.broadcast %shift_right_logical3A_178 : i32 to vector<16xi32>
      %shift_right_logical3A_180 = arith.shrui %add3A_177, %shift_right_logical3A_179 : vector<16xi32>
      %and3A_181 = arith.constant 127 : i32
      %and3A_182 = vector.broadcast %and3A_181 : i32 to vector<16xi32>
      %and3A_183 = arith.andi %add3A_177, %and3A_182 : vector<16xi32>
      tpu.vector_store_idx %arg9[%shift_right_logical3A_180, %and3A_183], %gather3A_158 : memref<204x128xi32, #tpu.memory_space<vmem>>[vector<16xi32>, vector<16xi32>], vector<16xi32>,
      tpu.vector_store_idx %arg10[%shift_right_logical3A_180, %and3A_183], %gather3A_159 : memref<204x128xi32, #tpu.memory_space<vmem>>[vector<16xi32>, vector<16xi32>], vector<16xi32>,
      %add3A_184 = arith.constant 6528 : i32
      %add3A_185 = arith.addi %add3A_184, %scan3A_22#1 : i32
      %add3A_186 = arith.constant 32 : i32
      %add3A_187 = arith.addi %add3A_185, %add3A_186 : i32
      %add3A_188 = vector.broadcast %add3A_187 : i32 to vector<16xi32>
      %add3A_189 = arith.addi %add3A_188, %iota3A : vector<16xi32>
      %shift_right_logical3A_190 = arith.constant 7 : i32
      %shift_right_logical3A_191 = vector.broadcast %shift_right_logical3A_190 : i32 to vector<16xi32>
      %shift_right_logical3A_192 = arith.shrui %add3A_189, %shift_right_logical3A_191 : vector<16xi32>
      %and3A_193 = arith.constant 127 : i32
      %and3A_194 = vector.broadcast %and3A_193 : i32 to vector<16xi32>
      %and3A_195 = arith.andi %add3A_189, %and3A_194 : vector<16xi32>
      tpu.vector_store_idx %arg9[%shift_right_logical3A_192, %and3A_195], %gather3A_158 : memref<204x128xi32, #tpu.memory_space<vmem>>[vector<16xi32>, vector<16xi32>], vector<16xi32>,
      tpu.vector_store_idx %arg10[%shift_right_logical3A_192, %and3A_195], %gather3A_159 : memref<204x128xi32, #tpu.memory_space<vmem>>[vector<16xi32>, vector<16xi32>], vector<16xi32>,
      %add3A_196 = arith.constant 6528 : i32
      %add3A_197 = arith.addi %add3A_196, %scan3A_22#1 : i32
      %add3A_198 = arith.constant 48 : i32
      %add3A_199 = arith.addi %add3A_197, %add3A_198 : i32
      %add3A_200 = vector.broadcast %add3A_199 : i32 to vector<16xi32>
      %add3A_201 = arith.addi %add3A_200, %iota3A : vector<16xi32>
      %shift_right_logical3A_202 = arith.constant 7 : i32
      %shift_right_logical3A_203 = vector.broadcast %shift_right_logical3A_202 : i32 to vector<16xi32>
      %shift_right_logical3A_204 = arith.shrui %add3A_201, %shift_right_logical3A_203 : vector<16xi32>
      %and3A_205 = arith.constant 127 : i32
      %and3A_206 = vector.broadcast %and3A_205 : i32 to vector<16xi32>
      %and3A_207 = arith.andi %add3A_201, %and3A_206 : vector<16xi32>
      tpu.vector_store_idx %arg9[%shift_right_logical3A_204, %and3A_207], %gather3A_158 : memref<204x128xi32, #tpu.memory_space<vmem>>[vector<16xi32>, vector<16xi32>], vector<16xi32>,
      tpu.vector_store_idx %arg10[%shift_right_logical3A_204, %and3A_207], %gather3A_159 : memref<204x128xi32, #tpu.memory_space<vmem>>[vector<16xi32>, vector<16xi32>], vector<16xi32>,
      %add3A_208 = arith.constant 6528 : i32
      %add3A_209 = arith.addi %add3A_208, %scan3A_22#1 : i32
      %add3A_210 = arith.constant 64 : i32
      %add3A_211 = arith.addi %add3A_209, %add3A_210 : i32
      %add3A_212 = vector.broadcast %add3A_211 : i32 to vector<16xi32>
      %add3A_213 = arith.addi %add3A_212, %iota3A : vector<16xi32>
      %shift_right_logical3A_214 = arith.constant 7 : i32
      %shift_right_logical3A_215 = vector.broadcast %shift_right_logical3A_214 : i32 to vector<16xi32>
      %shift_right_logical3A_216 = arith.shrui %add3A_213, %shift_right_logical3A_215 : vector<16xi32>
      %and3A_217 = arith.constant 127 : i32
      %and3A_218 = vector.broadcast %and3A_217 : i32 to vector<16xi32>
      %and3A_219 = arith.andi %add3A_213, %and3A_218 : vector<16xi32>
      tpu.vector_store_idx %arg9[%shift_right_logical3A_216, %and3A_219], %gather3A_158 : memref<204x128xi32, #tpu.memory_space<vmem>>[vector<16xi32>, vector<16xi32>], vector<16xi32>,
      tpu.vector_store_idx %arg10[%shift_right_logical3A_216, %and3A_219], %gather3A_159 : memref<204x128xi32, #tpu.memory_space<vmem>>[vector<16xi32>, vector<16xi32>], vector<16xi32>,
      %add3A_220 = arith.constant 6528 : i32
      %add3A_221 = arith.addi %add3A_220, %scan3A_22#1 : i32
      %add3A_222 = arith.constant 80 : i32
      %add3A_223 = arith.addi %add3A_221, %add3A_222 : i32
      %add3A_224 = vector.broadcast %add3A_223 : i32 to vector<16xi32>
      %add3A_225 = arith.addi %add3A_224, %iota3A : vector<16xi32>
      %shift_right_logical3A_226 = arith.constant 7 : i32
      %shift_right_logical3A_227 = vector.broadcast %shift_right_logical3A_226 : i32 to vector<16xi32>
      %shift_right_logical3A_228 = arith.shrui %add3A_225, %shift_right_logical3A_227 : vector<16xi32>
      %and3A_229 = arith.constant 127 : i32
      %and3A_230 = vector.broadcast %and3A_229 : i32 to vector<16xi32>
      %and3A_231 = arith.andi %add3A_225, %and3A_230 : vector<16xi32>
      tpu.vector_store_idx %arg9[%shift_right_logical3A_228, %and3A_231], %gather3A_158 : memref<204x128xi32, #tpu.memory_space<vmem>>[vector<16xi32>, vector<16xi32>], vector<16xi32>,
      tpu.vector_store_idx %arg10[%shift_right_logical3A_228, %and3A_231], %gather3A_159 : memref<204x128xi32, #tpu.memory_space<vmem>>[vector<16xi32>, vector<16xi32>], vector<16xi32>,
      %add3A_232 = arith.constant 6528 : i32
      %add3A_233 = arith.addi %add3A_232, %scan3A_22#1 : i32
      %add3A_234 = arith.constant 96 : i32
      %add3A_235 = arith.addi %add3A_233, %add3A_234 : i32
      %add3A_236 = vector.broadcast %add3A_235 : i32 to vector<16xi32>
      %add3A_237 = arith.addi %add3A_236, %iota3A : vector<16xi32>
      %shift_right_logical3A_238 = arith.constant 7 : i32
      %shift_right_logical3A_239 = vector.broadcast %shift_right_logical3A_238 : i32 to vector<16xi32>
      %shift_right_logical3A_240 = arith.shrui %add3A_237, %shift_right_logical3A_239 : vector<16xi32>
      %and3A_241 = arith.constant 127 : i32
      %and3A_242 = vector.broadcast %and3A_241 : i32 to vector<16xi32>
      %and3A_243 = arith.andi %add3A_237, %and3A_242 : vector<16xi32>
      tpu.vector_store_idx %arg9[%shift_right_logical3A_240, %and3A_243], %gather3A_158 : memref<204x128xi32, #tpu.memory_space<vmem>>[vector<16xi32>, vector<16xi32>], vector<16xi32>,
      tpu.vector_store_idx %arg10[%shift_right_logical3A_240, %and3A_243], %gather3A_159 : memref<204x128xi32, #tpu.memory_space<vmem>>[vector<16xi32>, vector<16xi32>], vector<16xi32>,
      %add3A_244 = arith.constant 6528 : i32
      %add3A_245 = arith.addi %add3A_244, %scan3A_22#1 : i32
      %add3A_246 = arith.constant 112 : i32
      %add3A_247 = arith.addi %add3A_245, %add3A_246 : i32
      %add3A_248 = vector.broadcast %add3A_247 : i32 to vector<16xi32>
      %add3A_249 = arith.addi %add3A_248, %iota3A : vector<16xi32>
      %shift_right_logical3A_250 = arith.constant 7 : i32
      %shift_right_logical3A_251 = vector.broadcast %shift_right_logical3A_250 : i32 to vector<16xi32>
      %shift_right_logical3A_252 = arith.shrui %add3A_249, %shift_right_logical3A_251 : vector<16xi32>
      %and3A_253 = arith.constant 127 : i32
      %and3A_254 = vector.broadcast %and3A_253 : i32 to vector<16xi32>
      %and3A_255 = arith.andi %add3A_249, %and3A_254 : vector<16xi32>
      tpu.vector_store_idx %arg9[%shift_right_logical3A_252, %and3A_255], %gather3A_158 : memref<204x128xi32, #tpu.memory_space<vmem>>[vector<16xi32>, vector<16xi32>], vector<16xi32>,
      tpu.vector_store_idx %arg10[%shift_right_logical3A_252, %and3A_255], %gather3A_159 : memref<204x128xi32, #tpu.memory_space<vmem>>[vector<16xi32>, vector<16xi32>], vector<16xi32>,
      %shift_right_logical3A_256 = arith.constant 7 : i32
      %shift_right_logical3A_257 = arith.shrui %and3A_141, %shift_right_logical3A_256 : i32
      %add3A_258 = arith.constant 127 : i32
      %add3A_259 = arith.addi %scan3A_22#2, %add3A_258 : i32
      %and3A_260 = arith.constant -128 : i32
      %and3A_261 = arith.andi %add3A_259, %and3A_260 : i32
      %sub3A_262 = arith.constant 1 : i32
      %sub3A_263 = arith.subi %scan3A_22#2, %sub3A_262 : i32
      %max3A_264 = arith.constant 0 : i32
      %max3A_265 = arith.maxsi %sub3A_263, %max3A_264 : i32
      %add3A_266 = arith.constant 13056 : i32
      %add3A_267 = arith.addi %add3A_266, %max3A_265 : i32
      %broadcast_in_dim3A_268 = arith.constant 0 : i32
      %broadcast_in_dim3A_269 = vector.broadcast %broadcast_in_dim3A_268 : i32 to vector<16xi32>
      %add3A_270 = vector.broadcast %add3A_267 : i32 to vector<16xi32>
      %add3A_271 = arith.addi %add3A_270, %broadcast_in_dim3A_269 : vector<16xi32>
      %shift_right_logical3A_272 = arith.constant 7 : i32
      %shift_right_logical3A_273 = vector.broadcast %shift_right_logical3A_272 : i32 to vector<16xi32>
      %shift_right_logical3A_274 = arith.shrui %add3A_271, %shift_right_logical3A_273 : vector<16xi32>
      %and3A_275 = arith.constant 127 : i32
      %and3A_276 = vector.broadcast %and3A_275 : i32 to vector<16xi32>
      %and3A_277 = arith.andi %add3A_271, %and3A_276 : vector<16xi32>
      %gather3A_278 = tpu.vector_load_idx %arg9[%shift_right_logical3A_274, %and3A_277] : memref<204x128xi32, #tpu.memory_space<vmem>>[vector<16xi32>, vector<16xi32>], vector<16xi32>,
      %gather3A_279 = tpu.vector_load_idx %arg10[%shift_right_logical3A_274, %and3A_277] : memref<204x128xi32, #tpu.memory_space<vmem>>[vector<16xi32>, vector<16xi32>], vector<16xi32>,
      %add3A_280 = arith.constant 13056 : i32
      %add3A_281 = arith.addi %add3A_280, %scan3A_22#2 : i32
      %add3A_282 = arith.constant 0 : i32
      %add3A_283 = arith.addi %add3A_281, %add3A_282 : i32
      %add3A_284 = vector.broadcast %add3A_283 : i32 to vector<16xi32>
      %add3A_285 = arith.addi %add3A_284, %iota3A : vector<16xi32>
      %shift_right_logical3A_286 = arith.constant 7 : i32
      %shift_right_logical3A_287 = vector.broadcast %shift_right_logical3A_286 : i32 to vector<16xi32>
      %shift_right_logical3A_288 = arith.shrui %add3A_285, %shift_right_logical3A_287 : vector<16xi32>
      %and3A_289 = arith.constant 127 : i32
      %and3A_290 = vector.broadcast %and3A_289 : i32 to vector<16xi32>
      %and3A_291 = arith.andi %add3A_285, %and3A_290 : vector<16xi32>
      tpu.vector_store_idx %arg9[%shift_right_logical3A_288, %and3A_291], %gather3A_278 : memref<204x128xi32, #tpu.memory_space<vmem>>[vector<16xi32>, vector<16xi32>], vector<16xi32>,
      tpu.vector_store_idx %arg10[%shift_right_logical3A_288, %and3A_291], %gather3A_279 : memref<204x128xi32, #tpu.memory_space<vmem>>[vector<16xi32>, vector<16xi32>], vector<16xi32>,
      %add3A_292 = arith.constant 13056 : i32
      %add3A_293 = arith.addi %add3A_292, %scan3A_22#2 : i32
      %add3A_294 = arith.constant 16 : i32
      %add3A_295 = arith.addi %add3A_293, %add3A_294 : i32
      %add3A_296 = vector.broadcast %add3A_295 : i32 to vector<16xi32>
      %add3A_297 = arith.addi %add3A_296, %iota3A : vector<16xi32>
      %shift_right_logical3A_298 = arith.constant 7 : i32
      %shift_right_logical3A_299 = vector.broadcast %shift_right_logical3A_298 : i32 to vector<16xi32>
      %shift_right_logical3A_300 = arith.shrui %add3A_297, %shift_right_logical3A_299 : vector<16xi32>
      %and3A_301 = arith.constant 127 : i32
      %and3A_302 = vector.broadcast %and3A_301 : i32 to vector<16xi32>
      %and3A_303 = arith.andi %add3A_297, %and3A_302 : vector<16xi32>
      tpu.vector_store_idx %arg9[%shift_right_logical3A_300, %and3A_303], %gather3A_278 : memref<204x128xi32, #tpu.memory_space<vmem>>[vector<16xi32>, vector<16xi32>], vector<16xi32>,
      tpu.vector_store_idx %arg10[%shift_right_logical3A_300, %and3A_303], %gather3A_279 : memref<204x128xi32, #tpu.memory_space<vmem>>[vector<16xi32>, vector<16xi32>], vector<16xi32>,
      %add3A_304 = arith.constant 13056 : i32
      %add3A_305 = arith.addi %add3A_304, %scan3A_22#2 : i32
      %add3A_306 = arith.constant 32 : i32
      %add3A_307 = arith.addi %add3A_305, %add3A_306 : i32
      %add3A_308 = vector.broadcast %add3A_307 : i32 to vector<16xi32>
      %add3A_309 = arith.addi %add3A_308, %iota3A : vector<16xi32>
      %shift_right_logical3A_310 = arith.constant 7 : i32
      %shift_right_logical3A_311 = vector.broadcast %shift_right_logical3A_310 : i32 to vector<16xi32>
      %shift_right_logical3A_312 = arith.shrui %add3A_309, %shift_right_logical3A_311 : vector<16xi32>
      %and3A_313 = arith.constant 127 : i32
      %and3A_314 = vector.broadcast %and3A_313 : i32 to vector<16xi32>
      %and3A_315 = arith.andi %add3A_309, %and3A_314 : vector<16xi32>
      tpu.vector_store_idx %arg9[%shift_right_logical3A_312, %and3A_315], %gather3A_278 : memref<204x128xi32, #tpu.memory_space<vmem>>[vector<16xi32>, vector<16xi32>], vector<16xi32>,
      tpu.vector_store_idx %arg10[%shift_right_logical3A_312, %and3A_315], %gather3A_279 : memref<204x128xi32, #tpu.memory_space<vmem>>[vector<16xi32>, vector<16xi32>], vector<16xi32>,
      %add3A_316 = arith.constant 13056 : i32
      %add3A_317 = arith.addi %add3A_316, %scan3A_22#2 : i32
      %add3A_318 = arith.constant 48 : i32
      %add3A_319 = arith.addi %add3A_317, %add3A_318 : i32
      %add3A_320 = vector.broadcast %add3A_319 : i32 to vector<16xi32>
      %add3A_321 = arith.addi %add3A_320, %iota3A : vector<16xi32>
      %shift_right_logical3A_322 = arith.constant 7 : i32
      %shift_right_logical3A_323 = vector.broadcast %shift_right_logical3A_322 : i32 to vector<16xi32>
      %shift_right_logical3A_324 = arith.shrui %add3A_321, %shift_right_logical3A_323 : vector<16xi32>
      %and3A_325 = arith.constant 127 : i32
      %and3A_326 = vector.broadcast %and3A_325 : i32 to vector<16xi32>
      %and3A_327 = arith.andi %add3A_321, %and3A_326 : vector<16xi32>
      tpu.vector_store_idx %arg9[%shift_right_logical3A_324, %and3A_327], %gather3A_278 : memref<204x128xi32, #tpu.memory_space<vmem>>[vector<16xi32>, vector<16xi32>], vector<16xi32>,
      tpu.vector_store_idx %arg10[%shift_right_logical3A_324, %and3A_327], %gather3A_279 : memref<204x128xi32, #tpu.memory_space<vmem>>[vector<16xi32>, vector<16xi32>], vector<16xi32>,
      %add3A_328 = arith.constant 13056 : i32
      %add3A_329 = arith.addi %add3A_328, %scan3A_22#2 : i32
      %add3A_330 = arith.constant 64 : i32
      %add3A_331 = arith.addi %add3A_329, %add3A_330 : i32
      %add3A_332 = vector.broadcast %add3A_331 : i32 to vector<16xi32>
      %add3A_333 = arith.addi %add3A_332, %iota3A : vector<16xi32>
      %shift_right_logical3A_334 = arith.constant 7 : i32
      %shift_right_logical3A_335 = vector.broadcast %shift_right_logical3A_334 : i32 to vector<16xi32>
      %shift_right_logical3A_336 = arith.shrui %add3A_333, %shift_right_logical3A_335 : vector<16xi32>
      %and3A_337 = arith.constant 127 : i32
      %and3A_338 = vector.broadcast %and3A_337 : i32 to vector<16xi32>
      %and3A_339 = arith.andi %add3A_333, %and3A_338 : vector<16xi32>
      tpu.vector_store_idx %arg9[%shift_right_logical3A_336, %and3A_339], %gather3A_278 : memref<204x128xi32, #tpu.memory_space<vmem>>[vector<16xi32>, vector<16xi32>], vector<16xi32>,
      tpu.vector_store_idx %arg10[%shift_right_logical3A_336, %and3A_339], %gather3A_279 : memref<204x128xi32, #tpu.memory_space<vmem>>[vector<16xi32>, vector<16xi32>], vector<16xi32>,
      %add3A_340 = arith.constant 13056 : i32
      %add3A_341 = arith.addi %add3A_340, %scan3A_22#2 : i32
      %add3A_342 = arith.constant 80 : i32
      %add3A_343 = arith.addi %add3A_341, %add3A_342 : i32
      %add3A_344 = vector.broadcast %add3A_343 : i32 to vector<16xi32>
      %add3A_345 = arith.addi %add3A_344, %iota3A : vector<16xi32>
      %shift_right_logical3A_346 = arith.constant 7 : i32
      %shift_right_logical3A_347 = vector.broadcast %shift_right_logical3A_346 : i32 to vector<16xi32>
      %shift_right_logical3A_348 = arith.shrui %add3A_345, %shift_right_logical3A_347 : vector<16xi32>
      %and3A_349 = arith.constant 127 : i32
      %and3A_350 = vector.broadcast %and3A_349 : i32 to vector<16xi32>
      %and3A_351 = arith.andi %add3A_345, %and3A_350 : vector<16xi32>
      tpu.vector_store_idx %arg9[%shift_right_logical3A_348, %and3A_351], %gather3A_278 : memref<204x128xi32, #tpu.memory_space<vmem>>[vector<16xi32>, vector<16xi32>], vector<16xi32>,
      tpu.vector_store_idx %arg10[%shift_right_logical3A_348, %and3A_351], %gather3A_279 : memref<204x128xi32, #tpu.memory_space<vmem>>[vector<16xi32>, vector<16xi32>], vector<16xi32>,
      %add3A_352 = arith.constant 13056 : i32
      %add3A_353 = arith.addi %add3A_352, %scan3A_22#2 : i32
      %add3A_354 = arith.constant 96 : i32
      %add3A_355 = arith.addi %add3A_353, %add3A_354 : i32
      %add3A_356 = vector.broadcast %add3A_355 : i32 to vector<16xi32>
      %add3A_357 = arith.addi %add3A_356, %iota3A : vector<16xi32>
      %shift_right_logical3A_358 = arith.constant 7 : i32
      %shift_right_logical3A_359 = vector.broadcast %shift_right_logical3A_358 : i32 to vector<16xi32>
      %shift_right_logical3A_360 = arith.shrui %add3A_357, %shift_right_logical3A_359 : vector<16xi32>
      %and3A_361 = arith.constant 127 : i32
      %and3A_362 = vector.broadcast %and3A_361 : i32 to vector<16xi32>
      %and3A_363 = arith.andi %add3A_357, %and3A_362 : vector<16xi32>
      tpu.vector_store_idx %arg9[%shift_right_logical3A_360, %and3A_363], %gather3A_278 : memref<204x128xi32, #tpu.memory_space<vmem>>[vector<16xi32>, vector<16xi32>], vector<16xi32>,
      tpu.vector_store_idx %arg10[%shift_right_logical3A_360, %and3A_363], %gather3A_279 : memref<204x128xi32, #tpu.memory_space<vmem>>[vector<16xi32>, vector<16xi32>], vector<16xi32>,
      %add3A_364 = arith.constant 13056 : i32
      %add3A_365 = arith.addi %add3A_364, %scan3A_22#2 : i32
      %add3A_366 = arith.constant 112 : i32
      %add3A_367 = arith.addi %add3A_365, %add3A_366 : i32
      %add3A_368 = vector.broadcast %add3A_367 : i32 to vector<16xi32>
      %add3A_369 = arith.addi %add3A_368, %iota3A : vector<16xi32>
      %shift_right_logical3A_370 = arith.constant 7 : i32
      %shift_right_logical3A_371 = vector.broadcast %shift_right_logical3A_370 : i32 to vector<16xi32>
      %shift_right_logical3A_372 = arith.shrui %add3A_369, %shift_right_logical3A_371 : vector<16xi32>
      %and3A_373 = arith.constant 127 : i32
      %and3A_374 = vector.broadcast %and3A_373 : i32 to vector<16xi32>
      %and3A_375 = arith.andi %add3A_369, %and3A_374 : vector<16xi32>
      tpu.vector_store_idx %arg9[%shift_right_logical3A_372, %and3A_375], %gather3A_278 : memref<204x128xi32, #tpu.memory_space<vmem>>[vector<16xi32>, vector<16xi32>], vector<16xi32>,
      tpu.vector_store_idx %arg10[%shift_right_logical3A_372, %and3A_375], %gather3A_279 : memref<204x128xi32, #tpu.memory_space<vmem>>[vector<16xi32>, vector<16xi32>], vector<16xi32>,
      %shift_right_logical3A_376 = arith.constant 7 : i32
      %shift_right_logical3A_377 = arith.shrui %and3A_261, %shift_right_logical3A_376 : i32
      %add3A_378 = arith.constant 127 : i32
      %add3A_379 = arith.addi %scan3A_22#3, %add3A_378 : i32
      %and3A_380 = arith.constant -128 : i32
      %and3A_381 = arith.andi %add3A_379, %and3A_380 : i32
      %sub3A_382 = arith.constant 1 : i32
      %sub3A_383 = arith.subi %scan3A_22#3, %sub3A_382 : i32
      %max3A_384 = arith.constant 0 : i32
      %max3A_385 = arith.maxsi %sub3A_383, %max3A_384 : i32
      %add3A_386 = arith.constant 19584 : i32
      %add3A_387 = arith.addi %add3A_386, %max3A_385 : i32
      %broadcast_in_dim3A_388 = arith.constant 0 : i32
      %broadcast_in_dim3A_389 = vector.broadcast %broadcast_in_dim3A_388 : i32 to vector<16xi32>
      %add3A_390 = vector.broadcast %add3A_387 : i32 to vector<16xi32>
      %add3A_391 = arith.addi %add3A_390, %broadcast_in_dim3A_389 : vector<16xi32>
      %shift_right_logical3A_392 = arith.constant 7 : i32
      %shift_right_logical3A_393 = vector.broadcast %shift_right_logical3A_392 : i32 to vector<16xi32>
      %shift_right_logical3A_394 = arith.shrui %add3A_391, %shift_right_logical3A_393 : vector<16xi32>
      %and3A_395 = arith.constant 127 : i32
      %and3A_396 = vector.broadcast %and3A_395 : i32 to vector<16xi32>
      %and3A_397 = arith.andi %add3A_391, %and3A_396 : vector<16xi32>
      %gather3A_398 = tpu.vector_load_idx %arg9[%shift_right_logical3A_394, %and3A_397] : memref<204x128xi32, #tpu.memory_space<vmem>>[vector<16xi32>, vector<16xi32>], vector<16xi32>,
      %gather3A_399 = tpu.vector_load_idx %arg10[%shift_right_logical3A_394, %and3A_397] : memref<204x128xi32, #tpu.memory_space<vmem>>[vector<16xi32>, vector<16xi32>], vector<16xi32>,
      %add3A_400 = arith.constant 19584 : i32
      %add3A_401 = arith.addi %add3A_400, %scan3A_22#3 : i32
      %add3A_402 = arith.constant 0 : i32
      %add3A_403 = arith.addi %add3A_401, %add3A_402 : i32
      %add3A_404 = vector.broadcast %add3A_403 : i32 to vector<16xi32>
      %add3A_405 = arith.addi %add3A_404, %iota3A : vector<16xi32>
      %shift_right_logical3A_406 = arith.constant 7 : i32
      %shift_right_logical3A_407 = vector.broadcast %shift_right_logical3A_406 : i32 to vector<16xi32>
      %shift_right_logical3A_408 = arith.shrui %add3A_405, %shift_right_logical3A_407 : vector<16xi32>
      %and3A_409 = arith.constant 127 : i32
      %and3A_410 = vector.broadcast %and3A_409 : i32 to vector<16xi32>
      %and3A_411 = arith.andi %add3A_405, %and3A_410 : vector<16xi32>
      tpu.vector_store_idx %arg9[%shift_right_logical3A_408, %and3A_411], %gather3A_398 : memref<204x128xi32, #tpu.memory_space<vmem>>[vector<16xi32>, vector<16xi32>], vector<16xi32>,
      tpu.vector_store_idx %arg10[%shift_right_logical3A_408, %and3A_411], %gather3A_399 : memref<204x128xi32, #tpu.memory_space<vmem>>[vector<16xi32>, vector<16xi32>], vector<16xi32>,
      %add3A_412 = arith.constant 19584 : i32
      %add3A_413 = arith.addi %add3A_412, %scan3A_22#3 : i32
      %add3A_414 = arith.constant 16 : i32
      %add3A_415 = arith.addi %add3A_413, %add3A_414 : i32
      %add3A_416 = vector.broadcast %add3A_415 : i32 to vector<16xi32>
      %add3A_417 = arith.addi %add3A_416, %iota3A : vector<16xi32>
      %shift_right_logical3A_418 = arith.constant 7 : i32
      %shift_right_logical3A_419 = vector.broadcast %shift_right_logical3A_418 : i32 to vector<16xi32>
      %shift_right_logical3A_420 = arith.shrui %add3A_417, %shift_right_logical3A_419 : vector<16xi32>
      %and3A_421 = arith.constant 127 : i32
      %and3A_422 = vector.broadcast %and3A_421 : i32 to vector<16xi32>
      %and3A_423 = arith.andi %add3A_417, %and3A_422 : vector<16xi32>
      tpu.vector_store_idx %arg9[%shift_right_logical3A_420, %and3A_423], %gather3A_398 : memref<204x128xi32, #tpu.memory_space<vmem>>[vector<16xi32>, vector<16xi32>], vector<16xi32>,
      tpu.vector_store_idx %arg10[%shift_right_logical3A_420, %and3A_423], %gather3A_399 : memref<204x128xi32, #tpu.memory_space<vmem>>[vector<16xi32>, vector<16xi32>], vector<16xi32>,
      %add3A_424 = arith.constant 19584 : i32
      %add3A_425 = arith.addi %add3A_424, %scan3A_22#3 : i32
      %add3A_426 = arith.constant 32 : i32
      %add3A_427 = arith.addi %add3A_425, %add3A_426 : i32
      %add3A_428 = vector.broadcast %add3A_427 : i32 to vector<16xi32>
      %add3A_429 = arith.addi %add3A_428, %iota3A : vector<16xi32>
      %shift_right_logical3A_430 = arith.constant 7 : i32
      %shift_right_logical3A_431 = vector.broadcast %shift_right_logical3A_430 : i32 to vector<16xi32>
      %shift_right_logical3A_432 = arith.shrui %add3A_429, %shift_right_logical3A_431 : vector<16xi32>
      %and3A_433 = arith.constant 127 : i32
      %and3A_434 = vector.broadcast %and3A_433 : i32 to vector<16xi32>
      %and3A_435 = arith.andi %add3A_429, %and3A_434 : vector<16xi32>
      tpu.vector_store_idx %arg9[%shift_right_logical3A_432, %and3A_435], %gather3A_398 : memref<204x128xi32, #tpu.memory_space<vmem>>[vector<16xi32>, vector<16xi32>], vector<16xi32>,
      tpu.vector_store_idx %arg10[%shift_right_logical3A_432, %and3A_435], %gather3A_399 : memref<204x128xi32, #tpu.memory_space<vmem>>[vector<16xi32>, vector<16xi32>], vector<16xi32>,
      %add3A_436 = arith.constant 19584 : i32
      %add3A_437 = arith.addi %add3A_436, %scan3A_22#3 : i32
      %add3A_438 = arith.constant 48 : i32
      %add3A_439 = arith.addi %add3A_437, %add3A_438 : i32
      %add3A_440 = vector.broadcast %add3A_439 : i32 to vector<16xi32>
      %add3A_441 = arith.addi %add3A_440, %iota3A : vector<16xi32>
      %shift_right_logical3A_442 = arith.constant 7 : i32
      %shift_right_logical3A_443 = vector.broadcast %shift_right_logical3A_442 : i32 to vector<16xi32>
      %shift_right_logical3A_444 = arith.shrui %add3A_441, %shift_right_logical3A_443 : vector<16xi32>
      %and3A_445 = arith.constant 127 : i32
      %and3A_446 = vector.broadcast %and3A_445 : i32 to vector<16xi32>
      %and3A_447 = arith.andi %add3A_441, %and3A_446 : vector<16xi32>
      tpu.vector_store_idx %arg9[%shift_right_logical3A_444, %and3A_447], %gather3A_398 : memref<204x128xi32, #tpu.memory_space<vmem>>[vector<16xi32>, vector<16xi32>], vector<16xi32>,
      tpu.vector_store_idx %arg10[%shift_right_logical3A_444, %and3A_447], %gather3A_399 : memref<204x128xi32, #tpu.memory_space<vmem>>[vector<16xi32>, vector<16xi32>], vector<16xi32>,
      %add3A_448 = arith.constant 19584 : i32
      %add3A_449 = arith.addi %add3A_448, %scan3A_22#3 : i32
      %add3A_450 = arith.constant 64 : i32
      %add3A_451 = arith.addi %add3A_449, %add3A_450 : i32
      %add3A_452 = vector.broadcast %add3A_451 : i32 to vector<16xi32>
      %add3A_453 = arith.addi %add3A_452, %iota3A : vector<16xi32>
      %shift_right_logical3A_454 = arith.constant 7 : i32
      %shift_right_logical3A_455 = vector.broadcast %shift_right_logical3A_454 : i32 to vector<16xi32>
      %shift_right_logical3A_456 = arith.shrui %add3A_453, %shift_right_logical3A_455 : vector<16xi32>
      %and3A_457 = arith.constant 127 : i32
      %and3A_458 = vector.broadcast %and3A_457 : i32 to vector<16xi32>
      %and3A_459 = arith.andi %add3A_453, %and3A_458 : vector<16xi32>
      tpu.vector_store_idx %arg9[%shift_right_logical3A_456, %and3A_459], %gather3A_398 : memref<204x128xi32, #tpu.memory_space<vmem>>[vector<16xi32>, vector<16xi32>], vector<16xi32>,
      tpu.vector_store_idx %arg10[%shift_right_logical3A_456, %and3A_459], %gather3A_399 : memref<204x128xi32, #tpu.memory_space<vmem>>[vector<16xi32>, vector<16xi32>], vector<16xi32>,
      %add3A_460 = arith.constant 19584 : i32
      %add3A_461 = arith.addi %add3A_460, %scan3A_22#3 : i32
      %add3A_462 = arith.constant 80 : i32
      %add3A_463 = arith.addi %add3A_461, %add3A_462 : i32
      %add3A_464 = vector.broadcast %add3A_463 : i32 to vector<16xi32>
      %add3A_465 = arith.addi %add3A_464, %iota3A : vector<16xi32>
      %shift_right_logical3A_466 = arith.constant 7 : i32
      %shift_right_logical3A_467 = vector.broadcast %shift_right_logical3A_466 : i32 to vector<16xi32>
      %shift_right_logical3A_468 = arith.shrui %add3A_465, %shift_right_logical3A_467 : vector<16xi32>
      %and3A_469 = arith.constant 127 : i32
      %and3A_470 = vector.broadcast %and3A_469 : i32 to vector<16xi32>
      %and3A_471 = arith.andi %add3A_465, %and3A_470 : vector<16xi32>
      tpu.vector_store_idx %arg9[%shift_right_logical3A_468, %and3A_471], %gather3A_398 : memref<204x128xi32, #tpu.memory_space<vmem>>[vector<16xi32>, vector<16xi32>], vector<16xi32>,
      tpu.vector_store_idx %arg10[%shift_right_logical3A_468, %and3A_471], %gather3A_399 : memref<204x128xi32, #tpu.memory_space<vmem>>[vector<16xi32>, vector<16xi32>], vector<16xi32>,
      %add3A_472 = arith.constant 19584 : i32
      %add3A_473 = arith.addi %add3A_472, %scan3A_22#3 : i32
      %add3A_474 = arith.constant 96 : i32
      %add3A_475 = arith.addi %add3A_473, %add3A_474 : i32
      %add3A_476 = vector.broadcast %add3A_475 : i32 to vector<16xi32>
      %add3A_477 = arith.addi %add3A_476, %iota3A : vector<16xi32>
      %shift_right_logical3A_478 = arith.constant 7 : i32
      %shift_right_logical3A_479 = vector.broadcast %shift_right_logical3A_478 : i32 to vector<16xi32>
      %shift_right_logical3A_480 = arith.shrui %add3A_477, %shift_right_logical3A_479 : vector<16xi32>
      %and3A_481 = arith.constant 127 : i32
      %and3A_482 = vector.broadcast %and3A_481 : i32 to vector<16xi32>
      %and3A_483 = arith.andi %add3A_477, %and3A_482 : vector<16xi32>
      tpu.vector_store_idx %arg9[%shift_right_logical3A_480, %and3A_483], %gather3A_398 : memref<204x128xi32, #tpu.memory_space<vmem>>[vector<16xi32>, vector<16xi32>], vector<16xi32>,
      tpu.vector_store_idx %arg10[%shift_right_logical3A_480, %and3A_483], %gather3A_399 : memref<204x128xi32, #tpu.memory_space<vmem>>[vector<16xi32>, vector<16xi32>], vector<16xi32>,
      %add3A_484 = arith.constant 19584 : i32
      %add3A_485 = arith.addi %add3A_484, %scan3A_22#3 : i32
      %add3A_486 = arith.constant 112 : i32
      %add3A_487 = arith.addi %add3A_485, %add3A_486 : i32
      %add3A_488 = vector.broadcast %add3A_487 : i32 to vector<16xi32>
      %add3A_489 = arith.addi %add3A_488, %iota3A : vector<16xi32>
      %shift_right_logical3A_490 = arith.constant 7 : i32
      %shift_right_logical3A_491 = vector.broadcast %shift_right_logical3A_490 : i32 to vector<16xi32>
      %shift_right_logical3A_492 = arith.shrui %add3A_489, %shift_right_logical3A_491 : vector<16xi32>
      %and3A_493 = arith.constant 127 : i32
      %and3A_494 = vector.broadcast %and3A_493 : i32 to vector<16xi32>
      %and3A_495 = arith.andi %add3A_489, %and3A_494 : vector<16xi32>
      tpu.vector_store_idx %arg9[%shift_right_logical3A_492, %and3A_495], %gather3A_398 : memref<204x128xi32, #tpu.memory_space<vmem>>[vector<16xi32>, vector<16xi32>], vector<16xi32>,
      tpu.vector_store_idx %arg10[%shift_right_logical3A_492, %and3A_495], %gather3A_399 : memref<204x128xi32, #tpu.memory_space<vmem>>[vector<16xi32>, vector<16xi32>], vector<16xi32>,
      %shift_right_logical3A_496 = arith.constant 7 : i32
      %shift_right_logical3A_497 = arith.shrui %and3A_381, %shift_right_logical3A_496 : i32
      %add3A_498 = arith.addi %shift_right_logical3A_137, %shift_right_logical3A_257 : i32
      %add3A_499 = arith.addi %add3A_498, %shift_right_logical3A_377 : i32
      %add3A_500 = arith.addi %add3A_499, %shift_right_logical3A_497 : i32
      %add3A_501 = arith.constant 3 : i32
      %add3A_502 = arith.addi %add3A_500, %add3A_501 : i32
      %shift_right_arithmetic3A = arith.constant 2 : i32
      %shift_right_arithmetic3A_503 = arith.shrsi %add3A_502, %shift_right_arithmetic3A : i32
      %while3A = arith.constant 0 : i32
      %while3A_504 = arith.constant 0 : i32
      %while3A_505 = arith.constant 0 : i32
      %while3A_506 = arith.constant 0 : i32
      %while3A_507 = arith.constant 0 : i32
      %while3A_508 = arith.constant 0 : i32
      %while3A_509 = arith.constant 0 : i32
      %while3A_510 = arith.subi %shift_right_arithmetic3A_503, %while3A : i32
      %while3A_511 = arith.addi %while3A, %while3A_510 : i32
      %while3A_512 = arith.constant 1 : i32
      %while3A_513 = arith.divsi %while3A_510, %while3A_512 : i32
      %while3A_514 = arith.muli %while3A_513, %while3A_512 : i32
      %while3A_515 = arith.addi %while3A, %while3A_514 : i32
      %while3A_516 = arith.constant 1 : i32
      %while3A_517:6 = scf.for %while3A_644 = %while3A to %while3A_515 step %while3A_516 iter_args(%while3A_645 = %while3A_504, %while3A_646 = %while3A_505, %while3A_647 = %while3A_506, %while3A_648 = %while3A_507, %while3A_649 = %while3A_508, %while3A_650 = %while3A_509) -> (i32, i32, i32, i32, i32, i32)  : i32 {
        %mul3A_651 = arith.constant 4 : i32
        %mul3A_652 = arith.muli %mul3A_651, %while3A_644 : i32
        %add3A_653 = arith.constant 0 : i32
        %add3A_654 = arith.addi %mul3A_652, %add3A_653 : i32
        %ge3A_655 = arith.cmpi sge, %add3A_654, %shift_right_logical3A_137 : i32
        %ge3A_656 = arith.cmpi sge, %add3A_654, %add3A_498 : i32
        %ge3A_657 = arith.cmpi sge, %add3A_654, %add3A_499 : i32
        %jit3A = arith.constant 1 : i32
        %jit3A_658 = arith.constant 0 : i32
        %select_n3A = arith.select %ge3A_655, %jit3A, %jit3A_658 : i32
        %jit3A_659 = arith.constant 1 : i32
        %jit3A_660 = arith.constant 0 : i32
        %select_n3A_661 = arith.select %ge3A_656, %jit3A_659, %jit3A_660 : i32
        %add3A_662 = arith.addi %select_n3A, %select_n3A_661 : i32
        %jit3A_663 = arith.constant 1 : i32
        %jit3A_664 = arith.constant 0 : i32
        %select_n3A_665 = arith.select %ge3A_657, %jit3A_663, %jit3A_664 : i32
        %add3A_666 = arith.addi %add3A_662, %select_n3A_665 : i32
        %jit3A_667 = arith.constant 0 : i32
        %select_n3A_668 = arith.select %ge3A_655, %shift_right_logical3A_137, %jit3A_667 : i32
        %select_n3A_669 = arith.select %ge3A_656, %add3A_498, %select_n3A_668 : i32
        %select_n3A_670 = arith.select %ge3A_657, %add3A_499, %select_n3A_669 : i32
        %sub3A_671 = arith.subi %add3A_654, %select_n3A_670 : i32
        %lt3A = arith.cmpi slt, %add3A_654, %add3A_500 : i32
        %convert_element_type3A_672 = arith.extui %lt3A : i1 to i32
        %cond3A_673 = arith.constant 0 : i32
        %cond3A_674 = arith.cmpi ne, %convert_element_type3A_672, %cond3A_673 : i32
        scf.if %cond3A_674 {
          %ge3A_784 = arith.constant 4 : i32
          %ge3A_785 = arith.cmpi sge, %add3A_654, %ge3A_784 : i32
          %convert_element_type3A_786 = arith.extui %ge3A_785 : i1 to i32
          %cond3A_787 = arith.constant 0 : i32
          %cond3A_788 = arith.cmpi ne, %convert_element_type3A_786, %cond3A_787 : i32
          scf.if %cond3A_788 {
            %dma_wait3A = arith.constant 0 : i32
            %dma_wait3A_817 = arith.constant 0 : i32
            %dma_wait3A_818 = tpu.memref_slice %arg10[%dma_wait3A, %dma_wait3A_817] : memref<204x128xi32, #tpu.memory_space<vmem>> -> memref<1x128xi32, #tpu.memory_space<vmem>>
            %dma_wait3A_819 = tpu.memref_squeeze %dma_wait3A_818 : memref<1x128xi32, #tpu.memory_space<vmem>> -> memref<128xi32, #tpu.memory_space<vmem>>
            %dma_wait3A_820 = arith.constant 0 : i32
            %dma_wait3A_821 = arith.constant 0 : i32
            %dma_wait3A_822 = tpu.memref_slice %arg7[%dma_wait3A_820, %dma_wait3A_821] : memref<819200x64xf32, #tpu.memory_space<hbm>> -> memref<819200x64xf32, #tpu.memory_space<hbm>>
            tpu.wait_indirect_dma semaphore(%arg19 : memref<!tpu.dma_semaphore, #tpu.memory_space<semaphore_mem>>) src(%arg11 : memref<128x64xf32, #tpu.memory_space<vmem>>) dst(%dma_wait3A_822 : memref<819200x64xf32, #tpu.memory_space<hbm>>)
          } else {
          }
          %mul3A_789 = arith.constant 51 : i32
          %mul3A_790 = arith.muli %add3A_666, %mul3A_789 : i32
          %add3A_791 = arith.addi %mul3A_790, %sub3A_671 : i32
          %eq3A_792 = arith.constant 0 : i32
          %eq3A_793 = arith.cmpi eq, %add3A_666, %eq3A_792 : i32
          %convert_element_type3A_794 = arith.extui %eq3A_793 : i1 to i32
          %cond3A_795 = arith.constant 0 : i32
          %cond3A_796 = arith.cmpi ne, %convert_element_type3A_794, %cond3A_795 : i32
          scf.if %cond3A_796 {
            %dma_start3A = arith.constant 0 : i32
            %dma_start3A_817 = tpu.memref_slice %arg9[%add3A_791, %dma_start3A] : memref<204x128xi32, #tpu.memory_space<vmem>> -> memref<1x128xi32, #tpu.memory_space<vmem>>
            %dma_start3A_818 = tpu.memref_squeeze %dma_start3A_817 : memref<1x128xi32, #tpu.memory_space<vmem>> -> memref<128xi32, #tpu.memory_space<vmem>>
            %dma_start3A_819 = arith.constant 0 : i32
            %dma_start3A_820 = arith.constant 0 : i32
            %dma_start3A_821 = tpu.memref_slice %arg3[%dma_start3A_819, %dma_start3A_820] : memref<250000x64xf32, #tpu.memory_space<hbm>> -> memref<250000x64xf32, #tpu.memory_space<hbm>>
            tpu.enqueue_indirect_dma source(%dma_start3A_821 : memref<250000x64xf32, #tpu.memory_space<hbm>>) target(%arg11 : memref<128x64xf32, #tpu.memory_space<vmem>>) offsets(%dma_start3A_818 : memref<128xi32, #tpu.memory_space<vmem>>) semaphore(%arg15 : memref<!tpu.dma_semaphore, #tpu.memory_space<semaphore_mem>>)
          } else {
          }
          %eq3A_797 = arith.constant 1 : i32
          %eq3A_798 = arith.cmpi eq, %add3A_666, %eq3A_797 : i32
          %convert_element_type3A_799 = arith.extui %eq3A_798 : i1 to i32
          %cond3A_800 = arith.constant 0 : i32
          %cond3A_801 = arith.cmpi ne, %convert_element_type3A_799, %cond3A_800 : i32
          scf.if %cond3A_801 {
            %dma_start3A = arith.constant 0 : i32
            %dma_start3A_817 = tpu.memref_slice %arg9[%add3A_791, %dma_start3A] : memref<204x128xi32, #tpu.memory_space<vmem>> -> memref<1x128xi32, #tpu.memory_space<vmem>>
            %dma_start3A_818 = tpu.memref_squeeze %dma_start3A_817 : memref<1x128xi32, #tpu.memory_space<vmem>> -> memref<128xi32, #tpu.memory_space<vmem>>
            %dma_start3A_819 = arith.constant 0 : i32
            %dma_start3A_820 = arith.constant 0 : i32
            %dma_start3A_821 = tpu.memref_slice %arg4[%dma_start3A_819, %dma_start3A_820] : memref<250000x64xf32, #tpu.memory_space<hbm>> -> memref<250000x64xf32, #tpu.memory_space<hbm>>
            tpu.enqueue_indirect_dma source(%dma_start3A_821 : memref<250000x64xf32, #tpu.memory_space<hbm>>) target(%arg11 : memref<128x64xf32, #tpu.memory_space<vmem>>) offsets(%dma_start3A_818 : memref<128xi32, #tpu.memory_space<vmem>>) semaphore(%arg15 : memref<!tpu.dma_semaphore, #tpu.memory_space<semaphore_mem>>)
          } else {
          }
          %eq3A_802 = arith.constant 2 : i32
          %eq3A_803 = arith.cmpi eq, %add3A_666, %eq3A_802 : i32
          %convert_element_type3A_804 = arith.extui %eq3A_803 : i1 to i32
          %cond3A_805 = arith.constant 0 : i32
          %cond3A_806 = arith.cmpi ne, %convert_element_type3A_804, %cond3A_805 : i32
          scf.if %cond3A_806 {
            %dma_start3A = arith.constant 0 : i32
            %dma_start3A_817 = tpu.memref_slice %arg9[%add3A_791, %dma_start3A] : memref<204x128xi32, #tpu.memory_space<vmem>> -> memref<1x128xi32, #tpu.memory_space<vmem>>
            %dma_start3A_818 = tpu.memref_squeeze %dma_start3A_817 : memref<1x128xi32, #tpu.memory_space<vmem>> -> memref<128xi32, #tpu.memory_space<vmem>>
            %dma_start3A_819 = arith.constant 0 : i32
            %dma_start3A_820 = arith.constant 0 : i32
            %dma_start3A_821 = tpu.memref_slice %arg5[%dma_start3A_819, %dma_start3A_820] : memref<250000x64xf32, #tpu.memory_space<hbm>> -> memref<250000x64xf32, #tpu.memory_space<hbm>>
            tpu.enqueue_indirect_dma source(%dma_start3A_821 : memref<250000x64xf32, #tpu.memory_space<hbm>>) target(%arg11 : memref<128x64xf32, #tpu.memory_space<vmem>>) offsets(%dma_start3A_818 : memref<128xi32, #tpu.memory_space<vmem>>) semaphore(%arg15 : memref<!tpu.dma_semaphore, #tpu.memory_space<semaphore_mem>>)
          } else {
          }
          %eq3A_807 = arith.constant 3 : i32
          %eq3A_808 = arith.cmpi eq, %add3A_666, %eq3A_807 : i32
          %convert_element_type3A_809 = arith.extui %eq3A_808 : i1 to i32
          %cond3A_810 = arith.constant 0 : i32
          %cond3A_811 = arith.cmpi ne, %convert_element_type3A_809, %cond3A_810 : i32
          scf.if %cond3A_811 {
            %dma_start3A = arith.constant 0 : i32
            %dma_start3A_817 = tpu.memref_slice %arg9[%add3A_791, %dma_start3A] : memref<204x128xi32, #tpu.memory_space<vmem>> -> memref<1x128xi32, #tpu.memory_space<vmem>>
            %dma_start3A_818 = tpu.memref_squeeze %dma_start3A_817 : memref<1x128xi32, #tpu.memory_space<vmem>> -> memref<128xi32, #tpu.memory_space<vmem>>
            %dma_start3A_819 = arith.constant 0 : i32
            %dma_start3A_820 = arith.constant 0 : i32
            %dma_start3A_821 = tpu.memref_slice %arg6[%dma_start3A_819, %dma_start3A_820] : memref<250000x64xf32, #tpu.memory_space<hbm>> -> memref<250000x64xf32, #tpu.memory_space<hbm>>
            tpu.enqueue_indirect_dma source(%dma_start3A_821 : memref<250000x64xf32, #tpu.memory_space<hbm>>) target(%arg11 : memref<128x64xf32, #tpu.memory_space<vmem>>) offsets(%dma_start3A_818 : memref<128xi32, #tpu.memory_space<vmem>>) semaphore(%arg15 : memref<!tpu.dma_semaphore, #tpu.memory_space<semaphore_mem>>)
          } else {
          }
          %ge3A_812 = arith.constant 3 : i32
          %ge3A_813 = arith.cmpi sge, %add3A_654, %ge3A_812 : i32
          %convert_element_type3A_814 = arith.extui %ge3A_813 : i1 to i32
          %cond3A_815 = arith.constant 0 : i32
          %cond3A_816 = arith.cmpi ne, %convert_element_type3A_814, %cond3A_815 : i32
          scf.if %cond3A_816 {
            %dma_wait3A = arith.constant 0 : i32
            %dma_wait3A_817 = arith.constant 0 : i32
            %dma_wait3A_818 = tpu.memref_slice %arg9[%dma_wait3A, %dma_wait3A_817] : memref<204x128xi32, #tpu.memory_space<vmem>> -> memref<1x128xi32, #tpu.memory_space<vmem>>
            %dma_wait3A_819 = tpu.memref_squeeze %dma_wait3A_818 : memref<1x128xi32, #tpu.memory_space<vmem>> -> memref<128xi32, #tpu.memory_space<vmem>>
            %dma_wait3A_820 = arith.constant 0 : i32
            %dma_wait3A_821 = arith.constant 0 : i32
            %dma_wait3A_822 = tpu.memref_slice %arg3[%dma_wait3A_820, %dma_wait3A_821] : memref<250000x64xf32, #tpu.memory_space<hbm>> -> memref<250000x64xf32, #tpu.memory_space<hbm>>
            tpu.wait_indirect_dma semaphore(%arg16 : memref<!tpu.dma_semaphore, #tpu.memory_space<semaphore_mem>>) src(%dma_wait3A_822 : memref<250000x64xf32, #tpu.memory_space<hbm>>) dst(%arg12 : memref<128x64xf32, #tpu.memory_space<vmem>>)
            %mul3A_823 = arith.constant 51 : i32
            %mul3A_824 = arith.muli %while3A_649, %mul3A_823 : i32
            %add3A_825 = arith.addi %mul3A_824, %while3A_650 : i32
            %dma_start3A = arith.constant 0 : i32
            %dma_start3A_826 = tpu.memref_slice %arg10[%add3A_825, %dma_start3A] : memref<204x128xi32, #tpu.memory_space<vmem>> -> memref<1x128xi32, #tpu.memory_space<vmem>>
            %dma_start3A_827 = tpu.memref_squeeze %dma_start3A_826 : memref<1x128xi32, #tpu.memory_space<vmem>> -> memref<128xi32, #tpu.memory_space<vmem>>
            %dma_start3A_828 = arith.constant 0 : i32
            %dma_start3A_829 = arith.constant 0 : i32
            %dma_start3A_830 = tpu.memref_slice %arg7[%dma_start3A_828, %dma_start3A_829] : memref<819200x64xf32, #tpu.memory_space<hbm>> -> memref<819200x64xf32, #tpu.memory_space<hbm>>
            tpu.enqueue_indirect_dma source(%arg12 : memref<128x64xf32, #tpu.memory_space<vmem>>) target(%dma_start3A_830 : memref<819200x64xf32, #tpu.memory_space<hbm>>) offsets(%dma_start3A_827 : memref<128xi32, #tpu.memory_space<vmem>>) semaphore(%arg20 : memref<!tpu.dma_semaphore, #tpu.memory_space<semaphore_mem>>)
          } else {
          }
        } else {
        }
        %lt3A_675 = arith.cmpi slt, %add3A_654, %add3A_500 : i32
        %select_n3A_676 = arith.select %lt3A_675, %while3A_647, %while3A_649 : i32
        %select_n3A_677 = arith.select %lt3A_675, %while3A_648, %while3A_650 : i32
        %select_n3A_678 = arith.select %lt3A_675, %while3A_645, %while3A_647 : i32
        %select_n3A_679 = arith.select %lt3A_675, %while3A_646, %while3A_648 : i32
        %select_n3A_680 = arith.select %lt3A_675, %add3A_666, %while3A_645 : i32
        %select_n3A_681 = arith.select %lt3A_675, %sub3A_671, %while3A_646 : i32
        %mul3A_682 = arith.constant 4 : i32
        %mul3A_683 = arith.muli %mul3A_682, %while3A_644 : i32
        %add3A_684 = arith.constant 1 : i32
        %add3A_685 = arith.addi %mul3A_683, %add3A_684 : i32
        %ge3A_686 = arith.cmpi sge, %add3A_685, %shift_right_logical3A_137 : i32
        %ge3A_687 = arith.cmpi sge, %add3A_685, %add3A_498 : i32
        %ge3A_688 = arith.cmpi sge, %add3A_685, %add3A_499 : i32
        %jit3A_689 = arith.constant 1 : i32
        %jit3A_690 = arith.constant 0 : i32
        %select_n3A_691 = arith.select %ge3A_686, %jit3A_689, %jit3A_690 : i32
        %jit3A_692 = arith.constant 1 : i32
        %jit3A_693 = arith.constant 0 : i32
        %select_n3A_694 = arith.select %ge3A_687, %jit3A_692, %jit3A_693 : i32
        %add3A_695 = arith.addi %select_n3A_691, %select_n3A_694 : i32
        %jit3A_696 = arith.constant 1 : i32
        %jit3A_697 = arith.constant 0 : i32
        %select_n3A_698 = arith.select %ge3A_688, %jit3A_696, %jit3A_697 : i32
        %add3A_699 = arith.addi %add3A_695, %select_n3A_698 : i32
        %jit3A_700 = arith.constant 0 : i32
        %select_n3A_701 = arith.select %ge3A_686, %shift_right_logical3A_137, %jit3A_700 : i32
        %select_n3A_702 = arith.select %ge3A_687, %add3A_498, %select_n3A_701 : i32
        %select_n3A_703 = arith.select %ge3A_688, %add3A_499, %select_n3A_702 : i32
        %sub3A_704 = arith.subi %add3A_685, %select_n3A_703 : i32
        %lt3A_705 = arith.cmpi slt, %add3A_685, %add3A_500 : i32
        %convert_element_type3A_706 = arith.extui %lt3A_705 : i1 to i32
        %cond3A_707 = arith.constant 0 : i32
        %cond3A_708 = arith.cmpi ne, %convert_element_type3A_706, %cond3A_707 : i32
        scf.if %cond3A_708 {
          %ge3A_784 = arith.constant 4 : i32
          %ge3A_785 = arith.cmpi sge, %add3A_685, %ge3A_784 : i32
          %convert_element_type3A_786 = arith.extui %ge3A_785 : i1 to i32
          %cond3A_787 = arith.constant 0 : i32
          %cond3A_788 = arith.cmpi ne, %convert_element_type3A_786, %cond3A_787 : i32
          scf.if %cond3A_788 {
            %dma_wait3A = arith.constant 0 : i32
            %dma_wait3A_817 = arith.constant 0 : i32
            %dma_wait3A_818 = tpu.memref_slice %arg10[%dma_wait3A, %dma_wait3A_817] : memref<204x128xi32, #tpu.memory_space<vmem>> -> memref<1x128xi32, #tpu.memory_space<vmem>>
            %dma_wait3A_819 = tpu.memref_squeeze %dma_wait3A_818 : memref<1x128xi32, #tpu.memory_space<vmem>> -> memref<128xi32, #tpu.memory_space<vmem>>
            %dma_wait3A_820 = arith.constant 0 : i32
            %dma_wait3A_821 = arith.constant 0 : i32
            %dma_wait3A_822 = tpu.memref_slice %arg7[%dma_wait3A_820, %dma_wait3A_821] : memref<819200x64xf32, #tpu.memory_space<hbm>> -> memref<819200x64xf32, #tpu.memory_space<hbm>>
            tpu.wait_indirect_dma semaphore(%arg20 : memref<!tpu.dma_semaphore, #tpu.memory_space<semaphore_mem>>) src(%arg12 : memref<128x64xf32, #tpu.memory_space<vmem>>) dst(%dma_wait3A_822 : memref<819200x64xf32, #tpu.memory_space<hbm>>)
          } else {
          }
          %mul3A_789 = arith.constant 51 : i32
          %mul3A_790 = arith.muli %add3A_699, %mul3A_789 : i32
          %add3A_791 = arith.addi %mul3A_790, %sub3A_704 : i32
          %eq3A_792 = arith.constant 0 : i32
          %eq3A_793 = arith.cmpi eq, %add3A_699, %eq3A_792 : i32
          %convert_element_type3A_794 = arith.extui %eq3A_793 : i1 to i32
          %cond3A_795 = arith.constant 0 : i32
          %cond3A_796 = arith.cmpi ne, %convert_element_type3A_794, %cond3A_795 : i32
          scf.if %cond3A_796 {
            %dma_start3A = arith.constant 0 : i32
            %dma_start3A_817 = tpu.memref_slice %arg9[%add3A_791, %dma_start3A] : memref<204x128xi32, #tpu.memory_space<vmem>> -> memref<1x128xi32, #tpu.memory_space<vmem>>
            %dma_start3A_818 = tpu.memref_squeeze %dma_start3A_817 : memref<1x128xi32, #tpu.memory_space<vmem>> -> memref<128xi32, #tpu.memory_space<vmem>>
            %dma_start3A_819 = arith.constant 0 : i32
            %dma_start3A_820 = arith.constant 0 : i32
            %dma_start3A_821 = tpu.memref_slice %arg3[%dma_start3A_819, %dma_start3A_820] : memref<250000x64xf32, #tpu.memory_space<hbm>> -> memref<250000x64xf32, #tpu.memory_space<hbm>>
            tpu.enqueue_indirect_dma source(%dma_start3A_821 : memref<250000x64xf32, #tpu.memory_space<hbm>>) target(%arg12 : memref<128x64xf32, #tpu.memory_space<vmem>>) offsets(%dma_start3A_818 : memref<128xi32, #tpu.memory_space<vmem>>) semaphore(%arg16 : memref<!tpu.dma_semaphore, #tpu.memory_space<semaphore_mem>>)
          } else {
          }
          %eq3A_797 = arith.constant 1 : i32
          %eq3A_798 = arith.cmpi eq, %add3A_699, %eq3A_797 : i32
          %convert_element_type3A_799 = arith.extui %eq3A_798 : i1 to i32
          %cond3A_800 = arith.constant 0 : i32
          %cond3A_801 = arith.cmpi ne, %convert_element_type3A_799, %cond3A_800 : i32
          scf.if %cond3A_801 {
            %dma_start3A = arith.constant 0 : i32
            %dma_start3A_817 = tpu.memref_slice %arg9[%add3A_791, %dma_start3A] : memref<204x128xi32, #tpu.memory_space<vmem>> -> memref<1x128xi32, #tpu.memory_space<vmem>>
            %dma_start3A_818 = tpu.memref_squeeze %dma_start3A_817 : memref<1x128xi32, #tpu.memory_space<vmem>> -> memref<128xi32, #tpu.memory_space<vmem>>
            %dma_start3A_819 = arith.constant 0 : i32
            %dma_start3A_820 = arith.constant 0 : i32
            %dma_start3A_821 = tpu.memref_slice %arg4[%dma_start3A_819, %dma_start3A_820] : memref<250000x64xf32, #tpu.memory_space<hbm>> -> memref<250000x64xf32, #tpu.memory_space<hbm>>
            tpu.enqueue_indirect_dma source(%dma_start3A_821 : memref<250000x64xf32, #tpu.memory_space<hbm>>) target(%arg12 : memref<128x64xf32, #tpu.memory_space<vmem>>) offsets(%dma_start3A_818 : memref<128xi32, #tpu.memory_space<vmem>>) semaphore(%arg16 : memref<!tpu.dma_semaphore, #tpu.memory_space<semaphore_mem>>)
          } else {
          }
          %eq3A_802 = arith.constant 2 : i32
          %eq3A_803 = arith.cmpi eq, %add3A_699, %eq3A_802 : i32
          %convert_element_type3A_804 = arith.extui %eq3A_803 : i1 to i32
          %cond3A_805 = arith.constant 0 : i32
          %cond3A_806 = arith.cmpi ne, %convert_element_type3A_804, %cond3A_805 : i32
          scf.if %cond3A_806 {
            %dma_start3A = arith.constant 0 : i32
            %dma_start3A_817 = tpu.memref_slice %arg9[%add3A_791, %dma_start3A] : memref<204x128xi32, #tpu.memory_space<vmem>> -> memref<1x128xi32, #tpu.memory_space<vmem>>
            %dma_start3A_818 = tpu.memref_squeeze %dma_start3A_817 : memref<1x128xi32, #tpu.memory_space<vmem>> -> memref<128xi32, #tpu.memory_space<vmem>>
            %dma_start3A_819 = arith.constant 0 : i32
            %dma_start3A_820 = arith.constant 0 : i32
            %dma_start3A_821 = tpu.memref_slice %arg5[%dma_start3A_819, %dma_start3A_820] : memref<250000x64xf32, #tpu.memory_space<hbm>> -> memref<250000x64xf32, #tpu.memory_space<hbm>>
            tpu.enqueue_indirect_dma source(%dma_start3A_821 : memref<250000x64xf32, #tpu.memory_space<hbm>>) target(%arg12 : memref<128x64xf32, #tpu.memory_space<vmem>>) offsets(%dma_start3A_818 : memref<128xi32, #tpu.memory_space<vmem>>) semaphore(%arg16 : memref<!tpu.dma_semaphore, #tpu.memory_space<semaphore_mem>>)
          } else {
          }
          %eq3A_807 = arith.constant 3 : i32
          %eq3A_808 = arith.cmpi eq, %add3A_699, %eq3A_807 : i32
          %convert_element_type3A_809 = arith.extui %eq3A_808 : i1 to i32
          %cond3A_810 = arith.constant 0 : i32
          %cond3A_811 = arith.cmpi ne, %convert_element_type3A_809, %cond3A_810 : i32
          scf.if %cond3A_811 {
            %dma_start3A = arith.constant 0 : i32
            %dma_start3A_817 = tpu.memref_slice %arg9[%add3A_791, %dma_start3A] : memref<204x128xi32, #tpu.memory_space<vmem>> -> memref<1x128xi32, #tpu.memory_space<vmem>>
            %dma_start3A_818 = tpu.memref_squeeze %dma_start3A_817 : memref<1x128xi32, #tpu.memory_space<vmem>> -> memref<128xi32, #tpu.memory_space<vmem>>
            %dma_start3A_819 = arith.constant 0 : i32
            %dma_start3A_820 = arith.constant 0 : i32
            %dma_start3A_821 = tpu.memref_slice %arg6[%dma_start3A_819, %dma_start3A_820] : memref<250000x64xf32, #tpu.memory_space<hbm>> -> memref<250000x64xf32, #tpu.memory_space<hbm>>
            tpu.enqueue_indirect_dma source(%dma_start3A_821 : memref<250000x64xf32, #tpu.memory_space<hbm>>) target(%arg12 : memref<128x64xf32, #tpu.memory_space<vmem>>) offsets(%dma_start3A_818 : memref<128xi32, #tpu.memory_space<vmem>>) semaphore(%arg16 : memref<!tpu.dma_semaphore, #tpu.memory_space<semaphore_mem>>)
          } else {
          }
          %ge3A_812 = arith.constant 3 : i32
          %ge3A_813 = arith.cmpi sge, %add3A_685, %ge3A_812 : i32
          %convert_element_type3A_814 = arith.extui %ge3A_813 : i1 to i32
          %cond3A_815 = arith.constant 0 : i32
          %cond3A_816 = arith.cmpi ne, %convert_element_type3A_814, %cond3A_815 : i32
          scf.if %cond3A_816 {
            %dma_wait3A = arith.constant 0 : i32
            %dma_wait3A_817 = arith.constant 0 : i32
            %dma_wait3A_818 = tpu.memref_slice %arg9[%dma_wait3A, %dma_wait3A_817] : memref<204x128xi32, #tpu.memory_space<vmem>> -> memref<1x128xi32, #tpu.memory_space<vmem>>
            %dma_wait3A_819 = tpu.memref_squeeze %dma_wait3A_818 : memref<1x128xi32, #tpu.memory_space<vmem>> -> memref<128xi32, #tpu.memory_space<vmem>>
            %dma_wait3A_820 = arith.constant 0 : i32
            %dma_wait3A_821 = arith.constant 0 : i32
            %dma_wait3A_822 = tpu.memref_slice %arg3[%dma_wait3A_820, %dma_wait3A_821] : memref<250000x64xf32, #tpu.memory_space<hbm>> -> memref<250000x64xf32, #tpu.memory_space<hbm>>
            tpu.wait_indirect_dma semaphore(%arg17 : memref<!tpu.dma_semaphore, #tpu.memory_space<semaphore_mem>>) src(%dma_wait3A_822 : memref<250000x64xf32, #tpu.memory_space<hbm>>) dst(%arg13 : memref<128x64xf32, #tpu.memory_space<vmem>>)
            %mul3A_823 = arith.constant 51 : i32
            %mul3A_824 = arith.muli %select_n3A_676, %mul3A_823 : i32
            %add3A_825 = arith.addi %mul3A_824, %select_n3A_677 : i32
            %dma_start3A = arith.constant 0 : i32
            %dma_start3A_826 = tpu.memref_slice %arg10[%add3A_825, %dma_start3A] : memref<204x128xi32, #tpu.memory_space<vmem>> -> memref<1x128xi32, #tpu.memory_space<vmem>>
            %dma_start3A_827 = tpu.memref_squeeze %dma_start3A_826 : memref<1x128xi32, #tpu.memory_space<vmem>> -> memref<128xi32, #tpu.memory_space<vmem>>
            %dma_start3A_828 = arith.constant 0 : i32
            %dma_start3A_829 = arith.constant 0 : i32
            %dma_start3A_830 = tpu.memref_slice %arg7[%dma_start3A_828, %dma_start3A_829] : memref<819200x64xf32, #tpu.memory_space<hbm>> -> memref<819200x64xf32, #tpu.memory_space<hbm>>
            tpu.enqueue_indirect_dma source(%arg13 : memref<128x64xf32, #tpu.memory_space<vmem>>) target(%dma_start3A_830 : memref<819200x64xf32, #tpu.memory_space<hbm>>) offsets(%dma_start3A_827 : memref<128xi32, #tpu.memory_space<vmem>>) semaphore(%arg21 : memref<!tpu.dma_semaphore, #tpu.memory_space<semaphore_mem>>)
          } else {
          }
        } else {
        }
        %lt3A_709 = arith.cmpi slt, %add3A_685, %add3A_500 : i32
        %select_n3A_710 = arith.select %lt3A_709, %select_n3A_678, %select_n3A_676 : i32
        %select_n3A_711 = arith.select %lt3A_709, %select_n3A_679, %select_n3A_677 : i32
        %select_n3A_712 = arith.select %lt3A_709, %select_n3A_680, %select_n3A_678 : i32
        %select_n3A_713 = arith.select %lt3A_709, %select_n3A_681, %select_n3A_679 : i32
        %select_n3A_714 = arith.select %lt3A_709, %add3A_699, %select_n3A_680 : i32
        %select_n3A_715 = arith.select %lt3A_709, %sub3A_704, %select_n3A_681 : i32
        %mul3A_716 = arith.constant 4 : i32
        %mul3A_717 = arith.muli %mul3A_716, %while3A_644 : i32
        %add3A_718 = arith.constant 2 : i32
        %add3A_719 = arith.addi %mul3A_717, %add3A_718 : i32
        %ge3A_720 = arith.cmpi sge, %add3A_719, %shift_right_logical3A_137 : i32
        %ge3A_721 = arith.cmpi sge, %add3A_719, %add3A_498 : i32
        %ge3A_722 = arith.cmpi sge, %add3A_719, %add3A_499 : i32
        %jit3A_723 = arith.constant 1 : i32
        %jit3A_724 = arith.constant 0 : i32
        %select_n3A_725 = arith.select %ge3A_720, %jit3A_723, %jit3A_724 : i32
        %jit3A_726 = arith.constant 1 : i32
        %jit3A_727 = arith.constant 0 : i32
        %select_n3A_728 = arith.select %ge3A_721, %jit3A_726, %jit3A_727 : i32
        %add3A_729 = arith.addi %select_n3A_725, %select_n3A_728 : i32
        %jit3A_730 = arith.constant 1 : i32
        %jit3A_731 = arith.constant 0 : i32
        %select_n3A_732 = arith.select %ge3A_722, %jit3A_730, %jit3A_731 : i32
        %add3A_733 = arith.addi %add3A_729, %select_n3A_732 : i32
        %jit3A_734 = arith.constant 0 : i32
        %select_n3A_735 = arith.select %ge3A_720, %shift_right_logical3A_137, %jit3A_734 : i32
        %select_n3A_736 = arith.select %ge3A_721, %add3A_498, %select_n3A_735 : i32
        %select_n3A_737 = arith.select %ge3A_722, %add3A_499, %select_n3A_736 : i32
        %sub3A_738 = arith.subi %add3A_719, %select_n3A_737 : i32
        %lt3A_739 = arith.cmpi slt, %add3A_719, %add3A_500 : i32
        %convert_element_type3A_740 = arith.extui %lt3A_739 : i1 to i32
        %cond3A_741 = arith.constant 0 : i32
        %cond3A_742 = arith.cmpi ne, %convert_element_type3A_740, %cond3A_741 : i32
        scf.if %cond3A_742 {
          %ge3A_784 = arith.constant 4 : i32
          %ge3A_785 = arith.cmpi sge, %add3A_719, %ge3A_784 : i32
          %convert_element_type3A_786 = arith.extui %ge3A_785 : i1 to i32
          %cond3A_787 = arith.constant 0 : i32
          %cond3A_788 = arith.cmpi ne, %convert_element_type3A_786, %cond3A_787 : i32
          scf.if %cond3A_788 {
            %dma_wait3A = arith.constant 0 : i32
            %dma_wait3A_817 = arith.constant 0 : i32
            %dma_wait3A_818 = tpu.memref_slice %arg10[%dma_wait3A, %dma_wait3A_817] : memref<204x128xi32, #tpu.memory_space<vmem>> -> memref<1x128xi32, #tpu.memory_space<vmem>>
            %dma_wait3A_819 = tpu.memref_squeeze %dma_wait3A_818 : memref<1x128xi32, #tpu.memory_space<vmem>> -> memref<128xi32, #tpu.memory_space<vmem>>
            %dma_wait3A_820 = arith.constant 0 : i32
            %dma_wait3A_821 = arith.constant 0 : i32
            %dma_wait3A_822 = tpu.memref_slice %arg7[%dma_wait3A_820, %dma_wait3A_821] : memref<819200x64xf32, #tpu.memory_space<hbm>> -> memref<819200x64xf32, #tpu.memory_space<hbm>>
            tpu.wait_indirect_dma semaphore(%arg21 : memref<!tpu.dma_semaphore, #tpu.memory_space<semaphore_mem>>) src(%arg13 : memref<128x64xf32, #tpu.memory_space<vmem>>) dst(%dma_wait3A_822 : memref<819200x64xf32, #tpu.memory_space<hbm>>)
          } else {
          }
          %mul3A_789 = arith.constant 51 : i32
          %mul3A_790 = arith.muli %add3A_733, %mul3A_789 : i32
          %add3A_791 = arith.addi %mul3A_790, %sub3A_738 : i32
          %eq3A_792 = arith.constant 0 : i32
          %eq3A_793 = arith.cmpi eq, %add3A_733, %eq3A_792 : i32
          %convert_element_type3A_794 = arith.extui %eq3A_793 : i1 to i32
          %cond3A_795 = arith.constant 0 : i32
          %cond3A_796 = arith.cmpi ne, %convert_element_type3A_794, %cond3A_795 : i32
          scf.if %cond3A_796 {
            %dma_start3A = arith.constant 0 : i32
            %dma_start3A_817 = tpu.memref_slice %arg9[%add3A_791, %dma_start3A] : memref<204x128xi32, #tpu.memory_space<vmem>> -> memref<1x128xi32, #tpu.memory_space<vmem>>
            %dma_start3A_818 = tpu.memref_squeeze %dma_start3A_817 : memref<1x128xi32, #tpu.memory_space<vmem>> -> memref<128xi32, #tpu.memory_space<vmem>>
            %dma_start3A_819 = arith.constant 0 : i32
            %dma_start3A_820 = arith.constant 0 : i32
            %dma_start3A_821 = tpu.memref_slice %arg3[%dma_start3A_819, %dma_start3A_820] : memref<250000x64xf32, #tpu.memory_space<hbm>> -> memref<250000x64xf32, #tpu.memory_space<hbm>>
            tpu.enqueue_indirect_dma source(%dma_start3A_821 : memref<250000x64xf32, #tpu.memory_space<hbm>>) target(%arg13 : memref<128x64xf32, #tpu.memory_space<vmem>>) offsets(%dma_start3A_818 : memref<128xi32, #tpu.memory_space<vmem>>) semaphore(%arg17 : memref<!tpu.dma_semaphore, #tpu.memory_space<semaphore_mem>>)
          } else {
          }
          %eq3A_797 = arith.constant 1 : i32
          %eq3A_798 = arith.cmpi eq, %add3A_733, %eq3A_797 : i32
          %convert_element_type3A_799 = arith.extui %eq3A_798 : i1 to i32
          %cond3A_800 = arith.constant 0 : i32
          %cond3A_801 = arith.cmpi ne, %convert_element_type3A_799, %cond3A_800 : i32
          scf.if %cond3A_801 {
            %dma_start3A = arith.constant 0 : i32
            %dma_start3A_817 = tpu.memref_slice %arg9[%add3A_791, %dma_start3A] : memref<204x128xi32, #tpu.memory_space<vmem>> -> memref<1x128xi32, #tpu.memory_space<vmem>>
            %dma_start3A_818 = tpu.memref_squeeze %dma_start3A_817 : memref<1x128xi32, #tpu.memory_space<vmem>> -> memref<128xi32, #tpu.memory_space<vmem>>
            %dma_start3A_819 = arith.constant 0 : i32
            %dma_start3A_820 = arith.constant 0 : i32
            %dma_start3A_821 = tpu.memref_slice %arg4[%dma_start3A_819, %dma_start3A_820] : memref<250000x64xf32, #tpu.memory_space<hbm>> -> memref<250000x64xf32, #tpu.memory_space<hbm>>
            tpu.enqueue_indirect_dma source(%dma_start3A_821 : memref<250000x64xf32, #tpu.memory_space<hbm>>) target(%arg13 : memref<128x64xf32, #tpu.memory_space<vmem>>) offsets(%dma_start3A_818 : memref<128xi32, #tpu.memory_space<vmem>>) semaphore(%arg17 : memref<!tpu.dma_semaphore, #tpu.memory_space<semaphore_mem>>)
          } else {
          }
          %eq3A_802 = arith.constant 2 : i32
          %eq3A_803 = arith.cmpi eq, %add3A_733, %eq3A_802 : i32
          %convert_element_type3A_804 = arith.extui %eq3A_803 : i1 to i32
          %cond3A_805 = arith.constant 0 : i32
          %cond3A_806 = arith.cmpi ne, %convert_element_type3A_804, %cond3A_805 : i32
          scf.if %cond3A_806 {
            %dma_start3A = arith.constant 0 : i32
            %dma_start3A_817 = tpu.memref_slice %arg9[%add3A_791, %dma_start3A] : memref<204x128xi32, #tpu.memory_space<vmem>> -> memref<1x128xi32, #tpu.memory_space<vmem>>
            %dma_start3A_818 = tpu.memref_squeeze %dma_start3A_817 : memref<1x128xi32, #tpu.memory_space<vmem>> -> memref<128xi32, #tpu.memory_space<vmem>>
            %dma_start3A_819 = arith.constant 0 : i32
            %dma_start3A_820 = arith.constant 0 : i32
            %dma_start3A_821 = tpu.memref_slice %arg5[%dma_start3A_819, %dma_start3A_820] : memref<250000x64xf32, #tpu.memory_space<hbm>> -> memref<250000x64xf32, #tpu.memory_space<hbm>>
            tpu.enqueue_indirect_dma source(%dma_start3A_821 : memref<250000x64xf32, #tpu.memory_space<hbm>>) target(%arg13 : memref<128x64xf32, #tpu.memory_space<vmem>>) offsets(%dma_start3A_818 : memref<128xi32, #tpu.memory_space<vmem>>) semaphore(%arg17 : memref<!tpu.dma_semaphore, #tpu.memory_space<semaphore_mem>>)
          } else {
          }
          %eq3A_807 = arith.constant 3 : i32
          %eq3A_808 = arith.cmpi eq, %add3A_733, %eq3A_807 : i32
          %convert_element_type3A_809 = arith.extui %eq3A_808 : i1 to i32
          %cond3A_810 = arith.constant 0 : i32
          %cond3A_811 = arith.cmpi ne, %convert_element_type3A_809, %cond3A_810 : i32
          scf.if %cond3A_811 {
            %dma_start3A = arith.constant 0 : i32
            %dma_start3A_817 = tpu.memref_slice %arg9[%add3A_791, %dma_start3A] : memref<204x128xi32, #tpu.memory_space<vmem>> -> memref<1x128xi32, #tpu.memory_space<vmem>>
            %dma_start3A_818 = tpu.memref_squeeze %dma_start3A_817 : memref<1x128xi32, #tpu.memory_space<vmem>> -> memref<128xi32, #tpu.memory_space<vmem>>
            %dma_start3A_819 = arith.constant 0 : i32
            %dma_start3A_820 = arith.constant 0 : i32
            %dma_start3A_821 = tpu.memref_slice %arg6[%dma_start3A_819, %dma_start3A_820] : memref<250000x64xf32, #tpu.memory_space<hbm>> -> memref<250000x64xf32, #tpu.memory_space<hbm>>
            tpu.enqueue_indirect_dma source(%dma_start3A_821 : memref<250000x64xf32, #tpu.memory_space<hbm>>) target(%arg13 : memref<128x64xf32, #tpu.memory_space<vmem>>) offsets(%dma_start3A_818 : memref<128xi32, #tpu.memory_space<vmem>>) semaphore(%arg17 : memref<!tpu.dma_semaphore, #tpu.memory_space<semaphore_mem>>)
          } else {
          }
          %ge3A_812 = arith.constant 3 : i32
          %ge3A_813 = arith.cmpi sge, %add3A_719, %ge3A_812 : i32
          %convert_element_type3A_814 = arith.extui %ge3A_813 : i1 to i32
          %cond3A_815 = arith.constant 0 : i32
          %cond3A_816 = arith.cmpi ne, %convert_element_type3A_814, %cond3A_815 : i32
          scf.if %cond3A_816 {
            %dma_wait3A = arith.constant 0 : i32
            %dma_wait3A_817 = arith.constant 0 : i32
            %dma_wait3A_818 = tpu.memref_slice %arg9[%dma_wait3A, %dma_wait3A_817] : memref<204x128xi32, #tpu.memory_space<vmem>> -> memref<1x128xi32, #tpu.memory_space<vmem>>
            %dma_wait3A_819 = tpu.memref_squeeze %dma_wait3A_818 : memref<1x128xi32, #tpu.memory_space<vmem>> -> memref<128xi32, #tpu.memory_space<vmem>>
            %dma_wait3A_820 = arith.constant 0 : i32
            %dma_wait3A_821 = arith.constant 0 : i32
            %dma_wait3A_822 = tpu.memref_slice %arg3[%dma_wait3A_820, %dma_wait3A_821] : memref<250000x64xf32, #tpu.memory_space<hbm>> -> memref<250000x64xf32, #tpu.memory_space<hbm>>
            tpu.wait_indirect_dma semaphore(%arg18 : memref<!tpu.dma_semaphore, #tpu.memory_space<semaphore_mem>>) src(%dma_wait3A_822 : memref<250000x64xf32, #tpu.memory_space<hbm>>) dst(%arg14 : memref<128x64xf32, #tpu.memory_space<vmem>>)
            %mul3A_823 = arith.constant 51 : i32
            %mul3A_824 = arith.muli %select_n3A_710, %mul3A_823 : i32
            %add3A_825 = arith.addi %mul3A_824, %select_n3A_711 : i32
            %dma_start3A = arith.constant 0 : i32
            %dma_start3A_826 = tpu.memref_slice %arg10[%add3A_825, %dma_start3A] : memref<204x128xi32, #tpu.memory_space<vmem>> -> memref<1x128xi32, #tpu.memory_space<vmem>>
            %dma_start3A_827 = tpu.memref_squeeze %dma_start3A_826 : memref<1x128xi32, #tpu.memory_space<vmem>> -> memref<128xi32, #tpu.memory_space<vmem>>
            %dma_start3A_828 = arith.constant 0 : i32
            %dma_start3A_829 = arith.constant 0 : i32
            %dma_start3A_830 = tpu.memref_slice %arg7[%dma_start3A_828, %dma_start3A_829] : memref<819200x64xf32, #tpu.memory_space<hbm>> -> memref<819200x64xf32, #tpu.memory_space<hbm>>
            tpu.enqueue_indirect_dma source(%arg14 : memref<128x64xf32, #tpu.memory_space<vmem>>) target(%dma_start3A_830 : memref<819200x64xf32, #tpu.memory_space<hbm>>) offsets(%dma_start3A_827 : memref<128xi32, #tpu.memory_space<vmem>>) semaphore(%arg22 : memref<!tpu.dma_semaphore, #tpu.memory_space<semaphore_mem>>)
          } else {
          }
        } else {
        }
        %lt3A_743 = arith.cmpi slt, %add3A_719, %add3A_500 : i32
        %select_n3A_744 = arith.select %lt3A_743, %select_n3A_712, %select_n3A_710 : i32
        %select_n3A_745 = arith.select %lt3A_743, %select_n3A_713, %select_n3A_711 : i32
        %select_n3A_746 = arith.select %lt3A_743, %select_n3A_714, %select_n3A_712 : i32
        %select_n3A_747 = arith.select %lt3A_743, %select_n3A_715, %select_n3A_713 : i32
        %select_n3A_748 = arith.select %lt3A_743, %add3A_733, %select_n3A_714 : i32
        %select_n3A_749 = arith.select %lt3A_743, %sub3A_738, %select_n3A_715 : i32
        %mul3A_750 = arith.constant 4 : i32
        %mul3A_751 = arith.muli %mul3A_750, %while3A_644 : i32
        %add3A_752 = arith.constant 3 : i32
        %add3A_753 = arith.addi %mul3A_751, %add3A_752 : i32
        %ge3A_754 = arith.cmpi sge, %add3A_753, %shift_right_logical3A_137 : i32
        %ge3A_755 = arith.cmpi sge, %add3A_753, %add3A_498 : i32
        %ge3A_756 = arith.cmpi sge, %add3A_753, %add3A_499 : i32
        %jit3A_757 = arith.constant 1 : i32
        %jit3A_758 = arith.constant 0 : i32
        %select_n3A_759 = arith.select %ge3A_754, %jit3A_757, %jit3A_758 : i32
        %jit3A_760 = arith.constant 1 : i32
        %jit3A_761 = arith.constant 0 : i32
        %select_n3A_762 = arith.select %ge3A_755, %jit3A_760, %jit3A_761 : i32
        %add3A_763 = arith.addi %select_n3A_759, %select_n3A_762 : i32
        %jit3A_764 = arith.constant 1 : i32
        %jit3A_765 = arith.constant 0 : i32
        %select_n3A_766 = arith.select %ge3A_756, %jit3A_764, %jit3A_765 : i32
        %add3A_767 = arith.addi %add3A_763, %select_n3A_766 : i32
        %jit3A_768 = arith.constant 0 : i32
        %select_n3A_769 = arith.select %ge3A_754, %shift_right_logical3A_137, %jit3A_768 : i32
        %select_n3A_770 = arith.select %ge3A_755, %add3A_498, %select_n3A_769 : i32
        %select_n3A_771 = arith.select %ge3A_756, %add3A_499, %select_n3A_770 : i32
        %sub3A_772 = arith.subi %add3A_753, %select_n3A_771 : i32
        %lt3A_773 = arith.cmpi slt, %add3A_753, %add3A_500 : i32
        %convert_element_type3A_774 = arith.extui %lt3A_773 : i1 to i32
        %cond3A_775 = arith.constant 0 : i32
        %cond3A_776 = arith.cmpi ne, %convert_element_type3A_774, %cond3A_775 : i32
        scf.if %cond3A_776 {
          %ge3A_784 = arith.constant 4 : i32
          %ge3A_785 = arith.cmpi sge, %add3A_753, %ge3A_784 : i32
          %convert_element_type3A_786 = arith.extui %ge3A_785 : i1 to i32
          %cond3A_787 = arith.constant 0 : i32
          %cond3A_788 = arith.cmpi ne, %convert_element_type3A_786, %cond3A_787 : i32
          scf.if %cond3A_788 {
            %dma_wait3A = arith.constant 0 : i32
            %dma_wait3A_817 = arith.constant 0 : i32
            %dma_wait3A_818 = tpu.memref_slice %arg10[%dma_wait3A, %dma_wait3A_817] : memref<204x128xi32, #tpu.memory_space<vmem>> -> memref<1x128xi32, #tpu.memory_space<vmem>>
            %dma_wait3A_819 = tpu.memref_squeeze %dma_wait3A_818 : memref<1x128xi32, #tpu.memory_space<vmem>> -> memref<128xi32, #tpu.memory_space<vmem>>
            %dma_wait3A_820 = arith.constant 0 : i32
            %dma_wait3A_821 = arith.constant 0 : i32
            %dma_wait3A_822 = tpu.memref_slice %arg7[%dma_wait3A_820, %dma_wait3A_821] : memref<819200x64xf32, #tpu.memory_space<hbm>> -> memref<819200x64xf32, #tpu.memory_space<hbm>>
            tpu.wait_indirect_dma semaphore(%arg22 : memref<!tpu.dma_semaphore, #tpu.memory_space<semaphore_mem>>) src(%arg14 : memref<128x64xf32, #tpu.memory_space<vmem>>) dst(%dma_wait3A_822 : memref<819200x64xf32, #tpu.memory_space<hbm>>)
          } else {
          }
          %mul3A_789 = arith.constant 51 : i32
          %mul3A_790 = arith.muli %add3A_767, %mul3A_789 : i32
          %add3A_791 = arith.addi %mul3A_790, %sub3A_772 : i32
          %eq3A_792 = arith.constant 0 : i32
          %eq3A_793 = arith.cmpi eq, %add3A_767, %eq3A_792 : i32
          %convert_element_type3A_794 = arith.extui %eq3A_793 : i1 to i32
          %cond3A_795 = arith.constant 0 : i32
          %cond3A_796 = arith.cmpi ne, %convert_element_type3A_794, %cond3A_795 : i32
          scf.if %cond3A_796 {
            %dma_start3A = arith.constant 0 : i32
            %dma_start3A_817 = tpu.memref_slice %arg9[%add3A_791, %dma_start3A] : memref<204x128xi32, #tpu.memory_space<vmem>> -> memref<1x128xi32, #tpu.memory_space<vmem>>
            %dma_start3A_818 = tpu.memref_squeeze %dma_start3A_817 : memref<1x128xi32, #tpu.memory_space<vmem>> -> memref<128xi32, #tpu.memory_space<vmem>>
            %dma_start3A_819 = arith.constant 0 : i32
            %dma_start3A_820 = arith.constant 0 : i32
            %dma_start3A_821 = tpu.memref_slice %arg3[%dma_start3A_819, %dma_start3A_820] : memref<250000x64xf32, #tpu.memory_space<hbm>> -> memref<250000x64xf32, #tpu.memory_space<hbm>>
            tpu.enqueue_indirect_dma source(%dma_start3A_821 : memref<250000x64xf32, #tpu.memory_space<hbm>>) target(%arg14 : memref<128x64xf32, #tpu.memory_space<vmem>>) offsets(%dma_start3A_818 : memref<128xi32, #tpu.memory_space<vmem>>) semaphore(%arg18 : memref<!tpu.dma_semaphore, #tpu.memory_space<semaphore_mem>>)
          } else {
          }
          %eq3A_797 = arith.constant 1 : i32
          %eq3A_798 = arith.cmpi eq, %add3A_767, %eq3A_797 : i32
          %convert_element_type3A_799 = arith.extui %eq3A_798 : i1 to i32
          %cond3A_800 = arith.constant 0 : i32
          %cond3A_801 = arith.cmpi ne, %convert_element_type3A_799, %cond3A_800 : i32
          scf.if %cond3A_801 {
            %dma_start3A = arith.constant 0 : i32
            %dma_start3A_817 = tpu.memref_slice %arg9[%add3A_791, %dma_start3A] : memref<204x128xi32, #tpu.memory_space<vmem>> -> memref<1x128xi32, #tpu.memory_space<vmem>>
            %dma_start3A_818 = tpu.memref_squeeze %dma_start3A_817 : memref<1x128xi32, #tpu.memory_space<vmem>> -> memref<128xi32, #tpu.memory_space<vmem>>
            %dma_start3A_819 = arith.constant 0 : i32
            %dma_start3A_820 = arith.constant 0 : i32
            %dma_start3A_821 = tpu.memref_slice %arg4[%dma_start3A_819, %dma_start3A_820] : memref<250000x64xf32, #tpu.memory_space<hbm>> -> memref<250000x64xf32, #tpu.memory_space<hbm>>
            tpu.enqueue_indirect_dma source(%dma_start3A_821 : memref<250000x64xf32, #tpu.memory_space<hbm>>) target(%arg14 : memref<128x64xf32, #tpu.memory_space<vmem>>) offsets(%dma_start3A_818 : memref<128xi32, #tpu.memory_space<vmem>>) semaphore(%arg18 : memref<!tpu.dma_semaphore, #tpu.memory_space<semaphore_mem>>)
          } else {
          }
          %eq3A_802 = arith.constant 2 : i32
          %eq3A_803 = arith.cmpi eq, %add3A_767, %eq3A_802 : i32
          %convert_element_type3A_804 = arith.extui %eq3A_803 : i1 to i32
          %cond3A_805 = arith.constant 0 : i32
          %cond3A_806 = arith.cmpi ne, %convert_element_type3A_804, %cond3A_805 : i32
          scf.if %cond3A_806 {
            %dma_start3A = arith.constant 0 : i32
            %dma_start3A_817 = tpu.memref_slice %arg9[%add3A_791, %dma_start3A] : memref<204x128xi32, #tpu.memory_space<vmem>> -> memref<1x128xi32, #tpu.memory_space<vmem>>
            %dma_start3A_818 = tpu.memref_squeeze %dma_start3A_817 : memref<1x128xi32, #tpu.memory_space<vmem>> -> memref<128xi32, #tpu.memory_space<vmem>>
            %dma_start3A_819 = arith.constant 0 : i32
            %dma_start3A_820 = arith.constant 0 : i32
            %dma_start3A_821 = tpu.memref_slice %arg5[%dma_start3A_819, %dma_start3A_820] : memref<250000x64xf32, #tpu.memory_space<hbm>> -> memref<250000x64xf32, #tpu.memory_space<hbm>>
            tpu.enqueue_indirect_dma source(%dma_start3A_821 : memref<250000x64xf32, #tpu.memory_space<hbm>>) target(%arg14 : memref<128x64xf32, #tpu.memory_space<vmem>>) offsets(%dma_start3A_818 : memref<128xi32, #tpu.memory_space<vmem>>) semaphore(%arg18 : memref<!tpu.dma_semaphore, #tpu.memory_space<semaphore_mem>>)
          } else {
          }
          %eq3A_807 = arith.constant 3 : i32
          %eq3A_808 = arith.cmpi eq, %add3A_767, %eq3A_807 : i32
          %convert_element_type3A_809 = arith.extui %eq3A_808 : i1 to i32
          %cond3A_810 = arith.constant 0 : i32
          %cond3A_811 = arith.cmpi ne, %convert_element_type3A_809, %cond3A_810 : i32
          scf.if %cond3A_811 {
            %dma_start3A = arith.constant 0 : i32
            %dma_start3A_817 = tpu.memref_slice %arg9[%add3A_791, %dma_start3A] : memref<204x128xi32, #tpu.memory_space<vmem>> -> memref<1x128xi32, #tpu.memory_space<vmem>>
            %dma_start3A_818 = tpu.memref_squeeze %dma_start3A_817 : memref<1x128xi32, #tpu.memory_space<vmem>> -> memref<128xi32, #tpu.memory_space<vmem>>
            %dma_start3A_819 = arith.constant 0 : i32
            %dma_start3A_820 = arith.constant 0 : i32
            %dma_start3A_821 = tpu.memref_slice %arg6[%dma_start3A_819, %dma_start3A_820] : memref<250000x64xf32, #tpu.memory_space<hbm>> -> memref<250000x64xf32, #tpu.memory_space<hbm>>
            tpu.enqueue_indirect_dma source(%dma_start3A_821 : memref<250000x64xf32, #tpu.memory_space<hbm>>) target(%arg14 : memref<128x64xf32, #tpu.memory_space<vmem>>) offsets(%dma_start3A_818 : memref<128xi32, #tpu.memory_space<vmem>>) semaphore(%arg18 : memref<!tpu.dma_semaphore, #tpu.memory_space<semaphore_mem>>)
          } else {
          }
          %ge3A_812 = arith.constant 3 : i32
          %ge3A_813 = arith.cmpi sge, %add3A_753, %ge3A_812 : i32
          %convert_element_type3A_814 = arith.extui %ge3A_813 : i1 to i32
          %cond3A_815 = arith.constant 0 : i32
          %cond3A_816 = arith.cmpi ne, %convert_element_type3A_814, %cond3A_815 : i32
          scf.if %cond3A_816 {
            %dma_wait3A = arith.constant 0 : i32
            %dma_wait3A_817 = arith.constant 0 : i32
            %dma_wait3A_818 = tpu.memref_slice %arg9[%dma_wait3A, %dma_wait3A_817] : memref<204x128xi32, #tpu.memory_space<vmem>> -> memref<1x128xi32, #tpu.memory_space<vmem>>
            %dma_wait3A_819 = tpu.memref_squeeze %dma_wait3A_818 : memref<1x128xi32, #tpu.memory_space<vmem>> -> memref<128xi32, #tpu.memory_space<vmem>>
            %dma_wait3A_820 = arith.constant 0 : i32
            %dma_wait3A_821 = arith.constant 0 : i32
            %dma_wait3A_822 = tpu.memref_slice %arg3[%dma_wait3A_820, %dma_wait3A_821] : memref<250000x64xf32, #tpu.memory_space<hbm>> -> memref<250000x64xf32, #tpu.memory_space<hbm>>
            tpu.wait_indirect_dma semaphore(%arg15 : memref<!tpu.dma_semaphore, #tpu.memory_space<semaphore_mem>>) src(%dma_wait3A_822 : memref<250000x64xf32, #tpu.memory_space<hbm>>) dst(%arg11 : memref<128x64xf32, #tpu.memory_space<vmem>>)
            %mul3A_823 = arith.constant 51 : i32
            %mul3A_824 = arith.muli %select_n3A_744, %mul3A_823 : i32
            %add3A_825 = arith.addi %mul3A_824, %select_n3A_745 : i32
            %dma_start3A = arith.constant 0 : i32
            %dma_start3A_826 = tpu.memref_slice %arg10[%add3A_825, %dma_start3A] : memref<204x128xi32, #tpu.memory_space<vmem>> -> memref<1x128xi32, #tpu.memory_space<vmem>>
            %dma_start3A_827 = tpu.memref_squeeze %dma_start3A_826 : memref<1x128xi32, #tpu.memory_space<vmem>> -> memref<128xi32, #tpu.memory_space<vmem>>
            %dma_start3A_828 = arith.constant 0 : i32
            %dma_start3A_829 = arith.constant 0 : i32
            %dma_start3A_830 = tpu.memref_slice %arg7[%dma_start3A_828, %dma_start3A_829] : memref<819200x64xf32, #tpu.memory_space<hbm>> -> memref<819200x64xf32, #tpu.memory_space<hbm>>
            tpu.enqueue_indirect_dma source(%arg11 : memref<128x64xf32, #tpu.memory_space<vmem>>) target(%dma_start3A_830 : memref<819200x64xf32, #tpu.memory_space<hbm>>) offsets(%dma_start3A_827 : memref<128xi32, #tpu.memory_space<vmem>>) semaphore(%arg19 : memref<!tpu.dma_semaphore, #tpu.memory_space<semaphore_mem>>)
          } else {
          }
        } else {
        }
        %lt3A_777 = arith.cmpi slt, %add3A_753, %add3A_500 : i32
        %select_n3A_778 = arith.select %lt3A_777, %select_n3A_746, %select_n3A_744 : i32
        %select_n3A_779 = arith.select %lt3A_777, %select_n3A_747, %select_n3A_745 : i32
        %select_n3A_780 = arith.select %lt3A_777, %select_n3A_748, %select_n3A_746 : i32
        %select_n3A_781 = arith.select %lt3A_777, %select_n3A_749, %select_n3A_747 : i32
        %select_n3A_782 = arith.select %lt3A_777, %add3A_767, %select_n3A_748 : i32
        %select_n3A_783 = arith.select %lt3A_777, %sub3A_772, %select_n3A_749 : i32
        scf.yield %select_n3A_782, %select_n3A_783, %select_n3A_780, %select_n3A_781, %select_n3A_778, %select_n3A_779 : i32, i32, i32, i32, i32, i32
      }
      %while3A_518 = arith.constant 1 : i32
      %while3A_519:6 = scf.for %while3A_644 = %while3A_515 to %while3A_511 step %while3A_518 iter_args(%while3A_645 = %while3A_517#0, %while3A_646 = %while3A_517#1, %while3A_647 = %while3A_517#2, %while3A_648 = %while3A_517#3, %while3A_649 = %while3A_517#4, %while3A_650 = %while3A_517#5) -> (i32, i32, i32, i32, i32, i32)  : i32 {
        %mul3A_651 = arith.constant 4 : i32
        %mul3A_652 = arith.muli %mul3A_651, %while3A_644 : i32
        %add3A_653 = arith.constant 0 : i32
        %add3A_654 = arith.addi %mul3A_652, %add3A_653 : i32
        %ge3A_655 = arith.cmpi sge, %add3A_654, %shift_right_logical3A_137 : i32
        %ge3A_656 = arith.cmpi sge, %add3A_654, %add3A_498 : i32
        %ge3A_657 = arith.cmpi sge, %add3A_654, %add3A_499 : i32
        %jit3A = arith.constant 1 : i32
        %jit3A_658 = arith.constant 0 : i32
        %select_n3A = arith.select %ge3A_655, %jit3A, %jit3A_658 : i32
        %jit3A_659 = arith.constant 1 : i32
        %jit3A_660 = arith.constant 0 : i32
        %select_n3A_661 = arith.select %ge3A_656, %jit3A_659, %jit3A_660 : i32
        %add3A_662 = arith.addi %select_n3A, %select_n3A_661 : i32
        %jit3A_663 = arith.constant 1 : i32
        %jit3A_664 = arith.constant 0 : i32
        %select_n3A_665 = arith.select %ge3A_657, %jit3A_663, %jit3A_664 : i32
        %add3A_666 = arith.addi %add3A_662, %select_n3A_665 : i32
        %jit3A_667 = arith.constant 0 : i32
        %select_n3A_668 = arith.select %ge3A_655, %shift_right_logical3A_137, %jit3A_667 : i32
        %select_n3A_669 = arith.select %ge3A_656, %add3A_498, %select_n3A_668 : i32
        %select_n3A_670 = arith.select %ge3A_657, %add3A_499, %select_n3A_669 : i32
        %sub3A_671 = arith.subi %add3A_654, %select_n3A_670 : i32
        %lt3A = arith.cmpi slt, %add3A_654, %add3A_500 : i32
        %convert_element_type3A_672 = arith.extui %lt3A : i1 to i32
        %cond3A_673 = arith.constant 0 : i32
        %cond3A_674 = arith.cmpi ne, %convert_element_type3A_672, %cond3A_673 : i32
        scf.if %cond3A_674 {
          %ge3A_784 = arith.constant 4 : i32
          %ge3A_785 = arith.cmpi sge, %add3A_654, %ge3A_784 : i32
          %convert_element_type3A_786 = arith.extui %ge3A_785 : i1 to i32
          %cond3A_787 = arith.constant 0 : i32
          %cond3A_788 = arith.cmpi ne, %convert_element_type3A_786, %cond3A_787 : i32
          scf.if %cond3A_788 {
            %dma_wait3A = arith.constant 0 : i32
            %dma_wait3A_817 = arith.constant 0 : i32
            %dma_wait3A_818 = tpu.memref_slice %arg10[%dma_wait3A, %dma_wait3A_817] : memref<204x128xi32, #tpu.memory_space<vmem>> -> memref<1x128xi32, #tpu.memory_space<vmem>>
            %dma_wait3A_819 = tpu.memref_squeeze %dma_wait3A_818 : memref<1x128xi32, #tpu.memory_space<vmem>> -> memref<128xi32, #tpu.memory_space<vmem>>
            %dma_wait3A_820 = arith.constant 0 : i32
            %dma_wait3A_821 = arith.constant 0 : i32
            %dma_wait3A_822 = tpu.memref_slice %arg7[%dma_wait3A_820, %dma_wait3A_821] : memref<819200x64xf32, #tpu.memory_space<hbm>> -> memref<819200x64xf32, #tpu.memory_space<hbm>>
            tpu.wait_indirect_dma semaphore(%arg19 : memref<!tpu.dma_semaphore, #tpu.memory_space<semaphore_mem>>) src(%arg11 : memref<128x64xf32, #tpu.memory_space<vmem>>) dst(%dma_wait3A_822 : memref<819200x64xf32, #tpu.memory_space<hbm>>)
          } else {
          }
          %mul3A_789 = arith.constant 51 : i32
          %mul3A_790 = arith.muli %add3A_666, %mul3A_789 : i32
          %add3A_791 = arith.addi %mul3A_790, %sub3A_671 : i32
          %eq3A_792 = arith.constant 0 : i32
          %eq3A_793 = arith.cmpi eq, %add3A_666, %eq3A_792 : i32
          %convert_element_type3A_794 = arith.extui %eq3A_793 : i1 to i32
          %cond3A_795 = arith.constant 0 : i32
          %cond3A_796 = arith.cmpi ne, %convert_element_type3A_794, %cond3A_795 : i32
          scf.if %cond3A_796 {
            %dma_start3A = arith.constant 0 : i32
            %dma_start3A_817 = tpu.memref_slice %arg9[%add3A_791, %dma_start3A] : memref<204x128xi32, #tpu.memory_space<vmem>> -> memref<1x128xi32, #tpu.memory_space<vmem>>
            %dma_start3A_818 = tpu.memref_squeeze %dma_start3A_817 : memref<1x128xi32, #tpu.memory_space<vmem>> -> memref<128xi32, #tpu.memory_space<vmem>>
            %dma_start3A_819 = arith.constant 0 : i32
            %dma_start3A_820 = arith.constant 0 : i32
            %dma_start3A_821 = tpu.memref_slice %arg3[%dma_start3A_819, %dma_start3A_820] : memref<250000x64xf32, #tpu.memory_space<hbm>> -> memref<250000x64xf32, #tpu.memory_space<hbm>>
            tpu.enqueue_indirect_dma source(%dma_start3A_821 : memref<250000x64xf32, #tpu.memory_space<hbm>>) target(%arg11 : memref<128x64xf32, #tpu.memory_space<vmem>>) offsets(%dma_start3A_818 : memref<128xi32, #tpu.memory_space<vmem>>) semaphore(%arg15 : memref<!tpu.dma_semaphore, #tpu.memory_space<semaphore_mem>>)
          } else {
          }
          %eq3A_797 = arith.constant 1 : i32
          %eq3A_798 = arith.cmpi eq, %add3A_666, %eq3A_797 : i32
          %convert_element_type3A_799 = arith.extui %eq3A_798 : i1 to i32
          %cond3A_800 = arith.constant 0 : i32
          %cond3A_801 = arith.cmpi ne, %convert_element_type3A_799, %cond3A_800 : i32
          scf.if %cond3A_801 {
            %dma_start3A = arith.constant 0 : i32
            %dma_start3A_817 = tpu.memref_slice %arg9[%add3A_791, %dma_start3A] : memref<204x128xi32, #tpu.memory_space<vmem>> -> memref<1x128xi32, #tpu.memory_space<vmem>>
            %dma_start3A_818 = tpu.memref_squeeze %dma_start3A_817 : memref<1x128xi32, #tpu.memory_space<vmem>> -> memref<128xi32, #tpu.memory_space<vmem>>
            %dma_start3A_819 = arith.constant 0 : i32
            %dma_start3A_820 = arith.constant 0 : i32
            %dma_start3A_821 = tpu.memref_slice %arg4[%dma_start3A_819, %dma_start3A_820] : memref<250000x64xf32, #tpu.memory_space<hbm>> -> memref<250000x64xf32, #tpu.memory_space<hbm>>
            tpu.enqueue_indirect_dma source(%dma_start3A_821 : memref<250000x64xf32, #tpu.memory_space<hbm>>) target(%arg11 : memref<128x64xf32, #tpu.memory_space<vmem>>) offsets(%dma_start3A_818 : memref<128xi32, #tpu.memory_space<vmem>>) semaphore(%arg15 : memref<!tpu.dma_semaphore, #tpu.memory_space<semaphore_mem>>)
          } else {
          }
          %eq3A_802 = arith.constant 2 : i32
          %eq3A_803 = arith.cmpi eq, %add3A_666, %eq3A_802 : i32
          %convert_element_type3A_804 = arith.extui %eq3A_803 : i1 to i32
          %cond3A_805 = arith.constant 0 : i32
          %cond3A_806 = arith.cmpi ne, %convert_element_type3A_804, %cond3A_805 : i32
          scf.if %cond3A_806 {
            %dma_start3A = arith.constant 0 : i32
            %dma_start3A_817 = tpu.memref_slice %arg9[%add3A_791, %dma_start3A] : memref<204x128xi32, #tpu.memory_space<vmem>> -> memref<1x128xi32, #tpu.memory_space<vmem>>
            %dma_start3A_818 = tpu.memref_squeeze %dma_start3A_817 : memref<1x128xi32, #tpu.memory_space<vmem>> -> memref<128xi32, #tpu.memory_space<vmem>>
            %dma_start3A_819 = arith.constant 0 : i32
            %dma_start3A_820 = arith.constant 0 : i32
            %dma_start3A_821 = tpu.memref_slice %arg5[%dma_start3A_819, %dma_start3A_820] : memref<250000x64xf32, #tpu.memory_space<hbm>> -> memref<250000x64xf32, #tpu.memory_space<hbm>>
            tpu.enqueue_indirect_dma source(%dma_start3A_821 : memref<250000x64xf32, #tpu.memory_space<hbm>>) target(%arg11 : memref<128x64xf32, #tpu.memory_space<vmem>>) offsets(%dma_start3A_818 : memref<128xi32, #tpu.memory_space<vmem>>) semaphore(%arg15 : memref<!tpu.dma_semaphore, #tpu.memory_space<semaphore_mem>>)
          } else {
          }
          %eq3A_807 = arith.constant 3 : i32
          %eq3A_808 = arith.cmpi eq, %add3A_666, %eq3A_807 : i32
          %convert_element_type3A_809 = arith.extui %eq3A_808 : i1 to i32
          %cond3A_810 = arith.constant 0 : i32
          %cond3A_811 = arith.cmpi ne, %convert_element_type3A_809, %cond3A_810 : i32
          scf.if %cond3A_811 {
            %dma_start3A = arith.constant 0 : i32
            %dma_start3A_817 = tpu.memref_slice %arg9[%add3A_791, %dma_start3A] : memref<204x128xi32, #tpu.memory_space<vmem>> -> memref<1x128xi32, #tpu.memory_space<vmem>>
            %dma_start3A_818 = tpu.memref_squeeze %dma_start3A_817 : memref<1x128xi32, #tpu.memory_space<vmem>> -> memref<128xi32, #tpu.memory_space<vmem>>
            %dma_start3A_819 = arith.constant 0 : i32
            %dma_start3A_820 = arith.constant 0 : i32
            %dma_start3A_821 = tpu.memref_slice %arg6[%dma_start3A_819, %dma_start3A_820] : memref<250000x64xf32, #tpu.memory_space<hbm>> -> memref<250000x64xf32, #tpu.memory_space<hbm>>
            tpu.enqueue_indirect_dma source(%dma_start3A_821 : memref<250000x64xf32, #tpu.memory_space<hbm>>) target(%arg11 : memref<128x64xf32, #tpu.memory_space<vmem>>) offsets(%dma_start3A_818 : memref<128xi32, #tpu.memory_space<vmem>>) semaphore(%arg15 : memref<!tpu.dma_semaphore, #tpu.memory_space<semaphore_mem>>)
          } else {
          }
          %ge3A_812 = arith.constant 3 : i32
          %ge3A_813 = arith.cmpi sge, %add3A_654, %ge3A_812 : i32
          %convert_element_type3A_814 = arith.extui %ge3A_813 : i1 to i32
          %cond3A_815 = arith.constant 0 : i32
          %cond3A_816 = arith.cmpi ne, %convert_element_type3A_814, %cond3A_815 : i32
          scf.if %cond3A_816 {
            %dma_wait3A = arith.constant 0 : i32
            %dma_wait3A_817 = arith.constant 0 : i32
            %dma_wait3A_818 = tpu.memref_slice %arg9[%dma_wait3A, %dma_wait3A_817] : memref<204x128xi32, #tpu.memory_space<vmem>> -> memref<1x128xi32, #tpu.memory_space<vmem>>
            %dma_wait3A_819 = tpu.memref_squeeze %dma_wait3A_818 : memref<1x128xi32, #tpu.memory_space<vmem>> -> memref<128xi32, #tpu.memory_space<vmem>>
            %dma_wait3A_820 = arith.constant 0 : i32
            %dma_wait3A_821 = arith.constant 0 : i32
            %dma_wait3A_822 = tpu.memref_slice %arg3[%dma_wait3A_820, %dma_wait3A_821] : memref<250000x64xf32, #tpu.memory_space<hbm>> -> memref<250000x64xf32, #tpu.memory_space<hbm>>
            tpu.wait_indirect_dma semaphore(%arg16 : memref<!tpu.dma_semaphore, #tpu.memory_space<semaphore_mem>>) src(%dma_wait3A_822 : memref<250000x64xf32, #tpu.memory_space<hbm>>) dst(%arg12 : memref<128x64xf32, #tpu.memory_space<vmem>>)
            %mul3A_823 = arith.constant 51 : i32
            %mul3A_824 = arith.muli %while3A_649, %mul3A_823 : i32
            %add3A_825 = arith.addi %mul3A_824, %while3A_650 : i32
            %dma_start3A = arith.constant 0 : i32
            %dma_start3A_826 = tpu.memref_slice %arg10[%add3A_825, %dma_start3A] : memref<204x128xi32, #tpu.memory_space<vmem>> -> memref<1x128xi32, #tpu.memory_space<vmem>>
            %dma_start3A_827 = tpu.memref_squeeze %dma_start3A_826 : memref<1x128xi32, #tpu.memory_space<vmem>> -> memref<128xi32, #tpu.memory_space<vmem>>
            %dma_start3A_828 = arith.constant 0 : i32
            %dma_start3A_829 = arith.constant 0 : i32
            %dma_start3A_830 = tpu.memref_slice %arg7[%dma_start3A_828, %dma_start3A_829] : memref<819200x64xf32, #tpu.memory_space<hbm>> -> memref<819200x64xf32, #tpu.memory_space<hbm>>
            tpu.enqueue_indirect_dma source(%arg12 : memref<128x64xf32, #tpu.memory_space<vmem>>) target(%dma_start3A_830 : memref<819200x64xf32, #tpu.memory_space<hbm>>) offsets(%dma_start3A_827 : memref<128xi32, #tpu.memory_space<vmem>>) semaphore(%arg20 : memref<!tpu.dma_semaphore, #tpu.memory_space<semaphore_mem>>)
          } else {
          }
        } else {
        }
        %lt3A_675 = arith.cmpi slt, %add3A_654, %add3A_500 : i32
        %select_n3A_676 = arith.select %lt3A_675, %while3A_647, %while3A_649 : i32
        %select_n3A_677 = arith.select %lt3A_675, %while3A_648, %while3A_650 : i32
        %select_n3A_678 = arith.select %lt3A_675, %while3A_645, %while3A_647 : i32
        %select_n3A_679 = arith.select %lt3A_675, %while3A_646, %while3A_648 : i32
        %select_n3A_680 = arith.select %lt3A_675, %add3A_666, %while3A_645 : i32
        %select_n3A_681 = arith.select %lt3A_675, %sub3A_671, %while3A_646 : i32
        %mul3A_682 = arith.constant 4 : i32
        %mul3A_683 = arith.muli %mul3A_682, %while3A_644 : i32
        %add3A_684 = arith.constant 1 : i32
        %add3A_685 = arith.addi %mul3A_683, %add3A_684 : i32
        %ge3A_686 = arith.cmpi sge, %add3A_685, %shift_right_logical3A_137 : i32
        %ge3A_687 = arith.cmpi sge, %add3A_685, %add3A_498 : i32
        %ge3A_688 = arith.cmpi sge, %add3A_685, %add3A_499 : i32
        %jit3A_689 = arith.constant 1 : i32
        %jit3A_690 = arith.constant 0 : i32
        %select_n3A_691 = arith.select %ge3A_686, %jit3A_689, %jit3A_690 : i32
        %jit3A_692 = arith.constant 1 : i32
        %jit3A_693 = arith.constant 0 : i32
        %select_n3A_694 = arith.select %ge3A_687, %jit3A_692, %jit3A_693 : i32
        %add3A_695 = arith.addi %select_n3A_691, %select_n3A_694 : i32
        %jit3A_696 = arith.constant 1 : i32
        %jit3A_697 = arith.constant 0 : i32
        %select_n3A_698 = arith.select %ge3A_688, %jit3A_696, %jit3A_697 : i32
        %add3A_699 = arith.addi %add3A_695, %select_n3A_698 : i32
        %jit3A_700 = arith.constant 0 : i32
        %select_n3A_701 = arith.select %ge3A_686, %shift_right_logical3A_137, %jit3A_700 : i32
        %select_n3A_702 = arith.select %ge3A_687, %add3A_498, %select_n3A_701 : i32
        %select_n3A_703 = arith.select %ge3A_688, %add3A_499, %select_n3A_702 : i32
        %sub3A_704 = arith.subi %add3A_685, %select_n3A_703 : i32
        %lt3A_705 = arith.cmpi slt, %add3A_685, %add3A_500 : i32
        %convert_element_type3A_706 = arith.extui %lt3A_705 : i1 to i32
        %cond3A_707 = arith.constant 0 : i32
        %cond3A_708 = arith.cmpi ne, %convert_element_type3A_706, %cond3A_707 : i32
        scf.if %cond3A_708 {
          %ge3A_784 = arith.constant 4 : i32
          %ge3A_785 = arith.cmpi sge, %add3A_685, %ge3A_784 : i32
          %convert_element_type3A_786 = arith.extui %ge3A_785 : i1 to i32
          %cond3A_787 = arith.constant 0 : i32
          %cond3A_788 = arith.cmpi ne, %convert_element_type3A_786, %cond3A_787 : i32
          scf.if %cond3A_788 {
            %dma_wait3A = arith.constant 0 : i32
            %dma_wait3A_817 = arith.constant 0 : i32
            %dma_wait3A_818 = tpu.memref_slice %arg10[%dma_wait3A, %dma_wait3A_817] : memref<204x128xi32, #tpu.memory_space<vmem>> -> memref<1x128xi32, #tpu.memory_space<vmem>>
            %dma_wait3A_819 = tpu.memref_squeeze %dma_wait3A_818 : memref<1x128xi32, #tpu.memory_space<vmem>> -> memref<128xi32, #tpu.memory_space<vmem>>
            %dma_wait3A_820 = arith.constant 0 : i32
            %dma_wait3A_821 = arith.constant 0 : i32
            %dma_wait3A_822 = tpu.memref_slice %arg7[%dma_wait3A_820, %dma_wait3A_821] : memref<819200x64xf32, #tpu.memory_space<hbm>> -> memref<819200x64xf32, #tpu.memory_space<hbm>>
            tpu.wait_indirect_dma semaphore(%arg20 : memref<!tpu.dma_semaphore, #tpu.memory_space<semaphore_mem>>) src(%arg12 : memref<128x64xf32, #tpu.memory_space<vmem>>) dst(%dma_wait3A_822 : memref<819200x64xf32, #tpu.memory_space<hbm>>)
          } else {
          }
          %mul3A_789 = arith.constant 51 : i32
          %mul3A_790 = arith.muli %add3A_699, %mul3A_789 : i32
          %add3A_791 = arith.addi %mul3A_790, %sub3A_704 : i32
          %eq3A_792 = arith.constant 0 : i32
          %eq3A_793 = arith.cmpi eq, %add3A_699, %eq3A_792 : i32
          %convert_element_type3A_794 = arith.extui %eq3A_793 : i1 to i32
          %cond3A_795 = arith.constant 0 : i32
          %cond3A_796 = arith.cmpi ne, %convert_element_type3A_794, %cond3A_795 : i32
          scf.if %cond3A_796 {
            %dma_start3A = arith.constant 0 : i32
            %dma_start3A_817 = tpu.memref_slice %arg9[%add3A_791, %dma_start3A] : memref<204x128xi32, #tpu.memory_space<vmem>> -> memref<1x128xi32, #tpu.memory_space<vmem>>
            %dma_start3A_818 = tpu.memref_squeeze %dma_start3A_817 : memref<1x128xi32, #tpu.memory_space<vmem>> -> memref<128xi32, #tpu.memory_space<vmem>>
            %dma_start3A_819 = arith.constant 0 : i32
            %dma_start3A_820 = arith.constant 0 : i32
            %dma_start3A_821 = tpu.memref_slice %arg3[%dma_start3A_819, %dma_start3A_820] : memref<250000x64xf32, #tpu.memory_space<hbm>> -> memref<250000x64xf32, #tpu.memory_space<hbm>>
            tpu.enqueue_indirect_dma source(%dma_start3A_821 : memref<250000x64xf32, #tpu.memory_space<hbm>>) target(%arg12 : memref<128x64xf32, #tpu.memory_space<vmem>>) offsets(%dma_start3A_818 : memref<128xi32, #tpu.memory_space<vmem>>) semaphore(%arg16 : memref<!tpu.dma_semaphore, #tpu.memory_space<semaphore_mem>>)
          } else {
          }
          %eq3A_797 = arith.constant 1 : i32
          %eq3A_798 = arith.cmpi eq, %add3A_699, %eq3A_797 : i32
          %convert_element_type3A_799 = arith.extui %eq3A_798 : i1 to i32
          %cond3A_800 = arith.constant 0 : i32
          %cond3A_801 = arith.cmpi ne, %convert_element_type3A_799, %cond3A_800 : i32
          scf.if %cond3A_801 {
            %dma_start3A = arith.constant 0 : i32
            %dma_start3A_817 = tpu.memref_slice %arg9[%add3A_791, %dma_start3A] : memref<204x128xi32, #tpu.memory_space<vmem>> -> memref<1x128xi32, #tpu.memory_space<vmem>>
            %dma_start3A_818 = tpu.memref_squeeze %dma_start3A_817 : memref<1x128xi32, #tpu.memory_space<vmem>> -> memref<128xi32, #tpu.memory_space<vmem>>
            %dma_start3A_819 = arith.constant 0 : i32
            %dma_start3A_820 = arith.constant 0 : i32
            %dma_start3A_821 = tpu.memref_slice %arg4[%dma_start3A_819, %dma_start3A_820] : memref<250000x64xf32, #tpu.memory_space<hbm>> -> memref<250000x64xf32, #tpu.memory_space<hbm>>
            tpu.enqueue_indirect_dma source(%dma_start3A_821 : memref<250000x64xf32, #tpu.memory_space<hbm>>) target(%arg12 : memref<128x64xf32, #tpu.memory_space<vmem>>) offsets(%dma_start3A_818 : memref<128xi32, #tpu.memory_space<vmem>>) semaphore(%arg16 : memref<!tpu.dma_semaphore, #tpu.memory_space<semaphore_mem>>)
          } else {
          }
          %eq3A_802 = arith.constant 2 : i32
          %eq3A_803 = arith.cmpi eq, %add3A_699, %eq3A_802 : i32
          %convert_element_type3A_804 = arith.extui %eq3A_803 : i1 to i32
          %cond3A_805 = arith.constant 0 : i32
          %cond3A_806 = arith.cmpi ne, %convert_element_type3A_804, %cond3A_805 : i32
          scf.if %cond3A_806 {
            %dma_start3A = arith.constant 0 : i32
            %dma_start3A_817 = tpu.memref_slice %arg9[%add3A_791, %dma_start3A] : memref<204x128xi32, #tpu.memory_space<vmem>> -> memref<1x128xi32, #tpu.memory_space<vmem>>
            %dma_start3A_818 = tpu.memref_squeeze %dma_start3A_817 : memref<1x128xi32, #tpu.memory_space<vmem>> -> memref<128xi32, #tpu.memory_space<vmem>>
            %dma_start3A_819 = arith.constant 0 : i32
            %dma_start3A_820 = arith.constant 0 : i32
            %dma_start3A_821 = tpu.memref_slice %arg5[%dma_start3A_819, %dma_start3A_820] : memref<250000x64xf32, #tpu.memory_space<hbm>> -> memref<250000x64xf32, #tpu.memory_space<hbm>>
            tpu.enqueue_indirect_dma source(%dma_start3A_821 : memref<250000x64xf32, #tpu.memory_space<hbm>>) target(%arg12 : memref<128x64xf32, #tpu.memory_space<vmem>>) offsets(%dma_start3A_818 : memref<128xi32, #tpu.memory_space<vmem>>) semaphore(%arg16 : memref<!tpu.dma_semaphore, #tpu.memory_space<semaphore_mem>>)
          } else {
          }
          %eq3A_807 = arith.constant 3 : i32
          %eq3A_808 = arith.cmpi eq, %add3A_699, %eq3A_807 : i32
          %convert_element_type3A_809 = arith.extui %eq3A_808 : i1 to i32
          %cond3A_810 = arith.constant 0 : i32
          %cond3A_811 = arith.cmpi ne, %convert_element_type3A_809, %cond3A_810 : i32
          scf.if %cond3A_811 {
            %dma_start3A = arith.constant 0 : i32
            %dma_start3A_817 = tpu.memref_slice %arg9[%add3A_791, %dma_start3A] : memref<204x128xi32, #tpu.memory_space<vmem>> -> memref<1x128xi32, #tpu.memory_space<vmem>>
            %dma_start3A_818 = tpu.memref_squeeze %dma_start3A_817 : memref<1x128xi32, #tpu.memory_space<vmem>> -> memref<128xi32, #tpu.memory_space<vmem>>
            %dma_start3A_819 = arith.constant 0 : i32
            %dma_start3A_820 = arith.constant 0 : i32
            %dma_start3A_821 = tpu.memref_slice %arg6[%dma_start3A_819, %dma_start3A_820] : memref<250000x64xf32, #tpu.memory_space<hbm>> -> memref<250000x64xf32, #tpu.memory_space<hbm>>
            tpu.enqueue_indirect_dma source(%dma_start3A_821 : memref<250000x64xf32, #tpu.memory_space<hbm>>) target(%arg12 : memref<128x64xf32, #tpu.memory_space<vmem>>) offsets(%dma_start3A_818 : memref<128xi32, #tpu.memory_space<vmem>>) semaphore(%arg16 : memref<!tpu.dma_semaphore, #tpu.memory_space<semaphore_mem>>)
          } else {
          }
          %ge3A_812 = arith.constant 3 : i32
          %ge3A_813 = arith.cmpi sge, %add3A_685, %ge3A_812 : i32
          %convert_element_type3A_814 = arith.extui %ge3A_813 : i1 to i32
          %cond3A_815 = arith.constant 0 : i32
          %cond3A_816 = arith.cmpi ne, %convert_element_type3A_814, %cond3A_815 : i32
          scf.if %cond3A_816 {
            %dma_wait3A = arith.constant 0 : i32
            %dma_wait3A_817 = arith.constant 0 : i32
            %dma_wait3A_818 = tpu.memref_slice %arg9[%dma_wait3A, %dma_wait3A_817] : memref<204x128xi32, #tpu.memory_space<vmem>> -> memref<1x128xi32, #tpu.memory_space<vmem>>
            %dma_wait3A_819 = tpu.memref_squeeze %dma_wait3A_818 : memref<1x128xi32, #tpu.memory_space<vmem>> -> memref<128xi32, #tpu.memory_space<vmem>>
            %dma_wait3A_820 = arith.constant 0 : i32
            %dma_wait3A_821 = arith.constant 0 : i32
            %dma_wait3A_822 = tpu.memref_slice %arg3[%dma_wait3A_820, %dma_wait3A_821] : memref<250000x64xf32, #tpu.memory_space<hbm>> -> memref<250000x64xf32, #tpu.memory_space<hbm>>
            tpu.wait_indirect_dma semaphore(%arg17 : memref<!tpu.dma_semaphore, #tpu.memory_space<semaphore_mem>>) src(%dma_wait3A_822 : memref<250000x64xf32, #tpu.memory_space<hbm>>) dst(%arg13 : memref<128x64xf32, #tpu.memory_space<vmem>>)
            %mul3A_823 = arith.constant 51 : i32
            %mul3A_824 = arith.muli %select_n3A_676, %mul3A_823 : i32
            %add3A_825 = arith.addi %mul3A_824, %select_n3A_677 : i32
            %dma_start3A = arith.constant 0 : i32
            %dma_start3A_826 = tpu.memref_slice %arg10[%add3A_825, %dma_start3A] : memref<204x128xi32, #tpu.memory_space<vmem>> -> memref<1x128xi32, #tpu.memory_space<vmem>>
            %dma_start3A_827 = tpu.memref_squeeze %dma_start3A_826 : memref<1x128xi32, #tpu.memory_space<vmem>> -> memref<128xi32, #tpu.memory_space<vmem>>
            %dma_start3A_828 = arith.constant 0 : i32
            %dma_start3A_829 = arith.constant 0 : i32
            %dma_start3A_830 = tpu.memref_slice %arg7[%dma_start3A_828, %dma_start3A_829] : memref<819200x64xf32, #tpu.memory_space<hbm>> -> memref<819200x64xf32, #tpu.memory_space<hbm>>
            tpu.enqueue_indirect_dma source(%arg13 : memref<128x64xf32, #tpu.memory_space<vmem>>) target(%dma_start3A_830 : memref<819200x64xf32, #tpu.memory_space<hbm>>) offsets(%dma_start3A_827 : memref<128xi32, #tpu.memory_space<vmem>>) semaphore(%arg21 : memref<!tpu.dma_semaphore, #tpu.memory_space<semaphore_mem>>)
          } else {
          }
        } else {
        }
        %lt3A_709 = arith.cmpi slt, %add3A_685, %add3A_500 : i32
        %select_n3A_710 = arith.select %lt3A_709, %select_n3A_678, %select_n3A_676 : i32
        %select_n3A_711 = arith.select %lt3A_709, %select_n3A_679, %select_n3A_677 : i32
        %select_n3A_712 = arith.select %lt3A_709, %select_n3A_680, %select_n3A_678 : i32
        %select_n3A_713 = arith.select %lt3A_709, %select_n3A_681, %select_n3A_679 : i32
        %select_n3A_714 = arith.select %lt3A_709, %add3A_699, %select_n3A_680 : i32
        %select_n3A_715 = arith.select %lt3A_709, %sub3A_704, %select_n3A_681 : i32
        %mul3A_716 = arith.constant 4 : i32
        %mul3A_717 = arith.muli %mul3A_716, %while3A_644 : i32
        %add3A_718 = arith.constant 2 : i32
        %add3A_719 = arith.addi %mul3A_717, %add3A_718 : i32
        %ge3A_720 = arith.cmpi sge, %add3A_719, %shift_right_logical3A_137 : i32
        %ge3A_721 = arith.cmpi sge, %add3A_719, %add3A_498 : i32
        %ge3A_722 = arith.cmpi sge, %add3A_719, %add3A_499 : i32
        %jit3A_723 = arith.constant 1 : i32
        %jit3A_724 = arith.constant 0 : i32
        %select_n3A_725 = arith.select %ge3A_720, %jit3A_723, %jit3A_724 : i32
        %jit3A_726 = arith.constant 1 : i32
        %jit3A_727 = arith.constant 0 : i32
        %select_n3A_728 = arith.select %ge3A_721, %jit3A_726, %jit3A_727 : i32
        %add3A_729 = arith.addi %select_n3A_725, %select_n3A_728 : i32
        %jit3A_730 = arith.constant 1 : i32
        %jit3A_731 = arith.constant 0 : i32
        %select_n3A_732 = arith.select %ge3A_722, %jit3A_730, %jit3A_731 : i32
        %add3A_733 = arith.addi %add3A_729, %select_n3A_732 : i32
        %jit3A_734 = arith.constant 0 : i32
        %select_n3A_735 = arith.select %ge3A_720, %shift_right_logical3A_137, %jit3A_734 : i32
        %select_n3A_736 = arith.select %ge3A_721, %add3A_498, %select_n3A_735 : i32
        %select_n3A_737 = arith.select %ge3A_722, %add3A_499, %select_n3A_736 : i32
        %sub3A_738 = arith.subi %add3A_719, %select_n3A_737 : i32
        %lt3A_739 = arith.cmpi slt, %add3A_719, %add3A_500 : i32
        %convert_element_type3A_740 = arith.extui %lt3A_739 : i1 to i32
        %cond3A_741 = arith.constant 0 : i32
        %cond3A_742 = arith.cmpi ne, %convert_element_type3A_740, %cond3A_741 : i32
        scf.if %cond3A_742 {
          %ge3A_784 = arith.constant 4 : i32
          %ge3A_785 = arith.cmpi sge, %add3A_719, %ge3A_784 : i32
          %convert_element_type3A_786 = arith.extui %ge3A_785 : i1 to i32
          %cond3A_787 = arith.constant 0 : i32
          %cond3A_788 = arith.cmpi ne, %convert_element_type3A_786, %cond3A_787 : i32
          scf.if %cond3A_788 {
            %dma_wait3A = arith.constant 0 : i32
            %dma_wait3A_817 = arith.constant 0 : i32
            %dma_wait3A_818 = tpu.memref_slice %arg10[%dma_wait3A, %dma_wait3A_817] : memref<204x128xi32, #tpu.memory_space<vmem>> -> memref<1x128xi32, #tpu.memory_space<vmem>>
            %dma_wait3A_819 = tpu.memref_squeeze %dma_wait3A_818 : memref<1x128xi32, #tpu.memory_space<vmem>> -> memref<128xi32, #tpu.memory_space<vmem>>
            %dma_wait3A_820 = arith.constant 0 : i32
            %dma_wait3A_821 = arith.constant 0 : i32
            %dma_wait3A_822 = tpu.memref_slice %arg7[%dma_wait3A_820, %dma_wait3A_821] : memref<819200x64xf32, #tpu.memory_space<hbm>> -> memref<819200x64xf32, #tpu.memory_space<hbm>>
            tpu.wait_indirect_dma semaphore(%arg21 : memref<!tpu.dma_semaphore, #tpu.memory_space<semaphore_mem>>) src(%arg13 : memref<128x64xf32, #tpu.memory_space<vmem>>) dst(%dma_wait3A_822 : memref<819200x64xf32, #tpu.memory_space<hbm>>)
          } else {
          }
          %mul3A_789 = arith.constant 51 : i32
          %mul3A_790 = arith.muli %add3A_733, %mul3A_789 : i32
          %add3A_791 = arith.addi %mul3A_790, %sub3A_738 : i32
          %eq3A_792 = arith.constant 0 : i32
          %eq3A_793 = arith.cmpi eq, %add3A_733, %eq3A_792 : i32
          %convert_element_type3A_794 = arith.extui %eq3A_793 : i1 to i32
          %cond3A_795 = arith.constant 0 : i32
          %cond3A_796 = arith.cmpi ne, %convert_element_type3A_794, %cond3A_795 : i32
          scf.if %cond3A_796 {
            %dma_start3A = arith.constant 0 : i32
            %dma_start3A_817 = tpu.memref_slice %arg9[%add3A_791, %dma_start3A] : memref<204x128xi32, #tpu.memory_space<vmem>> -> memref<1x128xi32, #tpu.memory_space<vmem>>
            %dma_start3A_818 = tpu.memref_squeeze %dma_start3A_817 : memref<1x128xi32, #tpu.memory_space<vmem>> -> memref<128xi32, #tpu.memory_space<vmem>>
            %dma_start3A_819 = arith.constant 0 : i32
            %dma_start3A_820 = arith.constant 0 : i32
            %dma_start3A_821 = tpu.memref_slice %arg3[%dma_start3A_819, %dma_start3A_820] : memref<250000x64xf32, #tpu.memory_space<hbm>> -> memref<250000x64xf32, #tpu.memory_space<hbm>>
            tpu.enqueue_indirect_dma source(%dma_start3A_821 : memref<250000x64xf32, #tpu.memory_space<hbm>>) target(%arg13 : memref<128x64xf32, #tpu.memory_space<vmem>>) offsets(%dma_start3A_818 : memref<128xi32, #tpu.memory_space<vmem>>) semaphore(%arg17 : memref<!tpu.dma_semaphore, #tpu.memory_space<semaphore_mem>>)
          } else {
          }
          %eq3A_797 = arith.constant 1 : i32
          %eq3A_798 = arith.cmpi eq, %add3A_733, %eq3A_797 : i32
          %convert_element_type3A_799 = arith.extui %eq3A_798 : i1 to i32
          %cond3A_800 = arith.constant 0 : i32
          %cond3A_801 = arith.cmpi ne, %convert_element_type3A_799, %cond3A_800 : i32
          scf.if %cond3A_801 {
            %dma_start3A = arith.constant 0 : i32
            %dma_start3A_817 = tpu.memref_slice %arg9[%add3A_791, %dma_start3A] : memref<204x128xi32, #tpu.memory_space<vmem>> -> memref<1x128xi32, #tpu.memory_space<vmem>>
            %dma_start3A_818 = tpu.memref_squeeze %dma_start3A_817 : memref<1x128xi32, #tpu.memory_space<vmem>> -> memref<128xi32, #tpu.memory_space<vmem>>
            %dma_start3A_819 = arith.constant 0 : i32
            %dma_start3A_820 = arith.constant 0 : i32
            %dma_start3A_821 = tpu.memref_slice %arg4[%dma_start3A_819, %dma_start3A_820] : memref<250000x64xf32, #tpu.memory_space<hbm>> -> memref<250000x64xf32, #tpu.memory_space<hbm>>
            tpu.enqueue_indirect_dma source(%dma_start3A_821 : memref<250000x64xf32, #tpu.memory_space<hbm>>) target(%arg13 : memref<128x64xf32, #tpu.memory_space<vmem>>) offsets(%dma_start3A_818 : memref<128xi32, #tpu.memory_space<vmem>>) semaphore(%arg17 : memref<!tpu.dma_semaphore, #tpu.memory_space<semaphore_mem>>)
          } else {
          }
          %eq3A_802 = arith.constant 2 : i32
          %eq3A_803 = arith.cmpi eq, %add3A_733, %eq3A_802 : i32
          %convert_element_type3A_804 = arith.extui %eq3A_803 : i1 to i32
          %cond3A_805 = arith.constant 0 : i32
          %cond3A_806 = arith.cmpi ne, %convert_element_type3A_804, %cond3A_805 : i32
          scf.if %cond3A_806 {
            %dma_start3A = arith.constant 0 : i32
            %dma_start3A_817 = tpu.memref_slice %arg9[%add3A_791, %dma_start3A] : memref<204x128xi32, #tpu.memory_space<vmem>> -> memref<1x128xi32, #tpu.memory_space<vmem>>
            %dma_start3A_818 = tpu.memref_squeeze %dma_start3A_817 : memref<1x128xi32, #tpu.memory_space<vmem>> -> memref<128xi32, #tpu.memory_space<vmem>>
            %dma_start3A_819 = arith.constant 0 : i32
            %dma_start3A_820 = arith.constant 0 : i32
            %dma_start3A_821 = tpu.memref_slice %arg5[%dma_start3A_819, %dma_start3A_820] : memref<250000x64xf32, #tpu.memory_space<hbm>> -> memref<250000x64xf32, #tpu.memory_space<hbm>>
            tpu.enqueue_indirect_dma source(%dma_start3A_821 : memref<250000x64xf32, #tpu.memory_space<hbm>>) target(%arg13 : memref<128x64xf32, #tpu.memory_space<vmem>>) offsets(%dma_start3A_818 : memref<128xi32, #tpu.memory_space<vmem>>) semaphore(%arg17 : memref<!tpu.dma_semaphore, #tpu.memory_space<semaphore_mem>>)
          } else {
          }
          %eq3A_807 = arith.constant 3 : i32
          %eq3A_808 = arith.cmpi eq, %add3A_733, %eq3A_807 : i32
          %convert_element_type3A_809 = arith.extui %eq3A_808 : i1 to i32
          %cond3A_810 = arith.constant 0 : i32
          %cond3A_811 = arith.cmpi ne, %convert_element_type3A_809, %cond3A_810 : i32
          scf.if %cond3A_811 {
            %dma_start3A = arith.constant 0 : i32
            %dma_start3A_817 = tpu.memref_slice %arg9[%add3A_791, %dma_start3A] : memref<204x128xi32, #tpu.memory_space<vmem>> -> memref<1x128xi32, #tpu.memory_space<vmem>>
            %dma_start3A_818 = tpu.memref_squeeze %dma_start3A_817 : memref<1x128xi32, #tpu.memory_space<vmem>> -> memref<128xi32, #tpu.memory_space<vmem>>
            %dma_start3A_819 = arith.constant 0 : i32
            %dma_start3A_820 = arith.constant 0 : i32
            %dma_start3A_821 = tpu.memref_slice %arg6[%dma_start3A_819, %dma_start3A_820] : memref<250000x64xf32, #tpu.memory_space<hbm>> -> memref<250000x64xf32, #tpu.memory_space<hbm>>
            tpu.enqueue_indirect_dma source(%dma_start3A_821 : memref<250000x64xf32, #tpu.memory_space<hbm>>) target(%arg13 : memref<128x64xf32, #tpu.memory_space<vmem>>) offsets(%dma_start3A_818 : memref<128xi32, #tpu.memory_space<vmem>>) semaphore(%arg17 : memref<!tpu.dma_semaphore, #tpu.memory_space<semaphore_mem>>)
          } else {
          }
          %ge3A_812 = arith.constant 3 : i32
          %ge3A_813 = arith.cmpi sge, %add3A_719, %ge3A_812 : i32
          %convert_element_type3A_814 = arith.extui %ge3A_813 : i1 to i32
          %cond3A_815 = arith.constant 0 : i32
          %cond3A_816 = arith.cmpi ne, %convert_element_type3A_814, %cond3A_815 : i32
          scf.if %cond3A_816 {
            %dma_wait3A = arith.constant 0 : i32
            %dma_wait3A_817 = arith.constant 0 : i32
            %dma_wait3A_818 = tpu.memref_slice %arg9[%dma_wait3A, %dma_wait3A_817] : memref<204x128xi32, #tpu.memory_space<vmem>> -> memref<1x128xi32, #tpu.memory_space<vmem>>
            %dma_wait3A_819 = tpu.memref_squeeze %dma_wait3A_818 : memref<1x128xi32, #tpu.memory_space<vmem>> -> memref<128xi32, #tpu.memory_space<vmem>>
            %dma_wait3A_820 = arith.constant 0 : i32
            %dma_wait3A_821 = arith.constant 0 : i32
            %dma_wait3A_822 = tpu.memref_slice %arg3[%dma_wait3A_820, %dma_wait3A_821] : memref<250000x64xf32, #tpu.memory_space<hbm>> -> memref<250000x64xf32, #tpu.memory_space<hbm>>
            tpu.wait_indirect_dma semaphore(%arg18 : memref<!tpu.dma_semaphore, #tpu.memory_space<semaphore_mem>>) src(%dma_wait3A_822 : memref<250000x64xf32, #tpu.memory_space<hbm>>) dst(%arg14 : memref<128x64xf32, #tpu.memory_space<vmem>>)
            %mul3A_823 = arith.constant 51 : i32
            %mul3A_824 = arith.muli %select_n3A_710, %mul3A_823 : i32
            %add3A_825 = arith.addi %mul3A_824, %select_n3A_711 : i32
            %dma_start3A = arith.constant 0 : i32
            %dma_start3A_826 = tpu.memref_slice %arg10[%add3A_825, %dma_start3A] : memref<204x128xi32, #tpu.memory_space<vmem>> -> memref<1x128xi32, #tpu.memory_space<vmem>>
            %dma_start3A_827 = tpu.memref_squeeze %dma_start3A_826 : memref<1x128xi32, #tpu.memory_space<vmem>> -> memref<128xi32, #tpu.memory_space<vmem>>
            %dma_start3A_828 = arith.constant 0 : i32
            %dma_start3A_829 = arith.constant 0 : i32
            %dma_start3A_830 = tpu.memref_slice %arg7[%dma_start3A_828, %dma_start3A_829] : memref<819200x64xf32, #tpu.memory_space<hbm>> -> memref<819200x64xf32, #tpu.memory_space<hbm>>
            tpu.enqueue_indirect_dma source(%arg14 : memref<128x64xf32, #tpu.memory_space<vmem>>) target(%dma_start3A_830 : memref<819200x64xf32, #tpu.memory_space<hbm>>) offsets(%dma_start3A_827 : memref<128xi32, #tpu.memory_space<vmem>>) semaphore(%arg22 : memref<!tpu.dma_semaphore, #tpu.memory_space<semaphore_mem>>)
          } else {
          }
        } else {
        }
        %lt3A_743 = arith.cmpi slt, %add3A_719, %add3A_500 : i32
        %select_n3A_744 = arith.select %lt3A_743, %select_n3A_712, %select_n3A_710 : i32
        %select_n3A_745 = arith.select %lt3A_743, %select_n3A_713, %select_n3A_711 : i32
        %select_n3A_746 = arith.select %lt3A_743, %select_n3A_714, %select_n3A_712 : i32
        %select_n3A_747 = arith.select %lt3A_743, %select_n3A_715, %select_n3A_713 : i32
        %select_n3A_748 = arith.select %lt3A_743, %add3A_733, %select_n3A_714 : i32
        %select_n3A_749 = arith.select %lt3A_743, %sub3A_738, %select_n3A_715 : i32
        %mul3A_750 = arith.constant 4 : i32
        %mul3A_751 = arith.muli %mul3A_750, %while3A_644 : i32
        %add3A_752 = arith.constant 3 : i32
        %add3A_753 = arith.addi %mul3A_751, %add3A_752 : i32
        %ge3A_754 = arith.cmpi sge, %add3A_753, %shift_right_logical3A_137 : i32
        %ge3A_755 = arith.cmpi sge, %add3A_753, %add3A_498 : i32
        %ge3A_756 = arith.cmpi sge, %add3A_753, %add3A_499 : i32
        %jit3A_757 = arith.constant 1 : i32
        %jit3A_758 = arith.constant 0 : i32
        %select_n3A_759 = arith.select %ge3A_754, %jit3A_757, %jit3A_758 : i32
        %jit3A_760 = arith.constant 1 : i32
        %jit3A_761 = arith.constant 0 : i32
        %select_n3A_762 = arith.select %ge3A_755, %jit3A_760, %jit3A_761 : i32
        %add3A_763 = arith.addi %select_n3A_759, %select_n3A_762 : i32
        %jit3A_764 = arith.constant 1 : i32
        %jit3A_765 = arith.constant 0 : i32
        %select_n3A_766 = arith.select %ge3A_756, %jit3A_764, %jit3A_765 : i32
        %add3A_767 = arith.addi %add3A_763, %select_n3A_766 : i32
        %jit3A_768 = arith.constant 0 : i32
        %select_n3A_769 = arith.select %ge3A_754, %shift_right_logical3A_137, %jit3A_768 : i32
        %select_n3A_770 = arith.select %ge3A_755, %add3A_498, %select_n3A_769 : i32
        %select_n3A_771 = arith.select %ge3A_756, %add3A_499, %select_n3A_770 : i32
        %sub3A_772 = arith.subi %add3A_753, %select_n3A_771 : i32
        %lt3A_773 = arith.cmpi slt, %add3A_753, %add3A_500 : i32
        %convert_element_type3A_774 = arith.extui %lt3A_773 : i1 to i32
        %cond3A_775 = arith.constant 0 : i32
        %cond3A_776 = arith.cmpi ne, %convert_element_type3A_774, %cond3A_775 : i32
        scf.if %cond3A_776 {
          %ge3A_784 = arith.constant 4 : i32
          %ge3A_785 = arith.cmpi sge, %add3A_753, %ge3A_784 : i32
          %convert_element_type3A_786 = arith.extui %ge3A_785 : i1 to i32
          %cond3A_787 = arith.constant 0 : i32
          %cond3A_788 = arith.cmpi ne, %convert_element_type3A_786, %cond3A_787 : i32
          scf.if %cond3A_788 {
            %dma_wait3A = arith.constant 0 : i32
            %dma_wait3A_817 = arith.constant 0 : i32
            %dma_wait3A_818 = tpu.memref_slice %arg10[%dma_wait3A, %dma_wait3A_817] : memref<204x128xi32, #tpu.memory_space<vmem>> -> memref<1x128xi32, #tpu.memory_space<vmem>>
            %dma_wait3A_819 = tpu.memref_squeeze %dma_wait3A_818 : memref<1x128xi32, #tpu.memory_space<vmem>> -> memref<128xi32, #tpu.memory_space<vmem>>
            %dma_wait3A_820 = arith.constant 0 : i32
            %dma_wait3A_821 = arith.constant 0 : i32
            %dma_wait3A_822 = tpu.memref_slice %arg7[%dma_wait3A_820, %dma_wait3A_821] : memref<819200x64xf32, #tpu.memory_space<hbm>> -> memref<819200x64xf32, #tpu.memory_space<hbm>>
            tpu.wait_indirect_dma semaphore(%arg22 : memref<!tpu.dma_semaphore, #tpu.memory_space<semaphore_mem>>) src(%arg14 : memref<128x64xf32, #tpu.memory_space<vmem>>) dst(%dma_wait3A_822 : memref<819200x64xf32, #tpu.memory_space<hbm>>)
          } else {
          }
          %mul3A_789 = arith.constant 51 : i32
          %mul3A_790 = arith.muli %add3A_767, %mul3A_789 : i32
          %add3A_791 = arith.addi %mul3A_790, %sub3A_772 : i32
          %eq3A_792 = arith.constant 0 : i32
          %eq3A_793 = arith.cmpi eq, %add3A_767, %eq3A_792 : i32
          %convert_element_type3A_794 = arith.extui %eq3A_793 : i1 to i32
          %cond3A_795 = arith.constant 0 : i32
          %cond3A_796 = arith.cmpi ne, %convert_element_type3A_794, %cond3A_795 : i32
          scf.if %cond3A_796 {
            %dma_start3A = arith.constant 0 : i32
            %dma_start3A_817 = tpu.memref_slice %arg9[%add3A_791, %dma_start3A] : memref<204x128xi32, #tpu.memory_space<vmem>> -> memref<1x128xi32, #tpu.memory_space<vmem>>
            %dma_start3A_818 = tpu.memref_squeeze %dma_start3A_817 : memref<1x128xi32, #tpu.memory_space<vmem>> -> memref<128xi32, #tpu.memory_space<vmem>>
            %dma_start3A_819 = arith.constant 0 : i32
            %dma_start3A_820 = arith.constant 0 : i32
            %dma_start3A_821 = tpu.memref_slice %arg3[%dma_start3A_819, %dma_start3A_820] : memref<250000x64xf32, #tpu.memory_space<hbm>> -> memref<250000x64xf32, #tpu.memory_space<hbm>>
            tpu.enqueue_indirect_dma source(%dma_start3A_821 : memref<250000x64xf32, #tpu.memory_space<hbm>>) target(%arg14 : memref<128x64xf32, #tpu.memory_space<vmem>>) offsets(%dma_start3A_818 : memref<128xi32, #tpu.memory_space<vmem>>) semaphore(%arg18 : memref<!tpu.dma_semaphore, #tpu.memory_space<semaphore_mem>>)
          } else {
          }
          %eq3A_797 = arith.constant 1 : i32
          %eq3A_798 = arith.cmpi eq, %add3A_767, %eq3A_797 : i32
          %convert_element_type3A_799 = arith.extui %eq3A_798 : i1 to i32
          %cond3A_800 = arith.constant 0 : i32
          %cond3A_801 = arith.cmpi ne, %convert_element_type3A_799, %cond3A_800 : i32
          scf.if %cond3A_801 {
            %dma_start3A = arith.constant 0 : i32
            %dma_start3A_817 = tpu.memref_slice %arg9[%add3A_791, %dma_start3A] : memref<204x128xi32, #tpu.memory_space<vmem>> -> memref<1x128xi32, #tpu.memory_space<vmem>>
            %dma_start3A_818 = tpu.memref_squeeze %dma_start3A_817 : memref<1x128xi32, #tpu.memory_space<vmem>> -> memref<128xi32, #tpu.memory_space<vmem>>
            %dma_start3A_819 = arith.constant 0 : i32
            %dma_start3A_820 = arith.constant 0 : i32
            %dma_start3A_821 = tpu.memref_slice %arg4[%dma_start3A_819, %dma_start3A_820] : memref<250000x64xf32, #tpu.memory_space<hbm>> -> memref<250000x64xf32, #tpu.memory_space<hbm>>
            tpu.enqueue_indirect_dma source(%dma_start3A_821 : memref<250000x64xf32, #tpu.memory_space<hbm>>) target(%arg14 : memref<128x64xf32, #tpu.memory_space<vmem>>) offsets(%dma_start3A_818 : memref<128xi32, #tpu.memory_space<vmem>>) semaphore(%arg18 : memref<!tpu.dma_semaphore, #tpu.memory_space<semaphore_mem>>)
          } else {
          }
          %eq3A_802 = arith.constant 2 : i32
          %eq3A_803 = arith.cmpi eq, %add3A_767, %eq3A_802 : i32
          %convert_element_type3A_804 = arith.extui %eq3A_803 : i1 to i32
          %cond3A_805 = arith.constant 0 : i32
          %cond3A_806 = arith.cmpi ne, %convert_element_type3A_804, %cond3A_805 : i32
          scf.if %cond3A_806 {
            %dma_start3A = arith.constant 0 : i32
            %dma_start3A_817 = tpu.memref_slice %arg9[%add3A_791, %dma_start3A] : memref<204x128xi32, #tpu.memory_space<vmem>> -> memref<1x128xi32, #tpu.memory_space<vmem>>
            %dma_start3A_818 = tpu.memref_squeeze %dma_start3A_817 : memref<1x128xi32, #tpu.memory_space<vmem>> -> memref<128xi32, #tpu.memory_space<vmem>>
            %dma_start3A_819 = arith.constant 0 : i32
            %dma_start3A_820 = arith.constant 0 : i32
            %dma_start3A_821 = tpu.memref_slice %arg5[%dma_start3A_819, %dma_start3A_820] : memref<250000x64xf32, #tpu.memory_space<hbm>> -> memref<250000x64xf32, #tpu.memory_space<hbm>>
            tpu.enqueue_indirect_dma source(%dma_start3A_821 : memref<250000x64xf32, #tpu.memory_space<hbm>>) target(%arg14 : memref<128x64xf32, #tpu.memory_space<vmem>>) offsets(%dma_start3A_818 : memref<128xi32, #tpu.memory_space<vmem>>) semaphore(%arg18 : memref<!tpu.dma_semaphore, #tpu.memory_space<semaphore_mem>>)
          } else {
          }
          %eq3A_807 = arith.constant 3 : i32
          %eq3A_808 = arith.cmpi eq, %add3A_767, %eq3A_807 : i32
          %convert_element_type3A_809 = arith.extui %eq3A_808 : i1 to i32
          %cond3A_810 = arith.constant 0 : i32
          %cond3A_811 = arith.cmpi ne, %convert_element_type3A_809, %cond3A_810 : i32
          scf.if %cond3A_811 {
            %dma_start3A = arith.constant 0 : i32
            %dma_start3A_817 = tpu.memref_slice %arg9[%add3A_791, %dma_start3A] : memref<204x128xi32, #tpu.memory_space<vmem>> -> memref<1x128xi32, #tpu.memory_space<vmem>>
            %dma_start3A_818 = tpu.memref_squeeze %dma_start3A_817 : memref<1x128xi32, #tpu.memory_space<vmem>> -> memref<128xi32, #tpu.memory_space<vmem>>
            %dma_start3A_819 = arith.constant 0 : i32
            %dma_start3A_820 = arith.constant 0 : i32
            %dma_start3A_821 = tpu.memref_slice %arg6[%dma_start3A_819, %dma_start3A_820] : memref<250000x64xf32, #tpu.memory_space<hbm>> -> memref<250000x64xf32, #tpu.memory_space<hbm>>
            tpu.enqueue_indirect_dma source(%dma_start3A_821 : memref<250000x64xf32, #tpu.memory_space<hbm>>) target(%arg14 : memref<128x64xf32, #tpu.memory_space<vmem>>) offsets(%dma_start3A_818 : memref<128xi32, #tpu.memory_space<vmem>>) semaphore(%arg18 : memref<!tpu.dma_semaphore, #tpu.memory_space<semaphore_mem>>)
          } else {
          }
          %ge3A_812 = arith.constant 3 : i32
          %ge3A_813 = arith.cmpi sge, %add3A_753, %ge3A_812 : i32
          %convert_element_type3A_814 = arith.extui %ge3A_813 : i1 to i32
          %cond3A_815 = arith.constant 0 : i32
          %cond3A_816 = arith.cmpi ne, %convert_element_type3A_814, %cond3A_815 : i32
          scf.if %cond3A_816 {
            %dma_wait3A = arith.constant 0 : i32
            %dma_wait3A_817 = arith.constant 0 : i32
            %dma_wait3A_818 = tpu.memref_slice %arg9[%dma_wait3A, %dma_wait3A_817] : memref<204x128xi32, #tpu.memory_space<vmem>> -> memref<1x128xi32, #tpu.memory_space<vmem>>
            %dma_wait3A_819 = tpu.memref_squeeze %dma_wait3A_818 : memref<1x128xi32, #tpu.memory_space<vmem>> -> memref<128xi32, #tpu.memory_space<vmem>>
            %dma_wait3A_820 = arith.constant 0 : i32
            %dma_wait3A_821 = arith.constant 0 : i32
            %dma_wait3A_822 = tpu.memref_slice %arg3[%dma_wait3A_820, %dma_wait3A_821] : memref<250000x64xf32, #tpu.memory_space<hbm>> -> memref<250000x64xf32, #tpu.memory_space<hbm>>
            tpu.wait_indirect_dma semaphore(%arg15 : memref<!tpu.dma_semaphore, #tpu.memory_space<semaphore_mem>>) src(%dma_wait3A_822 : memref<250000x64xf32, #tpu.memory_space<hbm>>) dst(%arg11 : memref<128x64xf32, #tpu.memory_space<vmem>>)
            %mul3A_823 = arith.constant 51 : i32
            %mul3A_824 = arith.muli %select_n3A_744, %mul3A_823 : i32
            %add3A_825 = arith.addi %mul3A_824, %select_n3A_745 : i32
            %dma_start3A = arith.constant 0 : i32
            %dma_start3A_826 = tpu.memref_slice %arg10[%add3A_825, %dma_start3A] : memref<204x128xi32, #tpu.memory_space<vmem>> -> memref<1x128xi32, #tpu.memory_space<vmem>>
            %dma_start3A_827 = tpu.memref_squeeze %dma_start3A_826 : memref<1x128xi32, #tpu.memory_space<vmem>> -> memref<128xi32, #tpu.memory_space<vmem>>
            %dma_start3A_828 = arith.constant 0 : i32
            %dma_start3A_829 = arith.constant 0 : i32
            %dma_start3A_830 = tpu.memref_slice %arg7[%dma_start3A_828, %dma_start3A_829] : memref<819200x64xf32, #tpu.memory_space<hbm>> -> memref<819200x64xf32, #tpu.memory_space<hbm>>
            tpu.enqueue_indirect_dma source(%arg11 : memref<128x64xf32, #tpu.memory_space<vmem>>) target(%dma_start3A_830 : memref<819200x64xf32, #tpu.memory_space<hbm>>) offsets(%dma_start3A_827 : memref<128xi32, #tpu.memory_space<vmem>>) semaphore(%arg19 : memref<!tpu.dma_semaphore, #tpu.memory_space<semaphore_mem>>)
          } else {
          }
        } else {
        }
        %lt3A_777 = arith.cmpi slt, %add3A_753, %add3A_500 : i32
        %select_n3A_778 = arith.select %lt3A_777, %select_n3A_746, %select_n3A_744 : i32
        %select_n3A_779 = arith.select %lt3A_777, %select_n3A_747, %select_n3A_745 : i32
        %select_n3A_780 = arith.select %lt3A_777, %select_n3A_748, %select_n3A_746 : i32
        %select_n3A_781 = arith.select %lt3A_777, %select_n3A_749, %select_n3A_747 : i32
        %select_n3A_782 = arith.select %lt3A_777, %add3A_767, %select_n3A_748 : i32
        %select_n3A_783 = arith.select %lt3A_777, %sub3A_772, %select_n3A_749 : i32
        scf.yield %select_n3A_782, %select_n3A_783, %select_n3A_780, %select_n3A_781, %select_n3A_778, %select_n3A_779 : i32, i32, i32, i32, i32, i32
      }
      %sub3A_520 = arith.constant 3 : i32
      %sub3A_521 = arith.subi %add3A_500, %sub3A_520 : i32
      %and3A_522 = arith.constant 3 : i32
      %and3A_523 = arith.andi %sub3A_521, %and3A_522 : i32
      %ge3A = arith.constant 3 : i32
      %ge3A_524 = arith.cmpi sge, %add3A_500, %ge3A : i32
      %eq3A = arith.constant 0 : i32
      %eq3A_525 = arith.cmpi eq, %and3A_523, %eq3A : i32
      %and3A_526 = arith.andi %ge3A_524, %eq3A_525 : i1
      %convert_element_type3A = arith.extui %and3A_526 : i1 to i32
      %cond3A = arith.constant 0 : i32
      %cond3A_527 = arith.cmpi ne, %convert_element_type3A, %cond3A : i32
      scf.if %cond3A_527 {
        %dma_wait3A = arith.constant 0 : i32
        %dma_wait3A_644 = arith.constant 0 : i32
        %dma_wait3A_645 = tpu.memref_slice %arg9[%dma_wait3A, %dma_wait3A_644] : memref<204x128xi32, #tpu.memory_space<vmem>> -> memref<1x128xi32, #tpu.memory_space<vmem>>
        %dma_wait3A_646 = tpu.memref_squeeze %dma_wait3A_645 : memref<1x128xi32, #tpu.memory_space<vmem>> -> memref<128xi32, #tpu.memory_space<vmem>>
        %dma_wait3A_647 = arith.constant 0 : i32
        %dma_wait3A_648 = arith.constant 0 : i32
        %dma_wait3A_649 = tpu.memref_slice %arg3[%dma_wait3A_647, %dma_wait3A_648] : memref<250000x64xf32, #tpu.memory_space<hbm>> -> memref<250000x64xf32, #tpu.memory_space<hbm>>
        tpu.wait_indirect_dma semaphore(%arg15 : memref<!tpu.dma_semaphore, #tpu.memory_space<semaphore_mem>>) src(%dma_wait3A_649 : memref<250000x64xf32, #tpu.memory_space<hbm>>) dst(%arg11 : memref<128x64xf32, #tpu.memory_space<vmem>>)
        %mul3A_650 = arith.constant 51 : i32
        %mul3A_651 = arith.muli %while3A_519#4, %mul3A_650 : i32
        %add3A_652 = arith.addi %mul3A_651, %while3A_519#5 : i32
        %dma_start3A = arith.constant 0 : i32
        %dma_start3A_653 = tpu.memref_slice %arg10[%add3A_652, %dma_start3A] : memref<204x128xi32, #tpu.memory_space<vmem>> -> memref<1x128xi32, #tpu.memory_space<vmem>>
        %dma_start3A_654 = tpu.memref_squeeze %dma_start3A_653 : memref<1x128xi32, #tpu.memory_space<vmem>> -> memref<128xi32, #tpu.memory_space<vmem>>
        %dma_start3A_655 = arith.constant 0 : i32
        %dma_start3A_656 = arith.constant 0 : i32
        %dma_start3A_657 = tpu.memref_slice %arg7[%dma_start3A_655, %dma_start3A_656] : memref<819200x64xf32, #tpu.memory_space<hbm>> -> memref<819200x64xf32, #tpu.memory_space<hbm>>
        tpu.enqueue_indirect_dma source(%arg11 : memref<128x64xf32, #tpu.memory_space<vmem>>) target(%dma_start3A_657 : memref<819200x64xf32, #tpu.memory_space<hbm>>) offsets(%dma_start3A_654 : memref<128xi32, #tpu.memory_space<vmem>>) semaphore(%arg19 : memref<!tpu.dma_semaphore, #tpu.memory_space<semaphore_mem>>)
      } else {
      }
      %ge3A_528 = arith.constant 3 : i32
      %ge3A_529 = arith.cmpi sge, %add3A_500, %ge3A_528 : i32
      %eq3A_530 = arith.constant 1 : i32
      %eq3A_531 = arith.cmpi eq, %and3A_523, %eq3A_530 : i32
      %and3A_532 = arith.andi %ge3A_529, %eq3A_531 : i1
      %convert_element_type3A_533 = arith.extui %and3A_532 : i1 to i32
      %cond3A_534 = arith.constant 0 : i32
      %cond3A_535 = arith.cmpi ne, %convert_element_type3A_533, %cond3A_534 : i32
      scf.if %cond3A_535 {
        %dma_wait3A = arith.constant 0 : i32
        %dma_wait3A_644 = arith.constant 0 : i32
        %dma_wait3A_645 = tpu.memref_slice %arg9[%dma_wait3A, %dma_wait3A_644] : memref<204x128xi32, #tpu.memory_space<vmem>> -> memref<1x128xi32, #tpu.memory_space<vmem>>
        %dma_wait3A_646 = tpu.memref_squeeze %dma_wait3A_645 : memref<1x128xi32, #tpu.memory_space<vmem>> -> memref<128xi32, #tpu.memory_space<vmem>>
        %dma_wait3A_647 = arith.constant 0 : i32
        %dma_wait3A_648 = arith.constant 0 : i32
        %dma_wait3A_649 = tpu.memref_slice %arg3[%dma_wait3A_647, %dma_wait3A_648] : memref<250000x64xf32, #tpu.memory_space<hbm>> -> memref<250000x64xf32, #tpu.memory_space<hbm>>
        tpu.wait_indirect_dma semaphore(%arg16 : memref<!tpu.dma_semaphore, #tpu.memory_space<semaphore_mem>>) src(%dma_wait3A_649 : memref<250000x64xf32, #tpu.memory_space<hbm>>) dst(%arg12 : memref<128x64xf32, #tpu.memory_space<vmem>>)
        %mul3A_650 = arith.constant 51 : i32
        %mul3A_651 = arith.muli %while3A_519#4, %mul3A_650 : i32
        %add3A_652 = arith.addi %mul3A_651, %while3A_519#5 : i32
        %dma_start3A = arith.constant 0 : i32
        %dma_start3A_653 = tpu.memref_slice %arg10[%add3A_652, %dma_start3A] : memref<204x128xi32, #tpu.memory_space<vmem>> -> memref<1x128xi32, #tpu.memory_space<vmem>>
        %dma_start3A_654 = tpu.memref_squeeze %dma_start3A_653 : memref<1x128xi32, #tpu.memory_space<vmem>> -> memref<128xi32, #tpu.memory_space<vmem>>
        %dma_start3A_655 = arith.constant 0 : i32
        %dma_start3A_656 = arith.constant 0 : i32
        %dma_start3A_657 = tpu.memref_slice %arg7[%dma_start3A_655, %dma_start3A_656] : memref<819200x64xf32, #tpu.memory_space<hbm>> -> memref<819200x64xf32, #tpu.memory_space<hbm>>
        tpu.enqueue_indirect_dma source(%arg12 : memref<128x64xf32, #tpu.memory_space<vmem>>) target(%dma_start3A_657 : memref<819200x64xf32, #tpu.memory_space<hbm>>) offsets(%dma_start3A_654 : memref<128xi32, #tpu.memory_space<vmem>>) semaphore(%arg20 : memref<!tpu.dma_semaphore, #tpu.memory_space<semaphore_mem>>)
      } else {
      }
      %ge3A_536 = arith.constant 3 : i32
      %ge3A_537 = arith.cmpi sge, %add3A_500, %ge3A_536 : i32
      %eq3A_538 = arith.constant 2 : i32
      %eq3A_539 = arith.cmpi eq, %and3A_523, %eq3A_538 : i32
      %and3A_540 = arith.andi %ge3A_537, %eq3A_539 : i1
      %convert_element_type3A_541 = arith.extui %and3A_540 : i1 to i32
      %cond3A_542 = arith.constant 0 : i32
      %cond3A_543 = arith.cmpi ne, %convert_element_type3A_541, %cond3A_542 : i32
      scf.if %cond3A_543 {
        %dma_wait3A = arith.constant 0 : i32
        %dma_wait3A_644 = arith.constant 0 : i32
        %dma_wait3A_645 = tpu.memref_slice %arg9[%dma_wait3A, %dma_wait3A_644] : memref<204x128xi32, #tpu.memory_space<vmem>> -> memref<1x128xi32, #tpu.memory_space<vmem>>
        %dma_wait3A_646 = tpu.memref_squeeze %dma_wait3A_645 : memref<1x128xi32, #tpu.memory_space<vmem>> -> memref<128xi32, #tpu.memory_space<vmem>>
        %dma_wait3A_647 = arith.constant 0 : i32
        %dma_wait3A_648 = arith.constant 0 : i32
        %dma_wait3A_649 = tpu.memref_slice %arg3[%dma_wait3A_647, %dma_wait3A_648] : memref<250000x64xf32, #tpu.memory_space<hbm>> -> memref<250000x64xf32, #tpu.memory_space<hbm>>
        tpu.wait_indirect_dma semaphore(%arg17 : memref<!tpu.dma_semaphore, #tpu.memory_space<semaphore_mem>>) src(%dma_wait3A_649 : memref<250000x64xf32, #tpu.memory_space<hbm>>) dst(%arg13 : memref<128x64xf32, #tpu.memory_space<vmem>>)
        %mul3A_650 = arith.constant 51 : i32
        %mul3A_651 = arith.muli %while3A_519#4, %mul3A_650 : i32
        %add3A_652 = arith.addi %mul3A_651, %while3A_519#5 : i32
        %dma_start3A = arith.constant 0 : i32
        %dma_start3A_653 = tpu.memref_slice %arg10[%add3A_652, %dma_start3A] : memref<204x128xi32, #tpu.memory_space<vmem>> -> memref<1x128xi32, #tpu.memory_space<vmem>>
        %dma_start3A_654 = tpu.memref_squeeze %dma_start3A_653 : memref<1x128xi32, #tpu.memory_space<vmem>> -> memref<128xi32, #tpu.memory_space<vmem>>
        %dma_start3A_655 = arith.constant 0 : i32
        %dma_start3A_656 = arith.constant 0 : i32
        %dma_start3A_657 = tpu.memref_slice %arg7[%dma_start3A_655, %dma_start3A_656] : memref<819200x64xf32, #tpu.memory_space<hbm>> -> memref<819200x64xf32, #tpu.memory_space<hbm>>
        tpu.enqueue_indirect_dma source(%arg13 : memref<128x64xf32, #tpu.memory_space<vmem>>) target(%dma_start3A_657 : memref<819200x64xf32, #tpu.memory_space<hbm>>) offsets(%dma_start3A_654 : memref<128xi32, #tpu.memory_space<vmem>>) semaphore(%arg21 : memref<!tpu.dma_semaphore, #tpu.memory_space<semaphore_mem>>)
      } else {
      }
      %ge3A_544 = arith.constant 3 : i32
      %ge3A_545 = arith.cmpi sge, %add3A_500, %ge3A_544 : i32
      %eq3A_546 = arith.constant 3 : i32
      %eq3A_547 = arith.cmpi eq, %and3A_523, %eq3A_546 : i32
      %and3A_548 = arith.andi %ge3A_545, %eq3A_547 : i1
      %convert_element_type3A_549 = arith.extui %and3A_548 : i1 to i32
      %cond3A_550 = arith.constant 0 : i32
      %cond3A_551 = arith.cmpi ne, %convert_element_type3A_549, %cond3A_550 : i32
      scf.if %cond3A_551 {
        %dma_wait3A = arith.constant 0 : i32
        %dma_wait3A_644 = arith.constant 0 : i32
        %dma_wait3A_645 = tpu.memref_slice %arg9[%dma_wait3A, %dma_wait3A_644] : memref<204x128xi32, #tpu.memory_space<vmem>> -> memref<1x128xi32, #tpu.memory_space<vmem>>
        %dma_wait3A_646 = tpu.memref_squeeze %dma_wait3A_645 : memref<1x128xi32, #tpu.memory_space<vmem>> -> memref<128xi32, #tpu.memory_space<vmem>>
        %dma_wait3A_647 = arith.constant 0 : i32
        %dma_wait3A_648 = arith.constant 0 : i32
        %dma_wait3A_649 = tpu.memref_slice %arg3[%dma_wait3A_647, %dma_wait3A_648] : memref<250000x64xf32, #tpu.memory_space<hbm>> -> memref<250000x64xf32, #tpu.memory_space<hbm>>
        tpu.wait_indirect_dma semaphore(%arg18 : memref<!tpu.dma_semaphore, #tpu.memory_space<semaphore_mem>>) src(%dma_wait3A_649 : memref<250000x64xf32, #tpu.memory_space<hbm>>) dst(%arg14 : memref<128x64xf32, #tpu.memory_space<vmem>>)
        %mul3A_650 = arith.constant 51 : i32
        %mul3A_651 = arith.muli %while3A_519#4, %mul3A_650 : i32
        %add3A_652 = arith.addi %mul3A_651, %while3A_519#5 : i32
        %dma_start3A = arith.constant 0 : i32
        %dma_start3A_653 = tpu.memref_slice %arg10[%add3A_652, %dma_start3A] : memref<204x128xi32, #tpu.memory_space<vmem>> -> memref<1x128xi32, #tpu.memory_space<vmem>>
        %dma_start3A_654 = tpu.memref_squeeze %dma_start3A_653 : memref<1x128xi32, #tpu.memory_space<vmem>> -> memref<128xi32, #tpu.memory_space<vmem>>
        %dma_start3A_655 = arith.constant 0 : i32
        %dma_start3A_656 = arith.constant 0 : i32
        %dma_start3A_657 = tpu.memref_slice %arg7[%dma_start3A_655, %dma_start3A_656] : memref<819200x64xf32, #tpu.memory_space<hbm>> -> memref<819200x64xf32, #tpu.memory_space<hbm>>
        tpu.enqueue_indirect_dma source(%arg14 : memref<128x64xf32, #tpu.memory_space<vmem>>) target(%dma_start3A_657 : memref<819200x64xf32, #tpu.memory_space<hbm>>) offsets(%dma_start3A_654 : memref<128xi32, #tpu.memory_space<vmem>>) semaphore(%arg22 : memref<!tpu.dma_semaphore, #tpu.memory_space<semaphore_mem>>)
      } else {
      }
      %sub3A_552 = arith.constant 2 : i32
      %sub3A_553 = arith.subi %add3A_500, %sub3A_552 : i32
      %and3A_554 = arith.constant 3 : i32
      %and3A_555 = arith.andi %sub3A_553, %and3A_554 : i32
      %ge3A_556 = arith.constant 2 : i32
      %ge3A_557 = arith.cmpi sge, %add3A_500, %ge3A_556 : i32
      %eq3A_558 = arith.constant 0 : i32
      %eq3A_559 = arith.cmpi eq, %and3A_555, %eq3A_558 : i32
      %and3A_560 = arith.andi %ge3A_557, %eq3A_559 : i1
      %convert_element_type3A_561 = arith.extui %and3A_560 : i1 to i32
      %cond3A_562 = arith.constant 0 : i32
      %cond3A_563 = arith.cmpi ne, %convert_element_type3A_561, %cond3A_562 : i32
      scf.if %cond3A_563 {
        %dma_wait3A = arith.constant 0 : i32
        %dma_wait3A_644 = arith.constant 0 : i32
        %dma_wait3A_645 = tpu.memref_slice %arg9[%dma_wait3A, %dma_wait3A_644] : memref<204x128xi32, #tpu.memory_space<vmem>> -> memref<1x128xi32, #tpu.memory_space<vmem>>
        %dma_wait3A_646 = tpu.memref_squeeze %dma_wait3A_645 : memref<1x128xi32, #tpu.memory_space<vmem>> -> memref<128xi32, #tpu.memory_space<vmem>>
        %dma_wait3A_647 = arith.constant 0 : i32
        %dma_wait3A_648 = arith.constant 0 : i32
        %dma_wait3A_649 = tpu.memref_slice %arg3[%dma_wait3A_647, %dma_wait3A_648] : memref<250000x64xf32, #tpu.memory_space<hbm>> -> memref<250000x64xf32, #tpu.memory_space<hbm>>
        tpu.wait_indirect_dma semaphore(%arg15 : memref<!tpu.dma_semaphore, #tpu.memory_space<semaphore_mem>>) src(%dma_wait3A_649 : memref<250000x64xf32, #tpu.memory_space<hbm>>) dst(%arg11 : memref<128x64xf32, #tpu.memory_space<vmem>>)
        %mul3A_650 = arith.constant 51 : i32
        %mul3A_651 = arith.muli %while3A_519#2, %mul3A_650 : i32
        %add3A_652 = arith.addi %mul3A_651, %while3A_519#3 : i32
        %dma_start3A = arith.constant 0 : i32
        %dma_start3A_653 = tpu.memref_slice %arg10[%add3A_652, %dma_start3A] : memref<204x128xi32, #tpu.memory_space<vmem>> -> memref<1x128xi32, #tpu.memory_space<vmem>>
        %dma_start3A_654 = tpu.memref_squeeze %dma_start3A_653 : memref<1x128xi32, #tpu.memory_space<vmem>> -> memref<128xi32, #tpu.memory_space<vmem>>
        %dma_start3A_655 = arith.constant 0 : i32
        %dma_start3A_656 = arith.constant 0 : i32
        %dma_start3A_657 = tpu.memref_slice %arg7[%dma_start3A_655, %dma_start3A_656] : memref<819200x64xf32, #tpu.memory_space<hbm>> -> memref<819200x64xf32, #tpu.memory_space<hbm>>
        tpu.enqueue_indirect_dma source(%arg11 : memref<128x64xf32, #tpu.memory_space<vmem>>) target(%dma_start3A_657 : memref<819200x64xf32, #tpu.memory_space<hbm>>) offsets(%dma_start3A_654 : memref<128xi32, #tpu.memory_space<vmem>>) semaphore(%arg19 : memref<!tpu.dma_semaphore, #tpu.memory_space<semaphore_mem>>)
      } else {
      }
      %ge3A_564 = arith.constant 2 : i32
      %ge3A_565 = arith.cmpi sge, %add3A_500, %ge3A_564 : i32
      %eq3A_566 = arith.constant 1 : i32
      %eq3A_567 = arith.cmpi eq, %and3A_555, %eq3A_566 : i32
      %and3A_568 = arith.andi %ge3A_565, %eq3A_567 : i1
      %convert_element_type3A_569 = arith.extui %and3A_568 : i1 to i32
      %cond3A_570 = arith.constant 0 : i32
      %cond3A_571 = arith.cmpi ne, %convert_element_type3A_569, %cond3A_570 : i32
      scf.if %cond3A_571 {
        %dma_wait3A = arith.constant 0 : i32
        %dma_wait3A_644 = arith.constant 0 : i32
        %dma_wait3A_645 = tpu.memref_slice %arg9[%dma_wait3A, %dma_wait3A_644] : memref<204x128xi32, #tpu.memory_space<vmem>> -> memref<1x128xi32, #tpu.memory_space<vmem>>
        %dma_wait3A_646 = tpu.memref_squeeze %dma_wait3A_645 : memref<1x128xi32, #tpu.memory_space<vmem>> -> memref<128xi32, #tpu.memory_space<vmem>>
        %dma_wait3A_647 = arith.constant 0 : i32
        %dma_wait3A_648 = arith.constant 0 : i32
        %dma_wait3A_649 = tpu.memref_slice %arg3[%dma_wait3A_647, %dma_wait3A_648] : memref<250000x64xf32, #tpu.memory_space<hbm>> -> memref<250000x64xf32, #tpu.memory_space<hbm>>
        tpu.wait_indirect_dma semaphore(%arg16 : memref<!tpu.dma_semaphore, #tpu.memory_space<semaphore_mem>>) src(%dma_wait3A_649 : memref<250000x64xf32, #tpu.memory_space<hbm>>) dst(%arg12 : memref<128x64xf32, #tpu.memory_space<vmem>>)
        %mul3A_650 = arith.constant 51 : i32
        %mul3A_651 = arith.muli %while3A_519#2, %mul3A_650 : i32
        %add3A_652 = arith.addi %mul3A_651, %while3A_519#3 : i32
        %dma_start3A = arith.constant 0 : i32
        %dma_start3A_653 = tpu.memref_slice %arg10[%add3A_652, %dma_start3A] : memref<204x128xi32, #tpu.memory_space<vmem>> -> memref<1x128xi32, #tpu.memory_space<vmem>>
        %dma_start3A_654 = tpu.memref_squeeze %dma_start3A_653 : memref<1x128xi32, #tpu.memory_space<vmem>> -> memref<128xi32, #tpu.memory_space<vmem>>
        %dma_start3A_655 = arith.constant 0 : i32
        %dma_start3A_656 = arith.constant 0 : i32
        %dma_start3A_657 = tpu.memref_slice %arg7[%dma_start3A_655, %dma_start3A_656] : memref<819200x64xf32, #tpu.memory_space<hbm>> -> memref<819200x64xf32, #tpu.memory_space<hbm>>
        tpu.enqueue_indirect_dma source(%arg12 : memref<128x64xf32, #tpu.memory_space<vmem>>) target(%dma_start3A_657 : memref<819200x64xf32, #tpu.memory_space<hbm>>) offsets(%dma_start3A_654 : memref<128xi32, #tpu.memory_space<vmem>>) semaphore(%arg20 : memref<!tpu.dma_semaphore, #tpu.memory_space<semaphore_mem>>)
      } else {
      }
      %ge3A_572 = arith.constant 2 : i32
      %ge3A_573 = arith.cmpi sge, %add3A_500, %ge3A_572 : i32
      %eq3A_574 = arith.constant 2 : i32
      %eq3A_575 = arith.cmpi eq, %and3A_555, %eq3A_574 : i32
      %and3A_576 = arith.andi %ge3A_573, %eq3A_575 : i1
      %convert_element_type3A_577 = arith.extui %and3A_576 : i1 to i32
      %cond3A_578 = arith.constant 0 : i32
      %cond3A_579 = arith.cmpi ne, %convert_element_type3A_577, %cond3A_578 : i32
      scf.if %cond3A_579 {
        %dma_wait3A = arith.constant 0 : i32
        %dma_wait3A_644 = arith.constant 0 : i32
        %dma_wait3A_645 = tpu.memref_slice %arg9[%dma_wait3A, %dma_wait3A_644] : memref<204x128xi32, #tpu.memory_space<vmem>> -> memref<1x128xi32, #tpu.memory_space<vmem>>
        %dma_wait3A_646 = tpu.memref_squeeze %dma_wait3A_645 : memref<1x128xi32, #tpu.memory_space<vmem>> -> memref<128xi32, #tpu.memory_space<vmem>>
        %dma_wait3A_647 = arith.constant 0 : i32
        %dma_wait3A_648 = arith.constant 0 : i32
        %dma_wait3A_649 = tpu.memref_slice %arg3[%dma_wait3A_647, %dma_wait3A_648] : memref<250000x64xf32, #tpu.memory_space<hbm>> -> memref<250000x64xf32, #tpu.memory_space<hbm>>
        tpu.wait_indirect_dma semaphore(%arg17 : memref<!tpu.dma_semaphore, #tpu.memory_space<semaphore_mem>>) src(%dma_wait3A_649 : memref<250000x64xf32, #tpu.memory_space<hbm>>) dst(%arg13 : memref<128x64xf32, #tpu.memory_space<vmem>>)
        %mul3A_650 = arith.constant 51 : i32
        %mul3A_651 = arith.muli %while3A_519#2, %mul3A_650 : i32
        %add3A_652 = arith.addi %mul3A_651, %while3A_519#3 : i32
        %dma_start3A = arith.constant 0 : i32
        %dma_start3A_653 = tpu.memref_slice %arg10[%add3A_652, %dma_start3A] : memref<204x128xi32, #tpu.memory_space<vmem>> -> memref<1x128xi32, #tpu.memory_space<vmem>>
        %dma_start3A_654 = tpu.memref_squeeze %dma_start3A_653 : memref<1x128xi32, #tpu.memory_space<vmem>> -> memref<128xi32, #tpu.memory_space<vmem>>
        %dma_start3A_655 = arith.constant 0 : i32
        %dma_start3A_656 = arith.constant 0 : i32
        %dma_start3A_657 = tpu.memref_slice %arg7[%dma_start3A_655, %dma_start3A_656] : memref<819200x64xf32, #tpu.memory_space<hbm>> -> memref<819200x64xf32, #tpu.memory_space<hbm>>
        tpu.enqueue_indirect_dma source(%arg13 : memref<128x64xf32, #tpu.memory_space<vmem>>) target(%dma_start3A_657 : memref<819200x64xf32, #tpu.memory_space<hbm>>) offsets(%dma_start3A_654 : memref<128xi32, #tpu.memory_space<vmem>>) semaphore(%arg21 : memref<!tpu.dma_semaphore, #tpu.memory_space<semaphore_mem>>)
      } else {
      }
      %ge3A_580 = arith.constant 2 : i32
      %ge3A_581 = arith.cmpi sge, %add3A_500, %ge3A_580 : i32
      %eq3A_582 = arith.constant 3 : i32
      %eq3A_583 = arith.cmpi eq, %and3A_555, %eq3A_582 : i32
      %and3A_584 = arith.andi %ge3A_581, %eq3A_583 : i1
      %convert_element_type3A_585 = arith.extui %and3A_584 : i1 to i32
      %cond3A_586 = arith.constant 0 : i32
      %cond3A_587 = arith.cmpi ne, %convert_element_type3A_585, %cond3A_586 : i32
      scf.if %cond3A_587 {
        %dma_wait3A = arith.constant 0 : i32
        %dma_wait3A_644 = arith.constant 0 : i32
        %dma_wait3A_645 = tpu.memref_slice %arg9[%dma_wait3A, %dma_wait3A_644] : memref<204x128xi32, #tpu.memory_space<vmem>> -> memref<1x128xi32, #tpu.memory_space<vmem>>
        %dma_wait3A_646 = tpu.memref_squeeze %dma_wait3A_645 : memref<1x128xi32, #tpu.memory_space<vmem>> -> memref<128xi32, #tpu.memory_space<vmem>>
        %dma_wait3A_647 = arith.constant 0 : i32
        %dma_wait3A_648 = arith.constant 0 : i32
        %dma_wait3A_649 = tpu.memref_slice %arg3[%dma_wait3A_647, %dma_wait3A_648] : memref<250000x64xf32, #tpu.memory_space<hbm>> -> memref<250000x64xf32, #tpu.memory_space<hbm>>
        tpu.wait_indirect_dma semaphore(%arg18 : memref<!tpu.dma_semaphore, #tpu.memory_space<semaphore_mem>>) src(%dma_wait3A_649 : memref<250000x64xf32, #tpu.memory_space<hbm>>) dst(%arg14 : memref<128x64xf32, #tpu.memory_space<vmem>>)
        %mul3A_650 = arith.constant 51 : i32
        %mul3A_651 = arith.muli %while3A_519#2, %mul3A_650 : i32
        %add3A_652 = arith.addi %mul3A_651, %while3A_519#3 : i32
        %dma_start3A = arith.constant 0 : i32
        %dma_start3A_653 = tpu.memref_slice %arg10[%add3A_652, %dma_start3A] : memref<204x128xi32, #tpu.memory_space<vmem>> -> memref<1x128xi32, #tpu.memory_space<vmem>>
        %dma_start3A_654 = tpu.memref_squeeze %dma_start3A_653 : memref<1x128xi32, #tpu.memory_space<vmem>> -> memref<128xi32, #tpu.memory_space<vmem>>
        %dma_start3A_655 = arith.constant 0 : i32
        %dma_start3A_656 = arith.constant 0 : i32
        %dma_start3A_657 = tpu.memref_slice %arg7[%dma_start3A_655, %dma_start3A_656] : memref<819200x64xf32, #tpu.memory_space<hbm>> -> memref<819200x64xf32, #tpu.memory_space<hbm>>
        tpu.enqueue_indirect_dma source(%arg14 : memref<128x64xf32, #tpu.memory_space<vmem>>) target(%dma_start3A_657 : memref<819200x64xf32, #tpu.memory_space<hbm>>) offsets(%dma_start3A_654 : memref<128xi32, #tpu.memory_space<vmem>>) semaphore(%arg22 : memref<!tpu.dma_semaphore, #tpu.memory_space<semaphore_mem>>)
      } else {
      }
      %sub3A_588 = arith.constant 1 : i32
      %sub3A_589 = arith.subi %add3A_500, %sub3A_588 : i32
      %and3A_590 = arith.constant 3 : i32
      %and3A_591 = arith.andi %sub3A_589, %and3A_590 : i32
      %ge3A_592 = arith.constant 1 : i32
      %ge3A_593 = arith.cmpi sge, %add3A_500, %ge3A_592 : i32
      %eq3A_594 = arith.constant 0 : i32
      %eq3A_595 = arith.cmpi eq, %and3A_591, %eq3A_594 : i32
      %and3A_596 = arith.andi %ge3A_593, %eq3A_595 : i1
      %convert_element_type3A_597 = arith.extui %and3A_596 : i1 to i32
      %cond3A_598 = arith.constant 0 : i32
      %cond3A_599 = arith.cmpi ne, %convert_element_type3A_597, %cond3A_598 : i32
      scf.if %cond3A_599 {
        %dma_wait3A = arith.constant 0 : i32
        %dma_wait3A_644 = arith.constant 0 : i32
        %dma_wait3A_645 = tpu.memref_slice %arg9[%dma_wait3A, %dma_wait3A_644] : memref<204x128xi32, #tpu.memory_space<vmem>> -> memref<1x128xi32, #tpu.memory_space<vmem>>
        %dma_wait3A_646 = tpu.memref_squeeze %dma_wait3A_645 : memref<1x128xi32, #tpu.memory_space<vmem>> -> memref<128xi32, #tpu.memory_space<vmem>>
        %dma_wait3A_647 = arith.constant 0 : i32
        %dma_wait3A_648 = arith.constant 0 : i32
        %dma_wait3A_649 = tpu.memref_slice %arg3[%dma_wait3A_647, %dma_wait3A_648] : memref<250000x64xf32, #tpu.memory_space<hbm>> -> memref<250000x64xf32, #tpu.memory_space<hbm>>
        tpu.wait_indirect_dma semaphore(%arg15 : memref<!tpu.dma_semaphore, #tpu.memory_space<semaphore_mem>>) src(%dma_wait3A_649 : memref<250000x64xf32, #tpu.memory_space<hbm>>) dst(%arg11 : memref<128x64xf32, #tpu.memory_space<vmem>>)
        %mul3A_650 = arith.constant 51 : i32
        %mul3A_651 = arith.muli %while3A_519#0, %mul3A_650 : i32
        %add3A_652 = arith.addi %mul3A_651, %while3A_519#1 : i32
        %dma_start3A = arith.constant 0 : i32
        %dma_start3A_653 = tpu.memref_slice %arg10[%add3A_652, %dma_start3A] : memref<204x128xi32, #tpu.memory_space<vmem>> -> memref<1x128xi32, #tpu.memory_space<vmem>>
        %dma_start3A_654 = tpu.memref_squeeze %dma_start3A_653 : memref<1x128xi32, #tpu.memory_space<vmem>> -> memref<128xi32, #tpu.memory_space<vmem>>
        %dma_start3A_655 = arith.constant 0 : i32
        %dma_start3A_656 = arith.constant 0 : i32
        %dma_start3A_657 = tpu.memref_slice %arg7[%dma_start3A_655, %dma_start3A_656] : memref<819200x64xf32, #tpu.memory_space<hbm>> -> memref<819200x64xf32, #tpu.memory_space<hbm>>
        tpu.enqueue_indirect_dma source(%arg11 : memref<128x64xf32, #tpu.memory_space<vmem>>) target(%dma_start3A_657 : memref<819200x64xf32, #tpu.memory_space<hbm>>) offsets(%dma_start3A_654 : memref<128xi32, #tpu.memory_space<vmem>>) semaphore(%arg19 : memref<!tpu.dma_semaphore, #tpu.memory_space<semaphore_mem>>)
      } else {
      }
      %ge3A_600 = arith.constant 1 : i32
      %ge3A_601 = arith.cmpi sge, %add3A_500, %ge3A_600 : i32
      %eq3A_602 = arith.constant 1 : i32
      %eq3A_603 = arith.cmpi eq, %and3A_591, %eq3A_602 : i32
      %and3A_604 = arith.andi %ge3A_601, %eq3A_603 : i1
      %convert_element_type3A_605 = arith.extui %and3A_604 : i1 to i32
      %cond3A_606 = arith.constant 0 : i32
      %cond3A_607 = arith.cmpi ne, %convert_element_type3A_605, %cond3A_606 : i32
      scf.if %cond3A_607 {
        %dma_wait3A = arith.constant 0 : i32
        %dma_wait3A_644 = arith.constant 0 : i32
        %dma_wait3A_645 = tpu.memref_slice %arg9[%dma_wait3A, %dma_wait3A_644] : memref<204x128xi32, #tpu.memory_space<vmem>> -> memref<1x128xi32, #tpu.memory_space<vmem>>
        %dma_wait3A_646 = tpu.memref_squeeze %dma_wait3A_645 : memref<1x128xi32, #tpu.memory_space<vmem>> -> memref<128xi32, #tpu.memory_space<vmem>>
        %dma_wait3A_647 = arith.constant 0 : i32
        %dma_wait3A_648 = arith.constant 0 : i32
        %dma_wait3A_649 = tpu.memref_slice %arg3[%dma_wait3A_647, %dma_wait3A_648] : memref<250000x64xf32, #tpu.memory_space<hbm>> -> memref<250000x64xf32, #tpu.memory_space<hbm>>
        tpu.wait_indirect_dma semaphore(%arg16 : memref<!tpu.dma_semaphore, #tpu.memory_space<semaphore_mem>>) src(%dma_wait3A_649 : memref<250000x64xf32, #tpu.memory_space<hbm>>) dst(%arg12 : memref<128x64xf32, #tpu.memory_space<vmem>>)
        %mul3A_650 = arith.constant 51 : i32
        %mul3A_651 = arith.muli %while3A_519#0, %mul3A_650 : i32
        %add3A_652 = arith.addi %mul3A_651, %while3A_519#1 : i32
        %dma_start3A = arith.constant 0 : i32
        %dma_start3A_653 = tpu.memref_slice %arg10[%add3A_652, %dma_start3A] : memref<204x128xi32, #tpu.memory_space<vmem>> -> memref<1x128xi32, #tpu.memory_space<vmem>>
        %dma_start3A_654 = tpu.memref_squeeze %dma_start3A_653 : memref<1x128xi32, #tpu.memory_space<vmem>> -> memref<128xi32, #tpu.memory_space<vmem>>
        %dma_start3A_655 = arith.constant 0 : i32
        %dma_start3A_656 = arith.constant 0 : i32
        %dma_start3A_657 = tpu.memref_slice %arg7[%dma_start3A_655, %dma_start3A_656] : memref<819200x64xf32, #tpu.memory_space<hbm>> -> memref<819200x64xf32, #tpu.memory_space<hbm>>
        tpu.enqueue_indirect_dma source(%arg12 : memref<128x64xf32, #tpu.memory_space<vmem>>) target(%dma_start3A_657 : memref<819200x64xf32, #tpu.memory_space<hbm>>) offsets(%dma_start3A_654 : memref<128xi32, #tpu.memory_space<vmem>>) semaphore(%arg20 : memref<!tpu.dma_semaphore, #tpu.memory_space<semaphore_mem>>)
      } else {
      }
      %ge3A_608 = arith.constant 1 : i32
      %ge3A_609 = arith.cmpi sge, %add3A_500, %ge3A_608 : i32
      %eq3A_610 = arith.constant 2 : i32
      %eq3A_611 = arith.cmpi eq, %and3A_591, %eq3A_610 : i32
      %and3A_612 = arith.andi %ge3A_609, %eq3A_611 : i1
      %convert_element_type3A_613 = arith.extui %and3A_612 : i1 to i32
      %cond3A_614 = arith.constant 0 : i32
      %cond3A_615 = arith.cmpi ne, %convert_element_type3A_613, %cond3A_614 : i32
      scf.if %cond3A_615 {
        %dma_wait3A = arith.constant 0 : i32
        %dma_wait3A_644 = arith.constant 0 : i32
        %dma_wait3A_645 = tpu.memref_slice %arg9[%dma_wait3A, %dma_wait3A_644] : memref<204x128xi32, #tpu.memory_space<vmem>> -> memref<1x128xi32, #tpu.memory_space<vmem>>
        %dma_wait3A_646 = tpu.memref_squeeze %dma_wait3A_645 : memref<1x128xi32, #tpu.memory_space<vmem>> -> memref<128xi32, #tpu.memory_space<vmem>>
        %dma_wait3A_647 = arith.constant 0 : i32
        %dma_wait3A_648 = arith.constant 0 : i32
        %dma_wait3A_649 = tpu.memref_slice %arg3[%dma_wait3A_647, %dma_wait3A_648] : memref<250000x64xf32, #tpu.memory_space<hbm>> -> memref<250000x64xf32, #tpu.memory_space<hbm>>
        tpu.wait_indirect_dma semaphore(%arg17 : memref<!tpu.dma_semaphore, #tpu.memory_space<semaphore_mem>>) src(%dma_wait3A_649 : memref<250000x64xf32, #tpu.memory_space<hbm>>) dst(%arg13 : memref<128x64xf32, #tpu.memory_space<vmem>>)
        %mul3A_650 = arith.constant 51 : i32
        %mul3A_651 = arith.muli %while3A_519#0, %mul3A_650 : i32
        %add3A_652 = arith.addi %mul3A_651, %while3A_519#1 : i32
        %dma_start3A = arith.constant 0 : i32
        %dma_start3A_653 = tpu.memref_slice %arg10[%add3A_652, %dma_start3A] : memref<204x128xi32, #tpu.memory_space<vmem>> -> memref<1x128xi32, #tpu.memory_space<vmem>>
        %dma_start3A_654 = tpu.memref_squeeze %dma_start3A_653 : memref<1x128xi32, #tpu.memory_space<vmem>> -> memref<128xi32, #tpu.memory_space<vmem>>
        %dma_start3A_655 = arith.constant 0 : i32
        %dma_start3A_656 = arith.constant 0 : i32
        %dma_start3A_657 = tpu.memref_slice %arg7[%dma_start3A_655, %dma_start3A_656] : memref<819200x64xf32, #tpu.memory_space<hbm>> -> memref<819200x64xf32, #tpu.memory_space<hbm>>
        tpu.enqueue_indirect_dma source(%arg13 : memref<128x64xf32, #tpu.memory_space<vmem>>) target(%dma_start3A_657 : memref<819200x64xf32, #tpu.memory_space<hbm>>) offsets(%dma_start3A_654 : memref<128xi32, #tpu.memory_space<vmem>>) semaphore(%arg21 : memref<!tpu.dma_semaphore, #tpu.memory_space<semaphore_mem>>)
      } else {
      }
      %ge3A_616 = arith.constant 1 : i32
      %ge3A_617 = arith.cmpi sge, %add3A_500, %ge3A_616 : i32
      %eq3A_618 = arith.constant 3 : i32
      %eq3A_619 = arith.cmpi eq, %and3A_591, %eq3A_618 : i32
      %and3A_620 = arith.andi %ge3A_617, %eq3A_619 : i1
      %convert_element_type3A_621 = arith.extui %and3A_620 : i1 to i32
      %cond3A_622 = arith.constant 0 : i32
      %cond3A_623 = arith.cmpi ne, %convert_element_type3A_621, %cond3A_622 : i32
      scf.if %cond3A_623 {
        %dma_wait3A = arith.constant 0 : i32
        %dma_wait3A_644 = arith.constant 0 : i32
        %dma_wait3A_645 = tpu.memref_slice %arg9[%dma_wait3A, %dma_wait3A_644] : memref<204x128xi32, #tpu.memory_space<vmem>> -> memref<1x128xi32, #tpu.memory_space<vmem>>
        %dma_wait3A_646 = tpu.memref_squeeze %dma_wait3A_645 : memref<1x128xi32, #tpu.memory_space<vmem>> -> memref<128xi32, #tpu.memory_space<vmem>>
        %dma_wait3A_647 = arith.constant 0 : i32
        %dma_wait3A_648 = arith.constant 0 : i32
        %dma_wait3A_649 = tpu.memref_slice %arg3[%dma_wait3A_647, %dma_wait3A_648] : memref<250000x64xf32, #tpu.memory_space<hbm>> -> memref<250000x64xf32, #tpu.memory_space<hbm>>
        tpu.wait_indirect_dma semaphore(%arg18 : memref<!tpu.dma_semaphore, #tpu.memory_space<semaphore_mem>>) src(%dma_wait3A_649 : memref<250000x64xf32, #tpu.memory_space<hbm>>) dst(%arg14 : memref<128x64xf32, #tpu.memory_space<vmem>>)
        %mul3A_650 = arith.constant 51 : i32
        %mul3A_651 = arith.muli %while3A_519#0, %mul3A_650 : i32
        %add3A_652 = arith.addi %mul3A_651, %while3A_519#1 : i32
        %dma_start3A = arith.constant 0 : i32
        %dma_start3A_653 = tpu.memref_slice %arg10[%add3A_652, %dma_start3A] : memref<204x128xi32, #tpu.memory_space<vmem>> -> memref<1x128xi32, #tpu.memory_space<vmem>>
        %dma_start3A_654 = tpu.memref_squeeze %dma_start3A_653 : memref<1x128xi32, #tpu.memory_space<vmem>> -> memref<128xi32, #tpu.memory_space<vmem>>
        %dma_start3A_655 = arith.constant 0 : i32
        %dma_start3A_656 = arith.constant 0 : i32
        %dma_start3A_657 = tpu.memref_slice %arg7[%dma_start3A_655, %dma_start3A_656] : memref<819200x64xf32, #tpu.memory_space<hbm>> -> memref<819200x64xf32, #tpu.memory_space<hbm>>
        tpu.enqueue_indirect_dma source(%arg14 : memref<128x64xf32, #tpu.memory_space<vmem>>) target(%dma_start3A_657 : memref<819200x64xf32, #tpu.memory_space<hbm>>) offsets(%dma_start3A_654 : memref<128xi32, #tpu.memory_space<vmem>>) semaphore(%arg22 : memref<!tpu.dma_semaphore, #tpu.memory_space<semaphore_mem>>)
      } else {
      }
      %gt3A = arith.constant 0 : i32
      %gt3A_624 = arith.cmpi sgt, %add3A_500, %gt3A : i32
      %convert_element_type3A_625 = arith.extui %gt3A_624 : i1 to i32
      %cond3A_626 = arith.constant 0 : i32
      %cond3A_627 = arith.cmpi ne, %convert_element_type3A_625, %cond3A_626 : i32
      scf.if %cond3A_627 {
        %dma_wait3A = arith.constant 0 : i32
        %dma_wait3A_644 = arith.constant 0 : i32
        %dma_wait3A_645 = tpu.memref_slice %arg10[%dma_wait3A, %dma_wait3A_644] : memref<204x128xi32, #tpu.memory_space<vmem>> -> memref<1x128xi32, #tpu.memory_space<vmem>>
        %dma_wait3A_646 = tpu.memref_squeeze %dma_wait3A_645 : memref<1x128xi32, #tpu.memory_space<vmem>> -> memref<128xi32, #tpu.memory_space<vmem>>
        %dma_wait3A_647 = arith.constant 0 : i32
        %dma_wait3A_648 = arith.constant 0 : i32
        %dma_wait3A_649 = tpu.memref_slice %arg7[%dma_wait3A_647, %dma_wait3A_648] : memref<819200x64xf32, #tpu.memory_space<hbm>> -> memref<819200x64xf32, #tpu.memory_space<hbm>>
        tpu.wait_indirect_dma semaphore(%arg19 : memref<!tpu.dma_semaphore, #tpu.memory_space<semaphore_mem>>) src(%arg11 : memref<128x64xf32, #tpu.memory_space<vmem>>) dst(%dma_wait3A_649 : memref<819200x64xf32, #tpu.memory_space<hbm>>)
      } else {
      }
      %gt3A_628 = arith.constant 1 : i32
      %gt3A_629 = arith.cmpi sgt, %add3A_500, %gt3A_628 : i32
      %convert_element_type3A_630 = arith.extui %gt3A_629 : i1 to i32
      %cond3A_631 = arith.constant 0 : i32
      %cond3A_632 = arith.cmpi ne, %convert_element_type3A_630, %cond3A_631 : i32
      scf.if %cond3A_632 {
        %dma_wait3A = arith.constant 0 : i32
        %dma_wait3A_644 = arith.constant 0 : i32
        %dma_wait3A_645 = tpu.memref_slice %arg10[%dma_wait3A, %dma_wait3A_644] : memref<204x128xi32, #tpu.memory_space<vmem>> -> memref<1x128xi32, #tpu.memory_space<vmem>>
        %dma_wait3A_646 = tpu.memref_squeeze %dma_wait3A_645 : memref<1x128xi32, #tpu.memory_space<vmem>> -> memref<128xi32, #tpu.memory_space<vmem>>
        %dma_wait3A_647 = arith.constant 0 : i32
        %dma_wait3A_648 = arith.constant 0 : i32
        %dma_wait3A_649 = tpu.memref_slice %arg7[%dma_wait3A_647, %dma_wait3A_648] : memref<819200x64xf32, #tpu.memory_space<hbm>> -> memref<819200x64xf32, #tpu.memory_space<hbm>>
        tpu.wait_indirect_dma semaphore(%arg20 : memref<!tpu.dma_semaphore, #tpu.memory_space<semaphore_mem>>) src(%arg11 : memref<128x64xf32, #tpu.memory_space<vmem>>) dst(%dma_wait3A_649 : memref<819200x64xf32, #tpu.memory_space<hbm>>)
      } else {
      }
      %gt3A_633 = arith.constant 2 : i32
      %gt3A_634 = arith.cmpi sgt, %add3A_500, %gt3A_633 : i32
      %convert_element_type3A_635 = arith.extui %gt3A_634 : i1 to i32
      %cond3A_636 = arith.constant 0 : i32
      %cond3A_637 = arith.cmpi ne, %convert_element_type3A_635, %cond3A_636 : i32
      scf.if %cond3A_637 {
        %dma_wait3A = arith.constant 0 : i32
        %dma_wait3A_644 = arith.constant 0 : i32
        %dma_wait3A_645 = tpu.memref_slice %arg10[%dma_wait3A, %dma_wait3A_644] : memref<204x128xi32, #tpu.memory_space<vmem>> -> memref<1x128xi32, #tpu.memory_space<vmem>>
        %dma_wait3A_646 = tpu.memref_squeeze %dma_wait3A_645 : memref<1x128xi32, #tpu.memory_space<vmem>> -> memref<128xi32, #tpu.memory_space<vmem>>
        %dma_wait3A_647 = arith.constant 0 : i32
        %dma_wait3A_648 = arith.constant 0 : i32
        %dma_wait3A_649 = tpu.memref_slice %arg7[%dma_wait3A_647, %dma_wait3A_648] : memref<819200x64xf32, #tpu.memory_space<hbm>> -> memref<819200x64xf32, #tpu.memory_space<hbm>>
        tpu.wait_indirect_dma semaphore(%arg21 : memref<!tpu.dma_semaphore, #tpu.memory_space<semaphore_mem>>) src(%arg11 : memref<128x64xf32, #tpu.memory_space<vmem>>) dst(%dma_wait3A_649 : memref<819200x64xf32, #tpu.memory_space<hbm>>)
      } else {
      }
      %gt3A_638 = arith.constant 3 : i32
      %gt3A_639 = arith.cmpi sgt, %add3A_500, %gt3A_638 : i32
      %convert_element_type3A_640 = arith.extui %gt3A_639 : i1 to i32
      %cond3A_641 = arith.constant 0 : i32
      %cond3A_642 = arith.cmpi ne, %convert_element_type3A_640, %cond3A_641 : i32
      scf.if %cond3A_642 {
        %dma_wait3A = arith.constant 0 : i32
        %dma_wait3A_644 = arith.constant 0 : i32
        %dma_wait3A_645 = tpu.memref_slice %arg10[%dma_wait3A, %dma_wait3A_644] : memref<204x128xi32, #tpu.memory_space<vmem>> -> memref<1x128xi32, #tpu.memory_space<vmem>>
        %dma_wait3A_646 = tpu.memref_squeeze %dma_wait3A_645 : memref<1x128xi32, #tpu.memory_space<vmem>> -> memref<128xi32, #tpu.memory_space<vmem>>
        %dma_wait3A_647 = arith.constant 0 : i32
        %dma_wait3A_648 = arith.constant 0 : i32
        %dma_wait3A_649 = tpu.memref_slice %arg7[%dma_wait3A_647, %dma_wait3A_648] : memref<819200x64xf32, #tpu.memory_space<hbm>> -> memref<819200x64xf32, #tpu.memory_space<hbm>>
        tpu.wait_indirect_dma semaphore(%arg22 : memref<!tpu.dma_semaphore, #tpu.memory_space<semaphore_mem>>) src(%arg11 : memref<128x64xf32, #tpu.memory_space<vmem>>) dst(%dma_wait3A_649 : memref<819200x64xf32, #tpu.memory_space<hbm>>)
      } else {
      }
      %scan3A_643 = arith.constant 0 : i32
      scf.yield %scan3A_643 : i32
    }
    %scan3A_6 = arith.constant 4 : i32
    return
  }
}

</mosaic_0001>

<sc_bundles>
// kernel: kernel.3.cloned.1.call-start
scs
__scs_entry_jumppad:
0x0: {  	(pc) =	sbr.rel $0x88, $3  }
0x1: {  	(tag) =	ssettag $0x0;
	lr =	simm.s32 $0x1  }
0x2: {  	[smem:$0x3F9C] =	sst lr;
	_ =	strace $0xD0000000  }
0x3: {  	_ = 	snop  }
0x4: {  	_ = 	snop  }
0x5: {  	_ = 	snop  }
0x6: {  	_ = 	snop  }
0x7: {  	_ = 	snop  }
__scs_overlays_trampoline_lowered:
0x8: {  	[smem:$0x3FAB] =	sst s0  }
0x9: {  	[smem:$0x3FAC] =	sst s1  }
0xa: {  	[smem:$0x3FAD] =	sst s2  }
0xb: {  	[smem:$0x3FAE] =	sst s3  }
0xc: {  	[smem:$0x3FAF] =	sst s4  }
0xd: {  	[smem:$0x3FB0] =	sst s5  }
0xe: {  	[smem:$0x3FB1] =	sst s6  }
0xf: {  	[smem:$0x3FB2] =	sst s7  }
0x10: {  	[smem:$0x3FB3] =	sst s8  }
0x11: {  	[smem:$0x3FB4] =	sst s9;
	s0 =	simm.s32 @!p0 $0x0  }
0x12: {  	s1 =	sld [smem:$0x3F9A];
	s0 =	simm.s32 @p0 $0x1  }
0x13: {  	[smem:$0x3FB5] =	sst s0;
	s0 =	simm.s32 @!p1 $0x0  }
0x14: {  	s2 =	sld [smem:$0x3F99];
	s0 =	simm.s32 @p1 $0x1  }
0x15: {  	[smem:$0x3FB6] =	sst s0;
	s0 =	simm.s32 @!p2 $0x0  }
0x16: {  	s3 =	sld [smem:$0x3FDB];
	s0 =	simm.s32 @p2 $0x1  }
0x17: {  	s4 =	simm.s32 $0x1BF5;
	[smem:$0x3FB8] =	sst s0  }
0x18: {  	s0 =	sld [smem:$0x3F9B];
	_ =	swait.ge [sflag:s4], $0x0  }
0x19: {  	s7 =	sld [smem:$0x3F9C]  }
0x1a: {  	s8 =	sadd.s32 $0xFFFFE003, lr  }
0x1b: {  	s9 =	sadd.s32 $0xFFFFFEF7, lr;
	s5 =	simm.s32 $0xFFFFFFFF;
	p2 =	slt.u32 s8, $0xFFFFF086  }
0x1c: {  	p1 =	slt.u32 s9, $0xF7A;
	s5 =	simm.s32 @!p2 $0x0  }
0x1d: {  	s5 =	simm.s32 @p1 $0x1;
	p0 =	seq.s32 s7, s2  }
0x1e: {  	s7 =	smul.u32 @!p0 $0xF7A, s2;
	p2 =	seq.s32 @!p0 s5, $0x0  }
0x1f: {  	s9 =	smul.u32 $0xF7A, s1;
	s8 =	simm.s32 @!p0 $0x1BF5;
	p2 =	por !p2, p0  }
0x20: {  	[sflag:s8] =	ssyncset.s32 @!p0 $0xFFFFF086;
	s6 =	sadd.s32 @!p0 s3, s7;
	s7 =	simm.s32 @!p0 $0x108  }
0x21: {  	s3 =	sadd.s32 s3, s9;
	s6 =	sadd.s32 @!p0 $0x88, s6;
	s7 =	simm.s32 @p2 $0x1082  }
0x22: {  	[simem:s7], [sflag:s8] =	dma.local @!p0 [hbm:s6], $0xF7A  }
0x23: {  	s9 =	sor.u32 $0xD0000000, s2;
	s6 =	simm.s32 $0x108;
	_ =	swait.ge @!p0 [sflag:s8], $0x0  }
0x24: {  	s3 =	sadd.s32 $0x88, s3;
	s6 =	simm.s32 @!p1 $0x1082;
	[sflag:s4] =	ssyncset.s32 $0xFFFFF086  }
0x25: {  	[simem:s6], [sflag:s4] =	dma.local [hbm:s3], $0xF7A  }
0x26: {  	[smem:$0x3F9C] =	sst s1;
	(tag) =	ssettag s2;
	_ =	strace s9  }
0x27: {  	s1 =	sld [smem:$0x3FAC]  }
0x28: {  	s2 =	sld [smem:$0x3FAD]  }
0x29: {  	s4 =	sld [smem:$0x3FAF]  }
0x2a: {  	p0 =	seq.s32 s5, $0x0;
	s5 =	sld [smem:$0x3FB0]  }
0x2b: {  	s6 =	sld [smem:$0x3FB1]  }
0x2c: {  	s7 =	sld [smem:$0x3FB2]  }
0x2d: {  	s3 =	simm.s32 $0x108;
	s8 =	sld [smem:$0x3FB3]  }
0x2e: {  	s3 =	simm.s32 @!p0 $0x1082;
	s9 =	sld [smem:$0x3FB4]  }
0x2f: {  	lr =	sadd.s32 s0, s3;
	s0 =	sld [smem:$0x3FAB]  }
0x30: {  	s3 =	sld [smem:$0x3FAE]  }
0x31: {  	[smem:$0x3FB7] =	sst s10  }
0x32: {  	s10 =	sld [smem:$0x3FB5];
	_ =	sdelay $0x3  }
0x33: {  	p0 =	seq.s32 s10, $0x1;
	s10 =	sld [smem:$0x3FB7];
	_ =	sdelay $0x3  }
0x34: {  	[smem:$0x3FB7] =	sst s10  }
0x35: {  	s10 =	sld [smem:$0x3FB6];
	_ =	sdelay $0x3  }
0x36: {  	p1 =	seq.s32 s10, $0x1;
	s10 =	sld [smem:$0x3FB7];
	_ =	sdelay $0x3  }
0x37: {  	[smem:$0x3FB7] =	sst s10  }
0x38: {  	s10 =	sld [smem:$0x3FB8]  }
0x39: {  	_ = 	snop;
	(pc) =	sbr.ind lr, $3  }
0x3a: {  	_ = 	snop  }
0x3b: {  	_ = 	snop  }
0x3c: {  	p2 =	seq.s32 s10, $0x1;
	s10 =	sld [smem:$0x3FB7]  }
0x3d: {  	_ =	shalt  }
0x3e: {  	_ =	shalt  }
0x3f: {  	_ =	shalt  }
0x40: {  	_ =	shalt  }
0x41: {  	_ =	shalt  }
0x42: {  	_ =	shalt  }
0x43: {  	_ =	shalt  }
0x44: {  	_ =	shalt  }
0x45: {  	_ =	shalt  }
0x46: {  	_ =	shalt  }
0x47: {  	_ =	shalt  }
0x48: {  	_ =	shalt  }
0x49: {  	_ =	shalt  }
0x4a: {  	_ =	shalt  }
0x4b: {  	_ =	shalt  }
0x4c: {  	_ =	shalt  }
0x4d: {  	_ =	shalt  }
0x4e: {  	_ =	shalt  }
0x4f: {  	_ =	shalt  }
0x50: {  	_ =	shalt  }
0x51: {  	_ =	shalt  }
0x52: {  	_ =	shalt  }
0x53: {  	_ =	shalt  }
0x54: {  	_ =	shalt  }
0x55: {  	_ =	shalt  }
0x56: {  	_ =	shalt  }
0x57: {  	_ =	shalt  }
0x58: {  	_ =	shalt  }
0x59: {  	_ =	shalt  }
0x5a: {  	_ =	shalt  }
0x5b: {  	_ =	shalt  }
0x5c: {  	_ =	shalt  }
0x5d: {  	_ =	shalt  }
0x5e: {  	_ =	shalt  }
0x5f: {  	_ =	shalt  }
0x60: {  	_ =	shalt  }
0x61: {  	_ =	shalt  }
0x62: {  	_ =	shalt  }
0x63: {  	_ =	shalt  }
0x64: {  	_ =	shalt  }
0x65: {  	_ =	shalt  }
0x66: {  	_ =	shalt  }
0x67: {  	_ =	shalt  }
0x68: {  	_ =	shalt  }
0x69: {  	_ =	shalt  }
0x6a: {  	_ =	shalt  }
0x6b: {  	_ =	shalt  }
0x6c: {  	_ =	shalt  }
0x6d: {  	_ =	shalt  }
0x6e: {  	_ =	shalt  }
0x6f: {  	_ =	shalt  }
0x70: {  	_ =	shalt  }
0x71: {  	_ =	shalt  }
0x72: {  	_ =	shalt  }
0x73: {  	_ =	shalt  }
0x74: {  	_ =	shalt  }
0x75: {  	_ =	shalt  }
0x76: {  	_ =	shalt  }
0x77: {  	_ =	shalt  }
0x78: {  	_ =	shalt  }
0x79: {  	_ =	shalt  }
0x7a: {  	_ =	shalt  }
0x7b: {  	_ =	shalt  }
0x7c: {  	_ =	shalt  }
0x7d: {  	_ =	shalt  }
0x7e: {  	_ =	shalt  }
0x7f: {  	_ =	shalt  }
0x80: {  	_ =	shalt  }
0x81: {  	_ =	shalt  }
0x82: {  	_ =	shalt  }
0x83: {  	_ =	shalt  }
0x84: {  	_ =	shalt  }
0x85: {  	_ =	shalt  }
0x86: {  	_ =	shalt  }
0x87: {  	_ =	shalt  }
.Lfunc_end0:
.L_simem_size_0:
called_computation.1_lowered:
.L_overlay_start_0:
0x88: {  	s2 =	sld [smem:$0x3FD9]  }
0x89: {  	s3 =	sld [smem:$0x3FFE];
	_ =	sdelay $0x1  }
0x8a: {  	s1 =	srdreg.scid  }
0x8b: {  	s0 =	sand.u32 $0x1, s1  }
0x8c: {  	s17 =	sshll.u32 s0, $0xA;
	s2 =	sadd.s32 s3, s2  }
0x8d: {  	s2 =	sadd.s32 s2, s17  }
0x8e: {  	[smem:$0x3FC3] =	sst s2  }
0x8f: {  	_ = 	snop  }
0x90: {  	s2 =	sld [smem:$0x3FD0];
	(tm) =	ssettm $0x1  }
0x91: {  	s18 =	sld [smem:$0x3FFB];
	_ =	sdelay $0x3  }
0x92: {  	_ =	strace s18  }
0x93: {  	s3 =	sld [smem:$0x3FFC];
	_ =	sdelay $0x3  }
0x94: {  	_ =	strace s3  }
0x95: {  	s3 =	sld [smem:$0x3FFD];
	_ =	sdelay $0x3  }
0x96: {  	_ =	strace s3  }
0x97: {  	_ =	strace $0x8FFFFFFF  }
0x98: {  	s19 =	sld [smem:$0x3FDB];
	_ =	sdelay $0x1  }
0x99: {  	s4 =	simm.s32 $_scs_section_size  }
0x9a: {  	s5 =	simm.s32 $_size__tile_overlayer_lowered;
	s6 =	simm.s32 $_tile_overlayer_lowered  }
0x9b: {  	s22 =	simm.s32 $0x1BFF;
	s21 =	sshll.u32 s6, $0x1;
	s3 =	sadd.s32 s4, s19  }
0x9c: {  	s7 =	simm.s32 $0x0;
	s20 =	sshll.u32 s5, $0x1;
	s5 =	sadd.s32 s21, s3  }
0x9d: {  	[timem:s7], [sflag:s22] =	dma.local [hbm:s5], s20  }
0x9e: {  	_ =	swait.ge [sflag:s22], s20  }
0x9f: {  	s4 =	ssub.s32 $0x0, s20;
	[sflag:s22] =	ssyncset.done $0x0  }
0xa0: {  	[sflag:s22] =	ssyncadd.s32 s4;
	_ =	sdelay $0x1  }
0xa1: {  	s23 =	simm.s32 $0x1B8B  }
0xa2: {  	_ =	swait.ge [sflag:s23], $0x1  }
0xa3: {  	[sflag:s23] =	ssyncset.done $0x0  }
0xa4: {  	s25 =	simm.s32 $0x1B8E;
	s24 =	sld [smem:$0x3FFE];
	[sflag:s23] =	ssyncadd.s32 $0xFFFFFFFF  }
0xa5: {  	s26 =	simm.s32 $execute0_lowered;
	[smem:$0x3FD2] =	sst s25  }
0xa6: {  	s5 =	sshll.u32 s26, $0x1;
	_ =	strace $0x80000046;
	[dreg:$0x1] =	wrdreg $0xFFFFFFFF  }
0xa7: {  	s28 =	simm.s32 $_size_execute0_lowered;
	s3 =	sadd.s32 s3, s5;
	[dreg:$0x0] =	wrdreg $0x0  }
0xa8: {  	s5 =	sshll.u32 s28, $0x1;
	[dreg:$0x2] =	wrdreg s3  }
0xa9: {  	[dreg:$0x3] =	wrdreg s5  }
0xaa: {  	[dreg:$0x4] =	wrdreg $0xC0  }
0xab: {  	_ =	task [dreg:s7], $0x5FFFF  }
0xac: {  	[dreg:$0x1] =	wrdreg $0xFFFFFFFF  }
0xad: {  	[dreg:$0x0] =	wrdreg $0x60  }
0xae: {  	[dreg:$0x2] =	wrdreg s24  }
0xaf: {  	[dreg:$0x3] =	wrdreg s2  }
0xb0: {  	[dreg:$0x4] =	wrdreg $0x9  }
0xb1: {  	_ =	task.clear_ibuf [dreg:s7], $0x5FFFF;
	_ =	strace $0x90000046  }
0xb2: {  	s29 =	simm.s32 $0x9;
	_ =	strace $0x80000048  }
0xb3: {  	_ =	swait.ge [sflag:s29], $0x1  }
0xb4: {  	[sflag:s29] =	ssyncadd.s32 $0xFFFFFFFF  }
0xb5: {  	_ =	strace $0x90000048  }
0xb6: {  	_ =	sfence  }
0xb7: {  	s30 =	sld [smem:$0x0];
	_ =	sdelay $0x2  }
0xb8: {  	s31 =	sshll.u32 s1, $0xD;
	s1 =	sshrl.u32 s1, $0x2  }
0xb9: {  	s3 =	sand.u32 $0x4000, s31;
	s1 =	sadd.s32 s1, s30  }
0xba: {  	s0 =	sor.u32 s3, s0;
	s1 =	sshll.u32 s1, $0x11  }
0xbb: {  	s0 =	sor.u32 s1, s0  }
0xbc: {  	s0 =	sadd.s32 $0x8F2B, s0  }
0xbd: {  	[sflag:s0] =	ssyncadd.remote.s32 $0x1  }
0xbe: {  	_ =	sfence.sel $0xFFFF  }
0xbf: {  	[dreg:$0x0] =	wrdreg $0xFFFFFFFF;
	(pc) =	sbr.abs _section_cstart, $3  }
0xc0: {  	[dreg:$0x1] =	wrdreg $0xFFFFFFFF  }
0xc1: {  	_ =	task.clear_ibuf [dreg:s7], $0x2FFFF;
	_ =	strace $0x9FFFFFFF  }
0xc2: {  	(tm) =	ssettm $0x7FFFFFFF  }
0xc3: {  	_ =	shalt  }
tec
execute0_lowered:
.L_overlay_start_1:
0x0: {  	(tag) =	ssettag $0x1  }
0x1: {  	s0 =	rddreg [dreg:$0x0]  }
0x2: {  	s1 =	rddreg [dreg:$0x1];
	s7 =	simm.s32 $0x0;
	s28 =	srdreg.scid  }
0x3: {  	s8 =	stileid.u32;
	[smem:$0x7FF] =	sst s7  }
0x4: {  	s2 =	sadd.s32 $0x800, s0;
	s4 =	sshll.u32 s8, $0x1;
	s9 =	smul.u32 $0xC800, s8  }
0x5: {  	_ =	strace $0x80000047;
	[dreg:$0x4] =	wrdreg s2;
	s2 =	sand.u32 $0x1, s28  }
0x6: {  	s3 =	ssub.s32 $0x2, s2;
	s4 =	sor.u32 s2, s4;
	s2 =	smul.u32 $0x6400, s2  }
0x7: {  	s30 =	smul.u32 $0x6400, s4  }
.Ltmp0:
0x8: {  	s13 =	simm.s32 $0x1900;
	s5 =	sadd.s32 $0x19800, s0;
	(pc) =	sbr.rel .LBB2_1-.Ltmp0, $4  }
0x9: {  	s6 =	sadd.s32 $0x201E00, s0;
	s12 =	sadd.s32 $0x3EA400, s0;
	s10 =	sshrl.u32 s3, $0x1  }
0xa: {  	s29 =	ssub.s32 s3, s10;
	s31 =	sadd.s32 s2, s9;
	[dreg:$0x5] =	wrdreg s30  }
0xb: {  	s8 =	sadd.s32 $0x5D2A00, s0;
	s0 =	smax.u32 s29, $0x1;
	[dreg:$0x7] =	wrdreg s31  }
0xc: {  	s14 =	simm.s32 $0x7F00;
	s15 =	simm.s32 $0x1;
	v0 =	vimm.s32 $0x0;
	v1 =	vlaneseq.u32;
	v2 =	vimm.s32 $0x1;
	[dreg:$0x6] =	wrdreg s0  }
.LBB2_35:
0xd: {  	s7 =	rddreg [dreg:$0x3]  }
0xe: {  	s0 =	rddreg [dreg:$0x6];
	s7 =	sadd.s32 $0x1, s7  }
0xf: {  	p0 =	sne.s32 s7, s0  }
.Ltmp1:
0x10: {  	_ = 	snop;
	(pc) =	sbr.rel @!p0 .LBB2_36-.Ltmp1, $1  }
0x11: {  	_ =	sdelay $0x3  }
.LBB2_1:
.Ltmp2:
0x12: {  	(pc) =	sbr.rel .LBB2_2-.Ltmp2, $3  }
0x13: {  	_ =	sdelay $0x1  }
0x14: {  	[dreg:$0x3] =	wrdreg s7  }
0x15: {  	s25 =	rddreg [dreg:$0x7];
	s26 =	simm.s32 $0x0  }
.LBB2_33:
0x16: {  	s0 =	simm.s32 $0x5  }
0x17: {  	_ =	swait.ge [sflag:s0], $0x2000  }
0x18: {  	[sflag:s0] =	ssyncset.done $0x0  }
0x19: {  	[sflag:s0] =	ssyncadd.s32 $0xFFFFE000;
	s0 =	simm.s32 @!p0 $0x6  }
0x1a: {  	p1 =	slt.u32 @!p0 s28, $0x3;
	_ =	swait.ge @!p0 [sflag:s0], $0x2000  }
0x1b: {  	p2 =	por p1, p0;
	[sflag:s0] =	ssyncset.done @!p0 $0x0  }
0x1c: {  	p3 =	seq.s32 @!p2 s28, $0x3;
	[sflag:s0] =	ssyncadd.s32 @!p0 $0xFFFFE000;
	s0 =	simm.s32 @!p2 $0x7  }
0x1d: {  	p1 =	por @!p0 p3, p1;
	_ =	swait.ge @!p2 [sflag:s0], $0x2000  }
0x1e: {  	p0 =	por p1, p0;
	[sflag:s0] =	ssyncset.done @!p2 $0x0  }
0x1f: {  	[sflag:s0] =	ssyncadd.s32 @!p2 $0xFFFFE000;
	s0 =	simm.s32 @!p0 $0x8  }
0x20: {  	_ =	swait.ge @!p0 [sflag:s0], $0x2000  }
0x21: {  	[sflag:s0] =	ssyncset.done @!p0 $0x0  }
0x22: {  	[sflag:s0] =	ssyncadd.s32 @!p0 $0xFFFFE000  }
.LBB2_34:
0x23: {  	s26 =	sadd.s32 $0x1, s26  }
0x24: {  	p0 =	sne.s32 s26, $0x4  }
.Ltmp3:
0x25: {  	_ = 	snop;
	(pc) =	sbr.rel @!p0 .LBB2_35-.Ltmp3, $2  }
0x26: {  	_ =	sdelay $0x2  }
0x27: {  	s25 =	sadd.s32 $0x1900, s25  }
.LBB2_2:
0x28: {  	s0 =	smul.u32 $0x1900, s26  }
0x29: {  	s2 =	rddreg [dreg:$0x5]  }
0x2a: {  	s0 =	sadd.s32 s2, s0  }
0x2b: {  	s21 =	rddreg [dreg:$0x4];
	s0 =	sshrl.u32 s0, $0x3  }
0x2c: {  	s22 =	simm.s32 $0x0;
	s23 =	simm.s32 $0x9;
	s0 =	sadd.s32 s21, s0  }
0x2d: {  	[tilespmem:s22], [sflag:$0x9] =	stream.linear.gather [hbm4b:s0+s22], $0x1900, $0x38;
	[tilespmem:$0x16500] =	vst v63  }
0x2e: {  	_ =	swait.ge [sflag:s23], $0x1900  }
0x2f: {  	[sflag:s23] =	ssyncset.done $0x0  }
0x30: {  	s24 =	simm.s32 $0x0;
	[sflag:s23] =	ssyncadd.s32 $0xFFFFE700  }
0x31: {  	v3 =	vld [tilespmem:s24+$0x0];
	_ =	sdelay $0x4  }
0x32: {  	vm0 =	vgt.s32 v3, $0x3D08F;
	vm1 =	vgt.s32 v3, $0x7A11F  }
0x33: {  	vm6 =	vgt.s32 v3, $0xB71AF;
	v4 =	vsel vm0, $0x1, v0;
	v5 =	vsel vm1, $0x1, v0  }
0x34: {  	v4 =	vadd.s32 v5, v4;
	v5 =	vsel vm6, $0x1, v0  }
0x35: {  	v4 =	vadd.s32 v5, v4  }
0x36: {  	v5 =	vshll.u32 v4, $0x3  }
0x37: {  	v6 =	vshll.u32 v2, v5  }
0x38: {  	(xrf0) =	vadd.scan.msk.s32 $0xffff, v6;
	_ =	sdelay $0x3  }
0x39: {  	vm7 =	veq.s32 v4, $0x2;
	v6 =	vmov s22  }
0x3a: {  	vm8 =	veq.s32 v4, $0x1;
	v6 =	vsel vm7, s22, v6  }
0x3b: {  	vm9 =	veq.s32 v4, $0x0;
	v7 =	vmul.u32 $0x1980, v4;
	v6 =	vsel vm8, s22, v6;
	v8, _, _ =	vpop (xrf0)  }
0x3c: {  	v6 =	vsel vm9, s22, v6;
	v5 =	vshrl.u32 v8, v5  }
0x3d: {  	v6 =	vadd.s32 v6, v7;
	v5 =	vand.u32 $0xFF, v5  }
0x3e: {  	v5 =	vadd.s32 v5, v6  }
0x3f: {  	v5 =	vadd.s32 $0xFFFFFFFF, v5;
	_ =	sdelay $0x1  }
0x40: {  	v4 =	vmul.u32 $0xFFFC2F70, v4;
	_ =	sdelay $0x1  }
0x41: {  	v3 =	vadd.s32 v3, v4;
	(v2sf) =	vpush v8, $0xF  }
0x42: {  	v4 =	vor.u32 s25, v1;
	[tilespmem:v5+s13+$0x0] =	vst.idx.msk $0xffff, v3  }
0x43: {  	s28 =	simm.s32 $0x10;
	[tilespmem:v5+s14+$0x0] =	vst.idx.msk $0xffff, v4  }
0x44: {  	v3 =	vld [tilespmem:s28+$0x0];
	_ =	sdelay $0x4  }
0x45: {  	vm10 =	vgt.s32 v3, $0x3D08F;
	vm11 =	vgt.s32 v3, $0x7A11F  }
0x46: {  	vm12 =	vgt.s32 v3, $0xB71AF;
	v4 =	vsel vm10, $0x1, v0;
	v5 =	vsel vm11, $0x1, v0  }
0x47: {  	v4 =	vadd.s32 v5, v4;
	v5 =	vsel vm12, $0x1, v0  }
0x48: {  	v4 =	vadd.s32 v5, v4  }
0x49: {  	v6 =	vshll.u32 v4, $0x3  }
0x4a: {  	v5 =	vshll.u32 v2, v6  }
0x4b: {  	(xrf0) =	vadd.scan.msk.s32 $0xffff, v5  }
0x4c: {  	s29 =	spop (v2sf)  }
0x4d: {  	s30 =	sshrl.u32 s29, $0x10;
	s3 =	sshrl.u32 s29, $0x18  }
0x4e: {  	s4 =	sshrl.u32 s29, $0x8;
	s9 =	sand.u32 $0xFF, s30;
	s0 =	sadd.s32 $0x0, s3  }
0x4f: {  	s31 =	sand.u32 $0xFF, s4;
	s10 =	sadd.s32 $0x0, s9;
	vm13 =	veq.s32 v4, $0x2;
	v5 =	vmov s0  }
0x50: {  	s2 =	sand.u32 $0xFF, s29;
	s4 =	sadd.s32 $0x0, s31;
	vm14 =	veq.s32 v4, $0x1;
	v5 =	vsel vm13, s10, v5  }
0x51: {  	s11 =	sadd.s32 $0x0, s2;
	vm15 =	veq.s32 v4, $0x0;
	v7 =	vsel vm14, s4, v5;
	v5 =	vmul.u32 $0x1980, v4;
	v8, _, _ =	vpop (xrf0)  }
0x52: {  	s18 =	simm.s32 $0xC0;
	s2 =	simm.s32 $0x80;
	s3 =	smov.u32 s25;
	v7 =	vsel vm15, s11, v7;
	v6 =	vshrl.u32 v8, v6;
	(v2sf) =	vpush v8, $0xF  }
.LBB2_3:
0x53: {  	p0 =	sne.s32 s18, $0x63C0;
	v6 =	vand.u32 $0xFF, v6;
	v5 =	vadd.s32 v7, v5  }
0x54: {  	v5 =	vadd.s32 v6, v5  }
0x55: {  	v5 =	vadd.s32 $0xFFFFFFFF, v5;
	_ =	sdelay $0x1  }
0x56: {  	v4 =	vmul.u32 $0xFFFC2F70, v4;
	_ =	sdelay $0x1  }
0x57: {  	s3 =	sadd.s32 $0x10, s3;
	v3 =	vadd.s32 v3, v4  }
0x58: {  	v4 =	vor.u32 s3, v1;
	[tilespmem:v5+s13+$0x0] =	vst.idx.msk $0xffff, v3  }
0x59: {  	s9 =	sshra.s32 s2, $0x2;
	s2 =	smov.u32 s18;
	[tilespmem:v5+s14+$0x0] =	vst.idx.msk $0xffff, v4  }
0x5a: {  	v3 =	vld [tilespmem:s9+$0x0];
	_ =	sdelay $0x4  }
0x5b: {  	vm0 =	vgt.s32 v3, $0x3D08F;
	vm1 =	vgt.s32 v3, $0x7A11F;
	s9 =	spop (v2sf)  }
0x5c: {  	v4 =	vsel vm0, $0x1, v0;
	v5 =	vsel vm1, $0x1, v0;
	vm0 =	vgt.s32 v3, $0xB71AF;
	s19 =	sshrl.u32 s9, $0x8;
	s20 =	sshrl.u32 s9, $0x10;
	s21 =	sshrl.u32 s9, $0x18  }
0x5d: {  	v4 =	vadd.s32 v5, v4;
	v5 =	vsel vm0, $0x1, v0;
	s19 =	sand.u32 $0xFF, s19;
	s20 =	sand.u32 $0xFF, s20;
	s0 =	sadd.s32 s0, s21  }
0x5e: {  	s9 =	sand.u32 $0xFF, s9;
	v4 =	vadd.s32 v5, v4;
	s4 =	sadd.s32 s4, s19;
	s10 =	sadd.s32 s10, s20  }
0x5f: {  	s11 =	sadd.s32 s11, s9;
	v6 =	vshll.u32 v4, $0x3  }
0x60: {  	v5 =	vshll.u32 v2, v6  }
0x61: {  	(xrf0) =	vadd.scan.msk.s32 $0xffff, v5;
	_ =	sdelay $0x2  }
.Ltmp4:
0x62: {  	(pc) =	sbr.rel @p0 .LBB2_3-.Ltmp4, $4  }
0x63: {  	vm0 =	veq.s32 v4, $0x2;
	v5 =	vmov s0  }
0x64: {  	vm1 =	veq.s32 v4, $0x1;
	v5 =	vsel vm0, s10, v5  }
0x65: {  	vm0 =	veq.s32 v4, $0x0;
	v7 =	vsel vm1, s4, v5;
	v5 =	vmul.u32 $0x1980, v4;
	v8, _, _ =	vpop (xrf0)  }
0x66: {  	s18 =	sadd.s32 $0x40, s18;
	v7 =	vsel vm0, s11, v7;
	v6 =	vshrl.u32 v8, v6;
	(v2sf) =	vpush v8, $0xF  }
0x67: {  	v6 =	vand.u32 $0xFF, v6;
	v5 =	vadd.s32 v7, v5  }
0x68: {  	v5 =	vadd.s32 v6, v5  }
0x69: {  	v5 =	vadd.s32 $0xFFFFFFFF, v5;
	_ =	sdelay $0x1  }
0x6a: {  	v4 =	vmul.u32 $0xFFFC2F70, v4;
	_ =	sdelay $0x1  }
0x6b: {  	s9 =	sadd.s32 $0x10, s3;
	v3 =	vadd.s32 v3, v4  }
0x6c: {  	v20 =	vor.u32 s9, v1;
	[tilespmem:v5+s13+$0x0] =	vst.idx.msk $0xffff, v3  }
0x6d: {  	s2 =	sshra.s32 s2, $0x2;
	[tilespmem:v5+s14+$0x0] =	vst.idx.msk $0xffff, v20  }
0x6e: {  	v3 =	vld [tilespmem:s2+$0x0];
	_ =	sdelay $0x4  }
0x6f: {  	vm0 =	vgt.s32 v3, $0x3D08F;
	vm1 =	vgt.s32 v3, $0x7A11F  }
0x70: {  	vm12 =	vgt.s32 v3, $0xB71AF;
	v21 =	vsel vm0, $0x1, v0;
	v22 =	vsel vm1, $0x1, v0  }
0x71: {  	v23 =	vsel vm12, $0x1, v0;
	v4 =	vadd.s32 v22, v21  }
0x72: {  	v4 =	vadd.s32 v23, v4  }
0x73: {  	v5 =	vshll.u32 v4, $0x3  }
0x74: {  	v24 =	vshll.u32 v2, v5  }
0x75: {  	(xrf0) =	vadd.scan.msk.s32 $0xffff, v24;
	_ =	sdelay $0x5  }
0x76: {  	v6, _, _ =	vpop (xrf0)  }
0x77: {  	(v2sf) =	vpush v6, $0xF;
	_ =	sdelay $0xb  }
0x78: {  	s29 =	spop (v2sf)  }
0x79: {  	s31 =	sshrl.u32 s29, $0x8;
	s18 =	sshrl.u32 s29, $0x10;
	s19 =	sshrl.u32 s29, $0x18  }
0x7a: {  	s7 =	sand.u32 $0xFF, s29;
	s18 =	sand.u32 $0xFF, s18;
	s2 =	sadd.s32 s0, s19  }
0x7b: {  	s20 =	sand.u32 $0xFF, s31;
	s3 =	sadd.s32 s10, s18;
	v25 =	vmov s2;
	vm13 =	veq.s32 v4, $0x2;
	s10 =	spop (v2sf)  }
0x7c: {  	s11 =	sadd.s32 s11, s7;
	s4 =	sadd.s32 s4, s20;
	vm14 =	veq.s32 v4, $0x1;
	v7 =	vsel vm13, s3, v25;
	s16 =	sand.u32 $0xFF, s10  }
0x7d: {  	vm15 =	veq.s32 v4, $0x0;
	v8 =	vmul.u32 $0x1980, v4;
	v7 =	vsel vm14, s4, v7;
	s0 =	sadd.s32 s11, s16  }
0x7e: {  	v26 =	vsel vm15, s11, v7;
	v5 =	vshrl.u32 v6, v5;
	s11 =	sadd.s32 $0xFFFFFFFF, s0  }
0x7f: {  	v6 =	vadd.s32 v26, v8;
	v5 =	vand.u32 $0xFF, v5;
	p0 =	sgt.s32 s11, $0x0  }
0x80: {  	v5 =	vadd.s32 v5, v6;
	s11 =	simm.s32 @!p0 $0x0  }
0x81: {  	v5 =	vadd.s32 $0xFFFFFFFF, v5;
	v27 =	vmov s11  }
0x82: {  	v6 =	vbroadcast v27, $0x0  }
0x83: {  	v4 =	vmul.u32 $0xFFFC2F70, v4;
	_ =	sdelay $0x1  }
0x84: {  	s9 =	sadd.s32 $0x10, s9;
	v3 =	vadd.s32 v3, v4  }
0x85: {  	v28 =	vor.u32 s9, v1;
	[tilespmem:v5+s13+$0x0] =	vst.idx.msk $0xffff, v3  }
0x86: {  	[tilespmem:v5+s14+$0x0] =	vst.idx.msk $0xffff, v28  }
0x87: {  	v29 =	vadd.s32 s0, v1;
	v3 =	vld.idx.msk [tilespmem:v6+s13+$0x0], $0xffff  }
0x88: {  	s17 =	sadd.s32 $0x10, s0;
	v5 =	vld.idx.msk [tilespmem:v6+s14+$0x0], $0xffff  }
0x89: {  	v30 =	vadd.s32 s17, v1  }
0x8a: {  	s18 =	sadd.s32 $0x20, s0  }
0x8b: {  	v31 =	vadd.s32 s18, v1  }
0x8c: {  	s19 =	sadd.s32 $0x30, s0;
	[tilespmem:v29+s13+$0x0] =	vst.idx.msk $0xffff, v3  }
0x8d: {  	v32 =	vadd.s32 s19, v1;
	[tilespmem:v29+s14+$0x0] =	vst.idx.msk $0xffff, v5  }
0x8e: {  	s20 =	sadd.s32 $0x40, s0;
	[tilespmem:v30+s13+$0x0] =	vst.idx.msk $0xffff, v3  }
0x8f: {  	v33 =	vadd.s32 s20, v1;
	[tilespmem:v30+s14+$0x0] =	vst.idx.msk $0xffff, v5  }
0x90: {  	s21 =	sshrl.u32 s10, $0x8;
	s22 =	sadd.s32 $0x50, s0;
	[tilespmem:v31+s13+$0x0] =	vst.idx.msk $0xffff, v3  }
0x91: {  	s9 =	sand.u32 $0xFF, s21;
	v34 =	vadd.s32 s22, v1;
	[tilespmem:v31+s14+$0x0] =	vst.idx.msk $0xffff, v5  }
0x92: {  	s4 =	sadd.s32 s4, s9;
	s23 =	sadd.s32 $0x60, s0;
	[tilespmem:v32+s13+$0x0] =	vst.idx.msk $0xffff, v3  }
0x93: {  	v35 =	vadd.s32 s23, v1;
	s9 =	sadd.s32 $0xFFFFFFFF, s4;
	[tilespmem:v32+s14+$0x0] =	vst.idx.msk $0xffff, v5  }
0x94: {  	s24 =	sadd.s32 $0x70, s0;
	p0 =	sgt.s32 s9, $0x0;
	[tilespmem:v33+s13+$0x0] =	vst.idx.msk $0xffff, v3  }
0x95: {  	v36 =	vadd.s32 s24, v1;
	s9 =	simm.s32 @!p0 $0x0;
	[tilespmem:v33+s14+$0x0] =	vst.idx.msk $0xffff, v5  }
0x96: {  	s9 =	sadd.s32 $0x1980, s9;
	[tilespmem:v34+s13+$0x0] =	vst.idx.msk $0xffff, v3  }
0x97: {  	v37 =	vmov s9;
	[tilespmem:v34+s14+$0x0] =	vst.idx.msk $0xffff, v5  }
0x98: {  	[tilespmem:v35+s13+$0x0] =	vst.idx.msk $0xffff, v3  }
0x99: {  	[tilespmem:v35+s14+$0x0] =	vst.idx.msk $0xffff, v5  }
0x9a: {  	[tilespmem:v36+s13+$0x0] =	vst.idx.msk $0xffff, v3  }
0x9b: {  	s29 =	sadd.s32 $0x1980, s4;
	[tilespmem:v36+s14+$0x0] =	vst.idx.msk $0xffff, v5  }
0x9c: {  	v38 =	vadd.s32 s29, v1;
	v3 =	vld.idx.msk [tilespmem:v37+s13+$0x0], $0xffff  }
0x9d: {  	s31 =	sadd.s32 $0x1990, s4;
	v5 =	vld.idx.msk [tilespmem:v37+s14+$0x0], $0xffff  }
0x9e: {  	v39 =	vadd.s32 s31, v1  }
0x9f: {  	s7 =	sadd.s32 $0x19A0, s4  }
0xa0: {  	v40 =	vadd.s32 s7, v1  }
0xa1: {  	s11 =	sadd.s32 $0x19B0, s4;
	[tilespmem:v38+s13+$0x0] =	vst.idx.msk $0xffff, v3  }
0xa2: {  	v41 =	vadd.s32 s11, v1;
	[tilespmem:v38+s14+$0x0] =	vst.idx.msk $0xffff, v5  }
0xa3: {  	s16 =	sadd.s32 $0x19C0, s4;
	[tilespmem:v39+s13+$0x0] =	vst.idx.msk $0xffff, v3  }
0xa4: {  	v42 =	vadd.s32 s16, v1;
	[tilespmem:v39+s14+$0x0] =	vst.idx.msk $0xffff, v5  }
0xa5: {  	s17 =	sshrl.u32 s10, $0x10;
	s18 =	sadd.s32 $0x19D0, s4;
	[tilespmem:v40+s13+$0x0] =	vst.idx.msk $0xffff, v3  }
0xa6: {  	v43 =	vadd.s32 s18, v1;
	s9 =	sand.u32 $0xFF, s17;
	[tilespmem:v40+s14+$0x0] =	vst.idx.msk $0xffff, v5  }
0xa7: {  	s19 =	sadd.s32 $0x19E0, s4;
	s11 =	sadd.s32 s3, s9;
	[tilespmem:v41+s13+$0x0] =	vst.idx.msk $0xffff, v3  }
0xa8: {  	v44 =	vadd.s32 s19, v1;
	s3 =	sadd.s32 $0xFFFFFFFF, s11;
	[tilespmem:v41+s14+$0x0] =	vst.idx.msk $0xffff, v5  }
0xa9: {  	s20 =	sadd.s32 $0x19F0, s4;
	p0 =	sgt.s32 s3, $0x0;
	[tilespmem:v42+s13+$0x0] =	vst.idx.msk $0xffff, v3  }
0xaa: {  	v45 =	vadd.s32 s20, v1;
	s3 =	simm.s32 @!p0 $0x0;
	[tilespmem:v42+s14+$0x0] =	vst.idx.msk $0xffff, v5  }
0xab: {  	s3 =	sadd.s32 $0x3300, s3;
	[tilespmem:v43+s13+$0x0] =	vst.idx.msk $0xffff, v3  }
0xac: {  	v46 =	vmov s3;
	[tilespmem:v43+s14+$0x0] =	vst.idx.msk $0xffff, v5  }
0xad: {  	[tilespmem:v44+s13+$0x0] =	vst.idx.msk $0xffff, v3  }
0xae: {  	[tilespmem:v44+s14+$0x0] =	vst.idx.msk $0xffff, v5  }
0xaf: {  	[tilespmem:v45+s13+$0x0] =	vst.idx.msk $0xffff, v3  }
0xb0: {  	s21 =	sadd.s32 $0x3300, s11;
	[tilespmem:v45+s14+$0x0] =	vst.idx.msk $0xffff, v5  }
0xb1: {  	v47 =	vadd.s32 s21, v1;
	v3 =	vld.idx.msk [tilespmem:v46+s13+$0x0], $0xffff  }
0xb2: {  	s22 =	sadd.s32 $0x3310, s11;
	v5 =	vld.idx.msk [tilespmem:v46+s14+$0x0], $0xffff  }
0xb3: {  	v48 =	vadd.s32 s22, v1  }
0xb4: {  	s23 =	sadd.s32 $0x3320, s11  }
0xb5: {  	v49 =	vadd.s32 s23, v1  }
0xb6: {  	s24 =	sadd.s32 $0x3330, s11;
	[tilespmem:v47+s13+$0x0] =	vst.idx.msk $0xffff, v3  }
0xb7: {  	v50 =	vadd.s32 s24, v1;
	[tilespmem:v47+s14+$0x0] =	vst.idx.msk $0xffff, v5  }
0xb8: {  	s29 =	sadd.s32 $0x3340, s11;
	[tilespmem:v48+s13+$0x0] =	vst.idx.msk $0xffff, v3  }
0xb9: {  	v51 =	vadd.s32 s29, v1;
	[tilespmem:v48+s14+$0x0] =	vst.idx.msk $0xffff, v5  }
0xba: {  	s31 =	sadd.s32 $0x3350, s11;
	[tilespmem:v49+s13+$0x0] =	vst.idx.msk $0xffff, v3  }
0xbb: {  	s7 =	sshrl.u32 s10, $0x18;
	v52 =	vadd.s32 s31, v1;
	[tilespmem:v49+s14+$0x0] =	vst.idx.msk $0xffff, v5  }
0xbc: {  	s2 =	sadd.s32 s2, s7;
	s9 =	sadd.s32 $0x3360, s11;
	[tilespmem:v50+s13+$0x0] =	vst.idx.msk $0xffff, v3  }
0xbd: {  	v53 =	vadd.s32 s9, v1;
	s3 =	sadd.s32 $0xFFFFFFFF, s2;
	[tilespmem:v50+s14+$0x0] =	vst.idx.msk $0xffff, v5  }
0xbe: {  	s10 =	sadd.s32 $0x3370, s11;
	p0 =	sgt.s32 s3, $0x0;
	[tilespmem:v51+s13+$0x0] =	vst.idx.msk $0xffff, v3  }
0xbf: {  	v54 =	vadd.s32 s10, v1;
	s3 =	simm.s32 @!p0 $0x0;
	[tilespmem:v51+s14+$0x0] =	vst.idx.msk $0xffff, v5  }
0xc0: {  	s3 =	sadd.s32 $0x4C80, s3;
	[tilespmem:v52+s13+$0x0] =	vst.idx.msk $0xffff, v3  }
0xc1: {  	v55 =	vmov s3;
	[tilespmem:v52+s14+$0x0] =	vst.idx.msk $0xffff, v5  }
0xc2: {  	[tilespmem:v53+s13+$0x0] =	vst.idx.msk $0xffff, v3  }
0xc3: {  	[tilespmem:v53+s14+$0x0] =	vst.idx.msk $0xffff, v5  }
0xc4: {  	[tilespmem:v54+s13+$0x0] =	vst.idx.msk $0xffff, v3  }
0xc5: {  	s16 =	sadd.s32 $0x4C80, s2;
	[tilespmem:v54+s14+$0x0] =	vst.idx.msk $0xffff, v5  }
0xc6: {  	v56 =	vadd.s32 s16, v1;
	v3 =	vld.idx.msk [tilespmem:v55+s13+$0x0], $0xffff  }
0xc7: {  	s17 =	sadd.s32 $0x4C90, s2;
	v5 =	vld.idx.msk [tilespmem:v55+s14+$0x0], $0xffff  }
0xc8: {  	v57 =	vadd.s32 s17, v1  }
0xc9: {  	s18 =	sadd.s32 $0x4CA0, s2  }
0xca: {  	v58 =	vadd.s32 s18, v1  }
0xcb: {  	s19 =	sadd.s32 $0x4CB0, s2;
	[tilespmem:v56+s13+$0x0] =	vst.idx.msk $0xffff, v3  }
0xcc: {  	v59 =	vadd.s32 s19, v1;
	[tilespmem:v56+s14+$0x0] =	vst.idx.msk $0xffff, v5  }
0xcd: {  	s0 =	sadd.s32 $0x7F, s0;
	s20 =	sadd.s32 $0x4CC0, s2;
	s21 =	sadd.s32 $0x4CD0, s2;
	[tilespmem:v57+s13+$0x0] =	vst.idx.msk $0xffff, v3  }
0xce: {  	v60 =	vadd.s32 s20, v1;
	s22 =	sadd.s32 $0x4CE0, s2;
	s9 =	sshrl.u32 s0, $0x7;
	s23 =	sadd.s32 $0x7F, s4;
	[tilespmem:v57+s14+$0x0] =	vst.idx.msk $0xffff, v5  }
0xcf: {  	s24 =	sadd.s32 $0x7F, s11;
	s29 =	sadd.s32 $0x4CF0, s2;
	s0 =	sshrl.u32 s23, $0x7;
	[tilespmem:v58+s13+$0x0] =	vst.idx.msk $0xffff, v3  }
0xd0: {  	v61 =	vadd.s32 s21, v1;
	s4 =	sadd.s32 s9, s0;
	s2 =	sadd.s32 $0x7F, s2;
	s3 =	sshrl.u32 s24, $0x7;
	[tilespmem:v58+s14+$0x0] =	vst.idx.msk $0xffff, v5  }
0xd1: {  	s31 =	sshrl.u32 s2, $0x7;
	s10 =	sadd.s32 s3, s4;
	[tilespmem:v59+s13+$0x0] =	vst.idx.msk $0xffff, v3  }
0xd2: {  	v62 =	vadd.s32 s22, v1;
	s28 =	sadd.s32 s31, s10;
	[tilespmem:v59+s14+$0x0] =	vst.idx.msk $0xffff, v5  }
0xd3: {  	s30 =	sadd.s32 $0x3, s28;
	[tilespmem:v60+s13+$0x0] =	vst.idx.msk $0xffff, v3  }
0xd4: {  	v63 =	vadd.s32 s29, v1;
	s0 =	sshrl.u32 s30, $0x2;
	[tilespmem:v60+s14+$0x0] =	vst.idx.msk $0xffff, v5  }
0xd5: {  	p0 =	seq.s32 s0, $0x0;
	[tilespmem:v61+s13+$0x0] =	vst.idx.msk $0xffff, v3  }
.Ltmp5:
0xd6: {  	[tilespmem:v61+s14+$0x0] =	vst.idx.msk $0xffff, v5;
	(pc) =	sbr.rel @p0 .LBB2_5-.Ltmp5, $4  }
0xd7: {  	[tilespmem:v62+s13+$0x0] =	vst.idx.msk $0xffff, v3  }
0xd8: {  	[tilespmem:v62+s14+$0x0] =	vst.idx.msk $0xffff, v5  }
0xd9: {  	[tilespmem:v63+s13+$0x0] =	vst.idx.msk $0xffff, v3  }
0xda: {  	[tilespmem:v63+s14+$0x0] =	vst.idx.msk $0xffff, v5  }
.Ltmp6:
0xdb: {  	(pc) =	sbr.rel .LBB2_7-.Ltmp6, $4  }
0xdc: {  	_ = 	snop  }
0xdd: {  	s11 =	sshll.u32 s0, $0x2;
	s31 =	simm.s32 $0x0  }
0xde: {  	s22 =	simm.s32 $0x0;
	s2 =	simm.s32 $0x0;
	s29 =	simm.s32 $0x0  }
0xdf: {  	s21 =	simm.s32 $0x0;
	s19 =	simm.s32 $0x0;
	s20 =	simm.s32 $0x0  }
.LBB2_9:
0xe0: {  	p1 =	sge.u32 s22, s9;
	p2 =	sge.u32 s22, s4;
	s0 =	simm.s32 $0x1  }
0xe1: {  	s3 =	simm.s32 $0x1;
	p3 =	sge.u32 s22, s10;
	s18 =	smov.u32 s9  }
0xe2: {  	p0 =	seq.s32 s22, $0x0;
	s0 =	simm.s32 @!p1 $0x0;
	s3 =	simm.s32 @!p2 $0x0  }
0xe3: {  	s7 =	smov.u32 s12;
	s0 =	sadd.s32 s3, s0;
	s3 =	simm.s32 $0x1  }
0xe4: {  	s15 =	simm.s32 $0xE500;
	s23 =	simm.s32 @!p0 $0x5;
	s3 =	simm.s32 @!p3 $0x0  }
0xe5: {  	s18 =	simm.s32 @!p1 $0x0;
	_ =	swait.ge @!p0 [sflag:s23], $0x2000;
	s24 =	sadd.s32 s3, s0  }
0xe6: {  	s18 =	smov.u32 @p2 s4;
	[sflag:s23] =	ssyncset.done @!p0 $0x0;
	s3 =	smul.u32 $0x33, s24  }
0xe7: {  	s18 =	smov.u32 @p3 s10;
	[sflag:s23] =	ssyncadd.s32 @!p0 $0xFFFFE000;
	s0 =	smov.u32 s5  }
0xe8: {  	s23 =	ssub.s32 s22, s18;
	p1 =	sgt.s32 s24, $0x1;
	s3 =	ssub.s32 s3, s18  }
0xe9: {  	p2 =	seq.s32 @p1 s24, $0x2;
	p3 =	seq.s32 @!p1 s24, $0x0;
	s3 =	sadd.s32 s3, s22  }
0xea: {  	p2 =	por !p2, !p1;
	p3 =	por !p3, p1;
	s3 =	sshll.u32 s3, $0x9  }
0xeb: {  	s7 =	smov.u32 @p2 s8;
	s0 =	smov.u32 @p3 s6;
	s3 =	sshra.s32 s3, $0x2  }
0xec: {  	s18 =	simm.s32 $0x80;
	s0 =	smov.u32 @p1 s7;
	s3 =	sadd.s32 $0x1900, s3  }
0xed: {  	[tilespmem:s15], [sflag:$0x1] =	stream.indirect.gather [hbm4b:s0+s18], $0x40, s3, s18, $0xb8;
	[tilespmem:$0x16500] =	vst v63  }
0xee: {  	s0 =	smul.u32 @!p0 $0x33, s2;
	_ =	sdelay $0x1  }
0xef: {  	s2 =	simm.s32 @!p0 $0x2;
	s0 =	sadd.s32 @!p0 s31, s0  }
0xf0: {  	_ =	swait.ge @!p0 [sflag:s2], $0x2000;
	s0 =	sshll.u32 @!p0 s0, $0x9  }
0xf1: {  	s3 =	simm.s32 @!p0 $0x10500;
	[sflag:s2] =	ssyncset.done @!p0 $0x0;
	s0 =	sshra.s32 @!p0 s0, $0x2  }
0xf2: {  	[sflag:s2] =	ssyncadd.s32 @!p0 $0xFFFFE000;
	s2 =	simm.s32 @!p0 $0x80;
	s0 =	sadd.s32 @!p0 $0x7F00, s0  }
0xf3: {  	[hbm4b:s1+s2] =	stream.indirect.scatter @!p0 [tilespmem:s3], [sflag:$0x6], $0x40, s0, s2, $0xb8;
	[tilespmem:$0x16500] =	vst v63  }
.LBB2_10:
0xf4: {  	s31 =	sadd.s32 $0x1, s22;
	s0 =	simm.s32 $0x1  }
0xf5: {  	s2 =	simm.s32 $0x1;
	s7 =	simm.s32 $0x1;
	s3 =	smov.u32 s9  }
0xf6: {  	s18 =	smov.u32 s6;
	p4 =	sge.u32 s31, s9;
	p3 =	sge.u32 s31, s4  }
0xf7: {  	p2 =	sge.u32 s31, s10;
	p0 =	sge.u32 s31, s28;
	s0 =	simm.s32 @!p4 $0x0  }
0xf8: {  	s2 =	simm.s32 @!p3 $0x0;
	p1 =	seq.s32 @!p0 s22, $0x0;
	s7 =	simm.s32 @!p2 $0x0  }
0xf9: {  	s3 =	simm.s32 @!p4 $0x0;
	s0 =	sadd.s32 s2, s0;
	p1 =	por p1, p0  }
0xfa: {  	s3 =	smov.u32 @p3 s4;
	s2 =	sadd.s32 s7, s0;
	s0 =	simm.s32 @!p1 $0x6  }
0xfb: {  	s15 =	simm.s32 @!p0 $0x10500;
	s3 =	smov.u32 @p2 s10;
	_ =	swait.ge @!p1 [sflag:s0], $0x2000  }
0xfc: {  	s7 =	smul.u32 @!p0 $0x33, s2;
	p3 =	sgt.s32 @!p0 s2, $0x1;
	s31 =	ssub.s32 s31, s3  }
0xfd: {  	[sflag:s0] =	ssyncset.done @!p1 $0x0;
	p2 =	por !p3, p0;
	p4 =	por p3, p0  }
0xfe: {  	[sflag:s0] =	ssyncadd.s32 @!p1 $0xFFFFE000;
	s0 =	ssub.s32 @!p0 s7, s3;
	p5 =	seq.s32 @!p2 s2, $0x2  }
0xff: {  	p4 =	seq.s32 @!p4 s2, $0x0;
	s7 =	smov.u32 s8;
	s0 =	sadd.s32 @!p0 s0, s22  }
0x100: {  	p5 =	por @!p0 !p5, !p3;
	p3 =	por @!p0 !p4, p3;
	s0 =	sshll.u32 @!p0 s0, $0x9  }
0x101: {  	p4 =	por !p5, p0;
	p3 =	por !p3, p0;
	s0 =	sadd.s32 @!p0 $0x200, s0  }
0x102: {  	s7 =	smov.u32 @p4 s12;
	s18 =	smov.u32 @p3 s5;
	s0 =	sshra.s32 @!p0 s0, $0x2  }
0x103: {  	s7 =	smov.u32 @p2 s18;
	s18 =	simm.s32 @!p0 $0x80;
	s0 =	sadd.s32 @!p0 $0x1900, s0  }
0x104: {  	[tilespmem:s15], [sflag:$0x2] =	stream.indirect.gather @!p0 [hbm4b:s7+s18], $0x40, s0, s18, $0xb8;
	[tilespmem:$0x16500] =	vst v63  }
0x105: {  	s2 =	smov.u32 @p0 s24;
	s24 =	smov.u32 @p0 s20;
	s0 =	smul.u32 @!p1 $0x33, s21  }
0x106: {  	s20 =	smov.u32 @p0 s21;
	s7 =	simm.s32 @!p1 $0x3;
	s15 =	simm.s32 @!p1 $0x12500  }
0x107: {  	s18 =	sadd.s32 $0x2, s22;
	s21 =	simm.s32 $0x1;
	s0 =	sadd.s32 @!p1 s29, s0  }
0x108: {  	_ =	swait.ge @!p1 [sflag:s7], $0x2000;
	p2 =	sge.u32 s18, s4;
	s0 =	sshll.u32 @!p1 s0, $0x9  }
0x109: {  	p3 =	sge.u32 s18, s10;
	[sflag:s7] =	ssyncset.done @!p1 $0x0;
	s0 =	sshra.s32 @!p1 s0, $0x2  }
0x10a: {  	[sflag:s7] =	ssyncadd.s32 @!p1 $0xFFFFE000;
	s7 =	simm.s32 @!p1 $0x80;
	s0 =	sadd.s32 @!p1 $0x7F00, s0  }
0x10b: {  	[hbm4b:s1+s7] =	stream.indirect.scatter @!p1 [tilespmem:s15], [sflag:$0x7], $0x40, s0, s7, $0xb8;
	[tilespmem:$0x16500] =	vst v63  }
0x10c: {  	s21 =	simm.s32 @!p3 $0x0;
	p1 =	sge.u32 s18, s9;
	s7 =	simm.s32 $0x1  }
0x10d: {  	s15 =	simm.s32 $0x1;
	s0 =	smov.u32 s9;
	s7 =	simm.s32 @!p1 $0x0  }
0x10e: {  	s15 =	simm.s32 @!p2 $0x0;
	s0 =	simm.s32 @!p1 $0x0;
	p1 =	sge.u32 s18, s28  }
0x10f: {  	s7 =	sadd.s32 s15, s7;
	s0 =	smov.u32 @p2 s4;
	p2 =	seq.s32 @!p1 s22, $0x0  }
0x110: {  	s17 =	simm.s32 @!p1 $0x12500;
	s21 =	sadd.s32 s21, s7;
	s0 =	smov.u32 @p3 s10  }
0x111: {  	p2 =	por p2, p1;
	p4 =	sgt.s32 @!p1 s21, $0x1;
	s7 =	smul.u32 @!p1 $0x33, s21  }
0x112: {  	s15 =	simm.s32 @!p2 $0x7;
	p3 =	por !p4, p1;
	p6 =	por p4, p1  }
0x113: {  	_ =	swait.ge @!p2 [sflag:s15], $0x2000;
	p5 =	seq.s32 @!p3 s21, $0x2;
	s7 =	ssub.s32 @!p1 s7, s0  }
0x114: {  	p6 =	seq.s32 @!p6 s21, $0x0;
	[sflag:s15] =	ssyncset.done @!p2 $0x0;
	p5 =	por @!p1 !p5, !p4  }
0x115: {  	p4 =	por @!p1 !p6, p4;
	s7 =	sadd.s32 @!p1 s7, s22;
	[sflag:s15] =	ssyncadd.s32 @!p2 $0xFFFFE000  }
0x116: {  	s15 =	smov.u32 s6;
	s3 =	sshll.u32 @!p1 s7, $0x9;
	p5 =	por !p5, p1  }
0x117: {  	s7 =	smov.u32 s8;
	p4 =	por !p4, p1;
	s3 =	sadd.s32 @!p1 $0x400, s3  }
0x118: {  	s7 =	smov.u32 @p5 s12;
	s15 =	smov.u32 @p4 s5;
	s3 =	sshra.s32 @!p1 s3, $0x2  }
0x119: {  	s7 =	smov.u32 @p3 s15;
	s15 =	simm.s32 @!p1 $0x80;
	s3 =	sadd.s32 @!p1 $0x1900, s3  }
0x11a: {  	[tilespmem:s17], [sflag:$0x3] =	stream.indirect.gather @!p1 [hbm4b:s7+s15], $0x40, s3, s15, $0xb8;
	[tilespmem:$0x16500] =	vst v63  }
0x11b: {  	s31 =	smov.u32 @p0 s23;
	s23 =	smov.u32 @p0 s19;
	s3 =	smul.u32 @!p2 $0x33, s20  }
0x11c: {  	s19 =	smov.u32 @p0 s29;
	s29 =	smov.u32 s6;
	s21 =	smov.u32 @p1 s2  }
0x11d: {  	s2 =	smov.u32 @p1 s24;
	s7 =	simm.s32 @!p2 $0x4;
	s3 =	sadd.s32 @!p2 s19, s3  }
0x11e: {  	s24 =	smov.u32 @p1 s20;
	_ =	swait.ge @!p2 [sflag:s7], $0x2000;
	s3 =	sshll.u32 @!p2 s3, $0x9  }
0x11f: {  	s15 =	simm.s32 @!p2 $0x14500;
	[sflag:s7] =	ssyncset.done @!p2 $0x0;
	s3 =	sshra.s32 @!p2 s3, $0x2  }
0x120: {  	[sflag:s7] =	ssyncadd.s32 @!p2 $0xFFFFE000;
	s7 =	simm.s32 @!p2 $0x80;
	s3 =	sadd.s32 @!p2 $0x7F00, s3  }
0x121: {  	[hbm4b:s1+s7] =	stream.indirect.scatter @!p2 [tilespmem:s15], [sflag:$0x8], $0x40, s3, s7, $0xb8;
	[tilespmem:$0x16500] =	vst v63  }
0x122: {  	s17 =	simm.s32 $0x1;
	s3 =	sadd.s32 $0x3, s22;
	s7 =	simm.s32 $0x1  }
0x123: {  	s15 =	simm.s32 $0x1;
	p4 =	sge.u32 s3, s9;
	p3 =	sge.u32 s3, s4  }
0x124: {  	p2 =	sge.u32 s3, s10;
	p0 =	sge.u32 s3, s28;
	s7 =	simm.s32 @!p4 $0x0  }
0x125: {  	s15 =	simm.s32 @!p3 $0x0;
	p5 =	seq.s32 @!p0 s22, $0x0;
	s17 =	simm.s32 @!p2 $0x0  }
0x126: {  	s7 =	sadd.s32 s15, s7;
	s15 =	smov.u32 s9;
	p5 =	por p5, p0  }
0x127: {  	s20 =	sadd.s32 s17, s7;
	s15 =	simm.s32 @!p4 $0x0;
	s7 =	simm.s32 @!p5 $0x8  }
0x128: {  	s16 =	simm.s32 @!p0 $0x80;
	s15 =	smov.u32 @p3 s4;
	_ =	swait.ge @!p5 [sflag:s7], $0x2000  }
0x129: {  	s17 =	smul.u32 @!p0 $0x33, s20;
	p3 =	sgt.s32 @!p0 s20, $0x1;
	s15 =	smov.u32 @p2 s10  }
0x12a: {  	[sflag:s7] =	ssyncset.done @!p5 $0x0;
	p2 =	por !p3, p0;
	p4 =	por p3, p0  }
0x12b: {  	[sflag:s7] =	ssyncadd.s32 @!p5 $0xFFFFE000;
	s7 =	ssub.s32 @!p0 s17, s15;
	p5 =	seq.s32 @!p2 s20, $0x2  }
0x12c: {  	p4 =	seq.s32 @!p4 s20, $0x0;
	s17 =	smov.u32 s8;
	s20 =	smov.u32 @p0 s21  }
0x12d: {  	s21 =	smov.u32 @p0 s2;
	s2 =	smov.u32 @p0 s24;
	s7 =	sadd.s32 @!p0 s7, s22  }
0x12e: {  	p5 =	por @!p0 !p5, !p3;
	p3 =	por @!p0 !p4, p3;
	s7 =	sshll.u32 @!p0 s7, $0x9  }
0x12f: {  	p4 =	por !p5, p0;
	p3 =	por !p3, p0;
	s7 =	sadd.s32 @!p0 $0x600, s7  }
0x130: {  	s17 =	smov.u32 @p4 s12;
	s29 =	smov.u32 @p3 s5;
	s7 =	sshra.s32 @!p0 s7, $0x2  }
0x131: {  	s17 =	smov.u32 @p2 s29;
	s29 =	simm.s32 @!p0 $0x14500;
	s7 =	sadd.s32 @!p0 $0x1900, s7  }
0x132: {  	[tilespmem:s29], [sflag:$0x4] =	stream.indirect.gather @!p0 [hbm4b:s17+s16], $0x40, s7, s16, $0xb8;
	[tilespmem:$0x16500] =	vst v63  }
0x133: {  	s22 =	sadd.s32 $0x4, s22;
	s29 =	ssub.s32 s18, s0;
	s0 =	smul.u32 @!p0 $0x33, s24  }
0x134: {  	s7 =	simm.s32 @!p0 $0x1;
	s29 =	smov.u32 @p1 s31;
	s31 =	smov.u32 @p1 s23  }
0x135: {  	s23 =	smov.u32 @p1 s19;
	_ =	swait.ge @!p0 [sflag:s7], $0x2000;
	p1 =	sne.s32 s11, s22  }
.Ltmp7:
0x136: {  	s19 =	ssub.s32 s3, s15;
	s0 =	sadd.s32 @!p0 s23, s0;
	(pc) =	sbr.rel @!p1 .LBB2_11-.Ltmp7, $4  }
0x137: {  	s3 =	simm.s32 @!p0 $0xE500;
	[sflag:s7] =	ssyncset.done @!p0 $0x0;
	s0 =	sshll.u32 @!p0 s0, $0x9  }
0x138: {  	s19 =	smov.u32 @p0 s29;
	s29 =	smov.u32 @p0 s31;
	s0 =	sshra.s32 @!p0 s0, $0x2  }
0x139: {  	s31 =	smov.u32 @p0 s23;
	[sflag:s7] =	ssyncadd.s32 @!p0 $0xFFFFE000;
	s0 =	sadd.s32 @!p0 $0x7F00, s0  }
0x13a: {  	[hbm4b:s1+s16] =	stream.indirect.scatter @!p0 [tilespmem:s3], [sflag:$0x5], $0x40, s0, s16, $0xb8;
	[tilespmem:$0x16500] =	vst v63  }
.LBB2_7:
0x13b: {  	p0 =	sge.u32 s22, s28  }
.Ltmp8:
0x13c: {  	_ = 	snop;
	(pc) =	sbr.rel @!p0 .LBB2_9-.Ltmp8, $1  }
0x13d: {  	_ =	sdelay $0x3  }
.Ltmp9:
0x13e: {  	(pc) =	sbr.rel .LBB2_10-.Ltmp9, $3  }
0x13f: {  	_ =	sdelay $0x1  }
0x140: {  	s23 =	smov.u32 s19;
	s24 =	smov.u32 s20;
	s19 =	smov.u32 s29  }
0x141: {  	s20 =	smov.u32 s21;
	s29 =	smov.u32 s31;
	s21 =	smov.u32 s2  }
.LBB2_11:
.Ltmp10:
0x142: {  	(pc) =	sbr.rel .LBB2_12-.Ltmp10, $4  }
0x143: {  	_ = 	snop  }
0x144: {  	s3 =	smul.u32 $0x33, s2  }
0x145: {  	s2 =	smul.u32 $0x33, s21  }
0x146: {  	s0 =	smul.u32 $0x33, s20;
	s15 =	simm.s32 $0x1  }
.LBB2_5:
0x147: {  	s0 =	simm.s32 $0x0;
	s19 =	simm.s32 $0x0;
	s2 =	simm.s32 $0x0  }
0x148: {  	s29 =	simm.s32 $0x0;
	s3 =	simm.s32 $0x0;
	s31 =	simm.s32 $0x0  }
.LBB2_12:
0x149: {  	s4 =	sadd.s32 $0x1, s28  }
0x14a: {  	p0 =	slt.u32 s28, $0x3;
	s4 =	sand.u32 $0x3, s4  }
0x14b: {  	p1 =	sne.s32 @!p0 s4, $0x0  }
0x14c: {  	p1 =	por p0, p1  }
.Ltmp11:
0x14d: {  	_ = 	snop;
	(pc) =	sbr.rel @p1 .LBB2_14-.Ltmp11, $1  }
0x14e: {  	_ =	sdelay $0x3  }
.Ltmp12:
0x14f: {  	s3 =	sadd.s32 s31, s3;
	(pc) =	sbr.rel .LBB2_19-.Ltmp12, $4  }
0x150: {  	_ =	swait.ge [sflag:s15], $0x2000;
	s3 =	sshll.u32 s3, $0x9  }
0x151: {  	s4 =	simm.s32 $0x80;
	[sflag:s15] =	ssyncset.done $0x0;
	s3 =	sshra.s32 s3, $0x2  }
0x152: {  	s7 =	simm.s32 $0xE500;
	[sflag:s15] =	ssyncadd.s32 $0xFFFFE000;
	s3 =	sadd.s32 $0x7F00, s3  }
0x153: {  	[hbm4b:s1+s4] =	stream.indirect.scatter [tilespmem:s7], [sflag:$0x5], $0x40, s3, s4, $0xb8;
	[tilespmem:$0x16500] =	vst v63  }
.LBB2_14:
0x154: {  	p1 =	sne.s32 @!p0 s4, $0x1  }
0x155: {  	p1 =	por p0, p1  }
.Ltmp13:
0x156: {  	_ = 	snop;
	(pc) =	sbr.rel @p1 .LBB2_16-.Ltmp13, $1  }
0x157: {  	_ =	sdelay $0x3  }
.Ltmp14:
0x158: {  	s3 =	sadd.s32 s31, s3;
	s4 =	simm.s32 $0x2;
	(pc) =	sbr.rel .LBB2_19-.Ltmp14, $4  }
0x159: {  	_ =	swait.ge [sflag:s4], $0x2000;
	s3 =	sshll.u32 s3, $0x9  }
0x15a: {  	s31 =	simm.s32 $0x80;
	[sflag:s4] =	ssyncset.done $0x0;
	s3 =	sshra.s32 s3, $0x2  }
0x15b: {  	s7 =	simm.s32 $0x10500;
	[sflag:s4] =	ssyncadd.s32 $0xFFFFE000;
	s3 =	sadd.s32 $0x7F00, s3  }
0x15c: {  	[hbm4b:s1+s31] =	stream.indirect.scatter [tilespmem:s7], [sflag:$0x6], $0x40, s3, s31, $0xb8;
	[tilespmem:$0x16500] =	vst v63  }
.LBB2_16:
0x15d: {  	p1 =	sne.s32 @!p0 s4, $0x2  }
0x15e: {  	p1 =	por p0, p1  }
.Ltmp15:
0x15f: {  	_ = 	snop;
	(pc) =	sbr.rel @p1 .LBB2_18-.Ltmp15, $1  }
0x160: {  	_ =	sdelay $0x3  }
.Ltmp16:
0x161: {  	s3 =	sadd.s32 s31, s3;
	s4 =	simm.s32 $0x3;
	(pc) =	sbr.rel .LBB2_19-.Ltmp16, $4  }
0x162: {  	_ =	swait.ge [sflag:s4], $0x2000;
	s3 =	sshll.u32 s3, $0x9  }
0x163: {  	s31 =	simm.s32 $0x80;
	[sflag:s4] =	ssyncset.done $0x0;
	s3 =	sshra.s32 s3, $0x2  }
0x164: {  	s7 =	simm.s32 $0x12500;
	[sflag:s4] =	ssyncadd.s32 $0xFFFFE000;
	s3 =	sadd.s32 $0x7F00, s3  }
0x165: {  	[hbm4b:s1+s31] =	stream.indirect.scatter [tilespmem:s7], [sflag:$0x7], $0x40, s3, s31, $0xb8;
	[tilespmem:$0x16500] =	vst v63  }
.LBB2_18:
0x166: {  	p1 =	sne.s32 @!p0 s4, $0x3  }
0x167: {  	p0 =	por p1, p0  }
0x168: {  	s4 =	simm.s32 @!p0 $0x4;
	s3 =	sadd.s32 @!p0 s31, s3  }
0x169: {  	_ =	swait.ge @!p0 [sflag:s4], $0x2000;
	s3 =	sshll.u32 @!p0 s3, $0x9  }
0x16a: {  	s7 =	simm.s32 @!p0 $0x14500;
	[sflag:s4] =	ssyncset.done @!p0 $0x0;
	s3 =	sshra.s32 @!p0 s3, $0x2  }
0x16b: {  	[sflag:s4] =	ssyncadd.s32 @!p0 $0xFFFFE000;
	s3 =	sadd.s32 @!p0 $0x7F00, s3;
	s4 =	simm.s32 @!p0 $0x80  }
0x16c: {  	[hbm4b:s1+s4] =	stream.indirect.scatter @!p0 [tilespmem:s7], [sflag:$0x8], $0x40, s3, s4, $0xb8;
	[tilespmem:$0x16500] =	vst v63  }
.LBB2_19:
0x16d: {  	s3 =	sand.u32 $0x3, s28;
	p0 =	slt.u32 s28, $0x2  }
0x16e: {  	p1 =	sne.s32 @!p0 s3, $0x2  }
0x16f: {  	p1 =	por p0, p1  }
.Ltmp17:
0x170: {  	_ = 	snop;
	(pc) =	sbr.rel @p1 .LBB2_21-.Ltmp17, $1  }
0x171: {  	_ =	sdelay $0x3  }
.Ltmp18:
0x172: {  	s2 =	sadd.s32 s29, s2;
	(pc) =	sbr.rel .LBB2_26-.Ltmp18, $4  }
0x173: {  	_ =	swait.ge [sflag:s15], $0x2000;
	s2 =	sshll.u32 s2, $0x9  }
0x174: {  	s3 =	simm.s32 $0x80;
	[sflag:s15] =	ssyncset.done $0x0;
	s2 =	sshra.s32 s2, $0x2  }
0x175: {  	s4 =	simm.s32 $0xE500;
	[sflag:s15] =	ssyncadd.s32 $0xFFFFE000;
	s2 =	sadd.s32 $0x7F00, s2  }
0x176: {  	[hbm4b:s1+s3] =	stream.indirect.scatter [tilespmem:s4], [sflag:$0x5], $0x40, s2, s3, $0xb8;
	[tilespmem:$0x16500] =	vst v63  }
.LBB2_21:
0x177: {  	p1 =	sne.s32 @!p0 s3, $0x3  }
0x178: {  	p1 =	por p0, p1  }
.Ltmp19:
0x179: {  	_ = 	snop;
	(pc) =	sbr.rel @p1 .LBB2_23-.Ltmp19, $1  }
0x17a: {  	_ =	sdelay $0x3  }
.Ltmp20:
0x17b: {  	s2 =	sadd.s32 s29, s2;
	s3 =	simm.s32 $0x2;
	(pc) =	sbr.rel .LBB2_26-.Ltmp20, $4  }
0x17c: {  	_ =	swait.ge [sflag:s3], $0x2000;
	s2 =	sshll.u32 s2, $0x9  }
0x17d: {  	s31 =	simm.s32 $0x80;
	[sflag:s3] =	ssyncset.done $0x0;
	s2 =	sshra.s32 s2, $0x2  }
0x17e: {  	s4 =	simm.s32 $0x10500;
	[sflag:s3] =	ssyncadd.s32 $0xFFFFE000;
	s2 =	sadd.s32 $0x7F00, s2  }
0x17f: {  	[hbm4b:s1+s31] =	stream.indirect.scatter [tilespmem:s4], [sflag:$0x6], $0x40, s2, s31, $0xb8;
	[tilespmem:$0x16500] =	vst v63  }
.LBB2_23:
0x180: {  	p1 =	sne.s32 @!p0 s3, $0x0  }
0x181: {  	p1 =	por p0, p1  }
.Ltmp21:
0x182: {  	_ = 	snop;
	(pc) =	sbr.rel @p1 .LBB2_25-.Ltmp21, $1  }
0x183: {  	_ =	sdelay $0x3  }
.Ltmp22:
0x184: {  	s2 =	sadd.s32 s29, s2;
	s3 =	simm.s32 $0x3;
	(pc) =	sbr.rel .LBB2_26-.Ltmp22, $4  }
0x185: {  	_ =	swait.ge [sflag:s3], $0x2000;
	s2 =	sshll.u32 s2, $0x9  }
0x186: {  	s31 =	simm.s32 $0x80;
	[sflag:s3] =	ssyncset.done $0x0;
	s2 =	sshra.s32 s2, $0x2  }
0x187: {  	s4 =	simm.s32 $0x12500;
	[sflag:s3] =	ssyncadd.s32 $0xFFFFE000;
	s2 =	sadd.s32 $0x7F00, s2  }
0x188: {  	[hbm4b:s1+s31] =	stream.indirect.scatter [tilespmem:s4], [sflag:$0x7], $0x40, s2, s31, $0xb8;
	[tilespmem:$0x16500] =	vst v63  }
.LBB2_25:
0x189: {  	p1 =	sne.s32 @!p0 s3, $0x1  }
0x18a: {  	p1 =	por p1, p0  }
0x18b: {  	s3 =	simm.s32 @!p1 $0x4;
	s2 =	sadd.s32 @!p1 s29, s2  }
0x18c: {  	_ =	swait.ge @!p1 [sflag:s3], $0x2000;
	s2 =	sshll.u32 @!p1 s2, $0x9  }
0x18d: {  	s4 =	simm.s32 @!p1 $0x14500;
	[sflag:s3] =	ssyncset.done @!p1 $0x0;
	s2 =	sshra.s32 @!p1 s2, $0x2  }
0x18e: {  	[sflag:s3] =	ssyncadd.s32 @!p1 $0xFFFFE000;
	s2 =	sadd.s32 @!p1 $0x7F00, s2;
	s3 =	simm.s32 @!p1 $0x80  }
0x18f: {  	[hbm4b:s1+s3] =	stream.indirect.scatter @!p1 [tilespmem:s4], [sflag:$0x8], $0x40, s2, s3, $0xb8;
	[tilespmem:$0x16500] =	vst v63  }
.LBB2_26:
0x190: {  	s2 =	sand.u32 $0x3, s30  }
0x191: {  	p1 =	sgt.s32 s2, $0x1  }
.Ltmp23:
0x192: {  	_ = 	snop;
	(pc) =	sbr.rel @p1 .LBB2_28-.Ltmp23, $1  }
0x193: {  	_ =	sdelay $0x3  }
0x194: {  	p1 =	seq.s32 s2, $0x0  }
0x195: {  	s2 =	simm.s32 @p1 $0x1  }
0x196: {  	s3 =	sadd.s32 @p1 s19, s0;
	_ =	swait.ge @p1 [sflag:s2], $0x2000  }
0x197: {  	s3 =	sshll.u32 @p1 s3, $0x9;
	[sflag:s2] =	ssyncset.done @p1 $0x0  }
0x198: {  	s4 =	simm.s32 @p1 $0xE500;
	[sflag:s2] =	ssyncadd.s32 @p1 $0xFFFFE000;
	s2 =	sshra.s32 @p1 s3, $0x2  }
0x199: {  	s0 =	sadd.s32 @!p1 s19, s0;
	s3 =	simm.s32 @p1 $0x80;
	s2 =	sadd.s32 @p1 $0x7F00, s2  }
0x19a: {  	[hbm4b:s1+s3] =	stream.indirect.scatter @p1 [tilespmem:s4], [sflag:$0x5], $0x40, s2, s3, $0xb8;
	[tilespmem:$0x16500] =	vst v63  }
.Ltmp24:
0x19b: {  	s0 =	sshll.u32 @!p1 s0, $0x9;
	s2 =	simm.s32 @!p1 $0x2;
	(pc) =	sbr.rel .LBB2_30-.Ltmp24, $4  }
0x19c: {  	s0 =	sshra.s32 @!p1 s0, $0x2;
	_ =	swait.ge @!p1 [sflag:s2], $0x2000  }
0x19d: {  	s0 =	sadd.s32 @!p1 $0x7F00, s0;
	[sflag:s2] =	ssyncset.done @!p1 $0x0  }
0x19e: {  	s3 =	simm.s32 @!p1 $0x10500;
	[sflag:s2] =	ssyncadd.s32 @!p1 $0xFFFFE000;
	s2 =	simm.s32 @!p1 $0x80  }
0x19f: {  	[hbm4b:s1+s2] =	stream.indirect.scatter @!p1 [tilespmem:s3], [sflag:$0x6], $0x40, s0, s2, $0xb8;
	[tilespmem:$0x16500] =	vst v63  }
.LBB2_28:
0x1a0: {  	p1 =	seq.s32 s2, $0x2  }
.Ltmp25:
0x1a1: {  	_ = 	snop;
	(pc) =	sbr.rel @!p1 .LBB2_31-.Ltmp25, $1  }
0x1a2: {  	_ =	sdelay $0x3  }
0x1a3: {  	s0 =	sadd.s32 s19, s0;
	s2 =	simm.s32 $0x3  }
0x1a4: {  	_ =	swait.ge [sflag:s2], $0x2000;
	s0 =	sshll.u32 s0, $0x9  }
0x1a5: {  	s31 =	simm.s32 $0x80;
	[sflag:s2] =	ssyncset.done $0x0;
	s0 =	sshra.s32 s0, $0x2  }
0x1a6: {  	s3 =	simm.s32 $0x12500;
	[sflag:s2] =	ssyncadd.s32 $0xFFFFE000;
	s0 =	sadd.s32 $0x7F00, s0  }
0x1a7: {  	[hbm4b:s1+s31] =	stream.indirect.scatter [tilespmem:s3], [sflag:$0x7], $0x40, s0, s31, $0xb8;
	[tilespmem:$0x16500] =	vst v63  }
.LBB2_30:
0x1a8: {  	p1 =	seq.s32 s28, $0x0  }
.Ltmp26:
0x1a9: {  	_ = 	snop;
	(pc) =	sbr.rel @!p1 .LBB2_33-.Ltmp26, $4  }
.Ltmp27:
0x1aa: {  	_ = 	snop;
	(pc) =	sbr.rel @p1 .LBB2_34-.Ltmp27, $4  }
0x1ab: {  	_ = 	snop  }
0x1ac: {  	_ = 	snop  }
0x1ad: {  	_ = 	snop  }
0x1ae: {  	_ = 	snop  }
.LBB2_31:
0x1af: {  	p1 =	seq.s32 s28, $0x0  }
.Ltmp28:
0x1b0: {  	_ = 	snop;
	(pc) =	sbr.rel @p1 .LBB2_34-.Ltmp28, $1  }
0x1b1: {  	_ =	sdelay $0x3  }
.Ltmp29:
0x1b2: {  	s0 =	sadd.s32 s19, s0;
	s2 =	simm.s32 $0x4;
	(pc) =	sbr.rel .LBB2_33-.Ltmp29, $4  }
0x1b3: {  	_ =	swait.ge [sflag:s2], $0x2000;
	s0 =	sshll.u32 s0, $0x9  }
0x1b4: {  	s31 =	simm.s32 $0x80;
	[sflag:s2] =	ssyncset.done $0x0;
	s0 =	sshra.s32 s0, $0x2  }
0x1b5: {  	s3 =	simm.s32 $0x14500;
	[sflag:s2] =	ssyncadd.s32 $0xFFFFE000;
	s0 =	sadd.s32 $0x7F00, s0  }
0x1b6: {  	[hbm4b:s1+s31] =	stream.indirect.scatter [tilespmem:s3], [sflag:$0x8], $0x40, s0, s31, $0xb8;
	[tilespmem:$0x16500] =	vst v63  }
.LBB2_36:
0x1b7: {  	_ =	sfence.sel $0x180000  }
0x1b8: {  	[bflag:$0x0] =	sbarrier.arrive $0xFFFF  }
0x1b9: {  	_ =	strace $0x90000047  }
0x1ba: {  	s0 =	stileid.u32;
	[bflag:$0x2] =	sbarrier.arrive $0xFFFF  }
0x1bb: {  	p0 =	sne.s32 s0, $0x0;
	s0 =	rddreg [dreg:$0x2]  }
0x1bc: {  	s0 =	sadd.s32 @!p0 $0x100000, s0  }
0x1bd: {  	[sflag:s0] =	ssyncadd.tile.s32 @!p0 $0x1;
	_ =	shalt  }
.Lfunc_end2:
_tile_overlayer_lowered:
.L_overlay_start_2:
0x1be: {  	(tag) =	ssettag $0x2  }
0x1bf: {  	s0 =	rddreg [dreg:$0x0];
	s2 =	stileid.u32  }
0x1c0: {  	s1 =	rddreg [dreg:$0x1];
	p0 =	sne.s32 s2, $0x0  }
0x1c1: {  	s3 =	rddreg [dreg:$0x2];
	[bflag:$0x3] =	sbarrier.arrive $0xFFFF;
	s2 =	simm.s32 @!p0 $0x1C09  }
0x1c2: {  	[timem:s3], [sflag:s2] =	dma.local @!p0 [hbm:s0], s1  }
0x1c3: {  	s0 =	simm.s32 @!p0 $0x9  }
0x1c4: {  	_ =	swait.ge @!p0 [sflag:s0], s1  }
0x1c5: {  	s1 =	ssub.s32 @!p0 $0x0, s1;
	[sflag:s0] =	ssyncset.done @!p0 $0x0  }
0x1c6: {  	[sflag:s0] =	ssyncadd.s32 @!p0 s1  }
0x1c7: {  	[bflag:$0x3] =	sbarrier.arrive $0xFFFF  }
0x1c8: {  	_ =	shalt  }

// kernel: sparse-core-data-format-call.cloned.1.call-start
scs
called_computation_lowered:
.L_overlay_start_0:
0x0: {  	s2 =	sld [smem:$0x3FD9]  }
0x1: {  	s3 =	sld [smem:$0x3FFE];
	_ =	sdelay $0x1  }
0x2: {  	s1 =	srdreg.scid  }
0x3: {  	s0 =	sand.u32 $0x1, s1  }
0x4: {  	s18 =	sshll.u32 s0, $0xA;
	s2 =	sadd.s32 s3, s2  }
0x5: {  	s2 =	sadd.s32 s2, s18  }
0x6: {  	[smem:$0x3FC3] =	sst s2  }
0x7: {  	_ = 	snop  }
0x8: {  	s2 =	sld [smem:$0x3FD0];
	(tm) =	ssettm $0x1  }
0x9: {  	s19 =	sld [smem:$0x3FFB];
	_ =	sdelay $0x3  }
0xa: {  	_ =	strace s19  }
0xb: {  	s3 =	sld [smem:$0x3FFC];
	_ =	sdelay $0x3  }
0xc: {  	_ =	strace s3  }
0xd: {  	s3 =	sld [smem:$0x3FFD];
	_ =	sdelay $0x3  }
0xe: {  	_ =	strace s3  }
0xf: {  	_ =	strace $0x8FFFFFFF  }
0x10: {  	s20 =	sld [smem:$0x3FDB];
	_ =	sdelay $0x1  }
0x11: {  	s4 =	simm.s32 $_scs_section_size  }
0x12: {  	s5 =	simm.s32 $_size__tile_overlayer_lowered;
	s6 =	simm.s32 $_tile_overlayer_lowered  }
0x13: {  	s23 =	simm.s32 $0x1BFF;
	s22 =	sshll.u32 s6, $0x1;
	s3 =	sadd.s32 s4, s20  }
0x14: {  	s7 =	simm.s32 $0x0;
	s21 =	sshll.u32 s5, $0x1;
	s5 =	sadd.s32 s22, s3  }
0x15: {  	[timem:s7], [sflag:s23] =	dma.local [hbm:s5], s21  }
0x16: {  	_ =	swait.ge [sflag:s23], s21  }
0x17: {  	s4 =	ssub.s32 $0x0, s21;
	[sflag:s23] =	ssyncset.done $0x0  }
0x18: {  	[sflag:s23] =	ssyncadd.s32 s4;
	_ =	sdelay $0x1  }
0x19: {  	s24 =	simm.s32 $0x1B8B  }
0x1a: {  	_ =	swait.ge [sflag:s24], $0x1  }
0x1b: {  	[sflag:s24] =	ssyncset.done $0x0  }
0x1c: {  	s26 =	simm.s32 $0x1B8E;
	s25 =	sld [smem:$0x3FFE];
	[sflag:s24] =	ssyncadd.s32 $0xFFFFFFFF  }
0x1d: {  	s27 =	simm.s32 $execute0_lowered;
	[smem:$0x3FD2] =	sst s26  }
0x1e: {  	s5 =	sshll.u32 s27, $0x1;
	_ =	strace $0x80000049;
	[dreg:$0x1] =	wrdreg $0xFFFFFFFF  }
0x1f: {  	s28 =	simm.s32 $_size_execute0_lowered;
	s3 =	sadd.s32 s3, s5;
	[dreg:$0x0] =	wrdreg $0x0  }
0x20: {  	s5 =	sshll.u32 s28, $0x1;
	[dreg:$0x2] =	wrdreg s3  }
0x21: {  	[dreg:$0x3] =	wrdreg s5  }
0x22: {  	[dreg:$0x4] =	wrdreg $0xC0  }
0x23: {  	_ =	task [dreg:s7], $0x5FFFF  }
0x24: {  	[dreg:$0x1] =	wrdreg $0xFFFFFFFF  }
0x25: {  	[dreg:$0x0] =	wrdreg $0x60  }
0x26: {  	[dreg:$0x2] =	wrdreg s25  }
0x27: {  	[dreg:$0x3] =	wrdreg s2  }
0x28: {  	[dreg:$0x4] =	wrdreg $0x9  }
0x29: {  	_ =	task.clear_ibuf [dreg:s7], $0x5FFFF;
	_ =	strace $0x90000049  }
0x2a: {  	s29 =	simm.s32 $0x9;
	_ =	strace $0x8000004B  }
0x2b: {  	_ =	swait.ge [sflag:s29], $0x1  }
0x2c: {  	[sflag:s29] =	ssyncadd.s32 $0xFFFFFFFF  }
0x2d: {  	_ =	strace $0x9000004B  }
0x2e: {  	_ =	sfence  }
0x2f: {  	s30 =	sld [smem:$0x0];
	_ =	sdelay $0x2  }
0x30: {  	s31 =	sshll.u32 s1, $0xD;
	s1 =	sshrl.u32 s1, $0x2  }
0x31: {  	s3 =	sand.u32 $0x4000, s31;
	s1 =	sadd.s32 s1, s30  }
0x32: {  	s0 =	sor.u32 s3, s0;
	s1 =	sshll.u32 s1, $0x11  }
0x33: {  	s0 =	sor.u32 s1, s0  }
0x34: {  	s0 =	sadd.s32 $0x8F2B, s0  }
0x35: {  	[sflag:s0] =	ssyncadd.remote.s32 $0x1  }
0x36: {  	_ =	sfence.sel $0xFFFF  }
0x37: {  	[dreg:$0x0] =	wrdreg $0xFFFFFFFF;
	(pc) =	sbr.abs _section_cstart, $3  }
0x38: {  	[dreg:$0x1] =	wrdreg $0xFFFFFFFF  }
0x39: {  	_ =	task.clear_ibuf [dreg:s7], $0x2FFFF;
	_ =	strace $0x9FFFFFFF  }
0x3a: {  	(tm) =	ssettm $0x7FFFFFFF  }
0x3b: {  	_ =	shalt  }
tec
execute0_lowered:
.L_overlay_start_1:
0x0: {  	(tag) =	ssettag $0x1  }
0x1: {  	s0 =	srdreg.scid  }
0x2: {  	s1 =	sshll.u32 s0, $0x4  }
0x3: {  	s0 =	stileid.u32;
	s1 =	sand.u32 $0x10, s1  }
0x4: {  	s1 =	sor.u32 s0, s1  }
0x5: {  	s6 =	rddreg [dreg:$0x0];
	s4 =	simm.s32 $0x1;
	s2 =	sshll.u32 s1, $0x7  }
0x6: {  	s7 =	simm.s32 $0x2;
	s12 =	simm.s32 $0x0;
	s1 =	ssub.s32 $0x4000, s2  }
0x7: {  	s8 =	simm.s32 $0x20000;
	s13 =	simm.s32 $0x0;
	s3 =	sand.u32 $0xF80, s1  }
0x8: {  	s9 =	simm.s32 $0x0;
	s5 =	sshrl.u32 s1, $0xC;
	p0 =	sne.s32 s3, $0x0  }
.Ltmp0:
0x9: {  	s1 =	rddreg [dreg:$0x2];
	s4 =	simm.s32 @!p0 $0x0;
	(pc) =	sbr.rel .LBB1_1-.Ltmp0, $4  }
0xa: {  	s11 =	simm.s32 $0x0;
	s3 =	rddreg [dreg:$0x1];
	s5 =	sadd.s32 s4, s5  }
0xb: {  	_ =	strace $0x8000004A;
	s4 =	simm.s32 $0x1;
	s5 =	smul.u32 $0x32, s5  }
0xc: {  	s6 =	sadd.s32 $0x800, s6;
	s10 =	smov.u32 s2;
	[sflag:s4] =	ssyncpa.u1 $0x0  }
0xd: {  	p0 =	por $0x0, $0x0;
	[sflag:s7] =	ssyncpa.u1 $0x0;
	s7 =	sor.u32 $0x1, s5  }
.LBB1_4:
0xe: {  	s16 =	sshll.u32 s13, $0x3;
	s17 =	sand.u32 $0x78, s13  }
0xf: {  	s30 =	sand.u32 $0x1F800, s13;
	s12 =	sshll.u32 s12, $0x11;
	s16 =	sand.u32 $0x3C00, s16  }
0x10: {  	[tilespmem:s15+$0x810 ss:$0x81] =	vst.msk $0xffff, v2;
	s31 =	sand.u32 $0x7, s13;
	s16 =	sor.u32 s17, s16;
	s17 =	sadd.s32 s3, s30  }
0x11: {  	[tilespmem:s15+$0x1020 ss:$0x81] =	vst.msk $0xffff, v0;
	s13 =	sshll.u32 s31, $0x12;
	s12 =	sadd.s32 s12, s17;
	s16 =	sshrl.u32 s16, $0x3  }
0x12: {  	[tilespmem:s15+$0x0 ss:$0x81] =	vst.msk $0xffff, v1;
	s13 =	sor.u32 $0x400, s13;
	s12 =	sadd.s32 s16, s12  }
0x13: {  	[hbm4b:s12+s13] =	stream.strided.scatter [tilespmem:s14], [sflag:$0x2], $0x2000, s8, s13, $0x20;
	[tilespmem:$0x8080] =	vst v63  }
.LBB1_5:
0x14: {  	s14 =	sadd.s32 $0x1, s9  }
0x15: {  	s12 =	sadd.s32 $0x1000, s10;
	s16 =	smov.u32 s10;
	p2 =	sgt.s32 s14, $0x31  }
0x16: {  	s16 =	smov.u32 @p2 s12  }
0x17: {  	s14 =	simm.s32 @p2 $0x0;
	p2 =	sgt.s32 s16, $0x3FFF  }
0x18: {  	s16 =	smov.u32 @p2 s2;
	p2 =	sne.s32 s11, s7  }
.Ltmp1:
0x19: {  	p1 =	slt.u32 s11, $0x2;
	(pc) =	sbr.rel @!p2 .LBB1_6-.Ltmp1, $4  }
0x1a: {  	s15 =	simm.s32 @!p1 $0x2  }
0x1b: {  	s13 =	smov.u32 s10;
	p0 =	por !p0, !p0;
	_ =	swait.ge @!p1 [sflag:s15], $0x2000  }
0x1c: {  	s12 =	smov.u32 s9;
	[sflag:s15] =	ssyncset.done @!p1 $0x0;
	s9 =	smov.u32 s14  }
0x1d: {  	s11 =	sadd.s32 $0x1, s11;
	[sflag:s15] =	ssyncadd.s32 @!p1 $0xFFFFE000;
	s10 =	smov.u32 s16  }
.LBB1_1:
0x1e: {  	p1 =	sge.u32 s11, s5  }
0x1f: {  	s14 =	sand.u32 @!p1 $0x1FFFFFF, s9  }
0x20: {  	s15 =	smulhi.u32 @!p1 $0x4924925, s14;
	_ =	sdelay $0x1  }
0x21: {  	s15 =	smul.u32 @!p1 $0x38, s15  }
0x22: {  	s16 =	sxor.u32 @!p1 $0xFFFFFFFF, s11;
	s17 =	smul.u32 @!p1 $0x380, s10  }
0x23: {  	s31 =	sadd.s32 $0xFFFFFFFF, s11;
	s16 =	sshll.u32 @!p1 s16, $0xD;
	s14 =	ssub.s32 @!p1 s14, s15  }
0x24: {  	s15 =	sand.u32 @!p1 $0x2000, s16;
	s16 =	sadd.s32 @!p1 s6, s17;
	s14 =	sshll.u32 @!p1 s14, $0x4  }
0x25: {  	s17 =	simm.s32 @!p1 $0x1C00;
	s14 =	sadd.s32 @!p1 s14, s16;
	s16 =	simm.s32 @!p1 $0x40  }
0x26: {  	[tilespmem:s15], [sflag:$0x1] =	stream.strided.gather @!p1 [hbm4b:s14+s16], $0x2000, s17, s16, $0x38;
	[tilespmem:$0x8080] =	vst v63  }
0x27: {  	p1 =	sge.u32 s31, s5  }
.Ltmp2:
0x28: {  	_ = 	snop;
	(pc) =	sbr.rel @p1 .LBB1_5-.Ltmp2, $1  }
0x29: {  	_ =	sdelay $0x3  }
0x2a: {  	s14 =	simm.s32 $0x1  }
0x2b: {  	_ =	swait.ge [sflag:s4], $0x2000;
	s14 =	simm.s32 @!p0 $0x0  }
0x2c: {  	[sflag:s4] =	ssyncset.done $0x0;
	s15 =	sshll.u32 s14, $0xD  }
0x2d: {  	[sflag:s4] =	ssyncadd.s32 $0xFFFFE000;
	s18 =	sor.u32 $0x20, s15  }
0x2e: {  	s14 =	smul.u32 $0x8100, s14;
	v3 =	vld [tilespmem:s18+$0x10]  }
0x2f: {  	s30 =	sand.u32 $0x1, s11;
	v2 =	vld [tilespmem:s18+$0xFFFFFFF0]  }
0x30: {  	s15 =	smul.u32 $0x8100, s30;
	s14 =	sshrl.u32 s14, $0x2;
	v0 =	vld [tilespmem:s18+$0x0]  }
0x31: {  	v1 =	vld [tilespmem:s18+$0xFFFFFFE0];
	s16 =	sor.u32 $0x4000, s14  }
0x32: {  	s31 =	sshrl.u32 s15, $0x2;
	s15 =	sadd.s32 $0x0, s16  }
0x33: {  	s17 =	simm.s32 $0x4;
	s18 =	sadd.s32 $0x40, s18;
	s14 =	sor.u32 $0x4000, s31;
	[tilespmem:s15+$0x1830 ss:$0x81] =	vst.msk $0xffff, v3  }
.LBB1_3:
0x34: {  	v3 =	vld [tilespmem:s18+$0x10];
	p1 =	sne.s32 s17, $0x1FC;
	[tilespmem:s15+$0x810 ss:$0x81] =	vst.msk $0xffff, v2;
	s19 =	smov.u32 s17;
	s17 =	sadd.s32 $0x4, s17  }
.Ltmp3:
0x35: {  	v2 =	vld [tilespmem:s18+$0xFFFFFFF0];
	[tilespmem:s15+$0x1020 ss:$0x81] =	vst.msk $0xffff, v0;
	(pc) =	sbr.rel @p1 .LBB1_3-.Ltmp3, $4  }
0x36: {  	v0 =	vld [tilespmem:s18+$0x0];
	[tilespmem:s15+$0x0 ss:$0x81] =	vst.msk $0xffff, v1  }
0x37: {  	s15 =	sshra.s32 s19, $0x2;
	v1 =	vld [tilespmem:s18+$0xFFFFFFE0]  }
0x38: {  	s15 =	sadd.s32 s15, s16  }
0x39: {  	s18 =	sadd.s32 $0x40, s18;
	[tilespmem:s15+$0x1830 ss:$0x81] =	vst.msk $0xffff, v3  }
.Ltmp4:
0x3a: {  	_ = 	snop;
	(pc) =	sbr.rel .LBB1_4-.Ltmp4, $1  }
0x3b: {  	_ =	sdelay $0x3  }
.LBB1_6:
0x3c: {  	_ =	sfence.sel $0x180000  }
0x3d: {  	s2 =	simm.s32 $0x1;
	[bflag:$0x0] =	sbarrier.arrive $0xFFFF  }
0x3e: {  	s31 =	simm.s32 $0x2;
	[sflag:s2] =	ssyncpa.u1 $0x1  }
0x3f: {  	[sflag:s31] =	ssyncpa.u1 $0x1  }
0x40: {  	p0 =	sne.s32 s0, $0x0;
	_ =	strace $0x9000004A  }
0x41: {  	s0 =	sadd.s32 @!p0 $0x100000, s1;
	[bflag:$0x2] =	sbarrier.arrive $0xFFFF  }
0x42: {  	[sflag:s0] =	ssyncadd.tile.s32 @!p0 $0x1;
	_ =	shalt  }
.Lfunc_end1:
_tile_overlayer_lowered:
.L_overlay_start_2:
0x43: {  	(tag) =	ssettag $0x2  }
0x44: {  	s0 =	rddreg [dreg:$0x0];
	s2 =	stileid.u32  }
0x45: {  	s1 =	rddreg [dreg:$0x1];
	p0 =	sne.s32 s2, $0x0  }
0x46: {  	s3 =	rddreg [dreg:$0x2];
	[bflag:$0x3] =	sbarrier.arrive $0xFFFF;
	s2 =	simm.s32 @!p0 $0x1C01  }
0x47: {  	[timem:s3], [sflag:s2] =	dma.local @!p0 [hbm:s0], s1  }
0x48: {  	s0 =	simm.s32 @!p0 $0x1  }
0x49: {  	_ =	swait.ge @!p0 [sflag:s0], s1  }
0x4a: {  	s1 =	ssub.s32 @!p0 $0x0, s1;
	[sflag:s0] =	ssyncset.done @!p0 $0x0  }
0x4b: {  	[sflag:s0] =	ssyncadd.s32 @!p0 s1  }
0x4c: {  	[bflag:$0x3] =	sbarrier.arrive $0xFFFF  }
0x4d: {  	_ =	shalt  }

</sc_bundles>
